<compile_context>
chip_gen: v7x
topology: tpu7x:2x2x1
jax: 0.10.2.dev20260603
libtpu: 0.0.44.dev20260713+nightly
codegen_flags: <defaults>
</compile_context>

<pallas_src>
import functools

import jax
import jax.numpy as jnp
from jax import lax
from jax.experimental import pallas as pl
from jax.experimental.pallas import tpu as pltpu
from jax.experimental.pallas import tpu_sc as plsc

N = 10000
E = 320000
D = 128
NC = 2
NS = 16
NW = NC * NS
EPT = E // NW
K = 80
NCHUNK = EPT // K
N_PAD = 10240
ROWS_PT = N_PAD // NS
ZROWS = 128
CNT_SLICE = 640
CNT_PAD = NS * CNT_SLICE
LAST = NCHUNK - 1

_mesh = plsc.VectorSubcoreMesh(core_axis_name="c", subcore_axis_name="s")


def _fill_const(ref, n, value):
    vec = jnp.full((16,), value, jnp.float32)

    def body(i, _):
        ref[pl.ds(i * 16, 16)] = vec
        return 0

    lax.fori_loop(0, n // 16, body, 0)


def _ring_setup(wid, hbm):
    dst3_hbm, src3_hbm, u_hbm, v_hbm, d_all, s_all, ur2, vr2, su, sv = hbm

    def issue_gather(ci, par):
        pltpu.async_copy(u_hbm.at[d_all.at[ci]], ur2.at[par], su)
        pltpu.async_copy(v_hbm.at[s_all.at[ci]], vr2.at[par], sv)

    def prologue():
        pltpu.sync_copy(dst3_hbm.at[wid], d_all)
        pltpu.sync_copy(src3_hbm.at[wid], s_all)
        issue_gather(0, 0)

    def step(i):
        p0 = lax.rem(i, 2)
        pltpu.make_async_copy(u_hbm.at[pl.ds(0, K)], ur2.at[0], su).wait()
        pltpu.make_async_copy(v_hbm.at[pl.ds(0, K)], vr2.at[0], sv).wait()
        issue_gather(jnp.minimum(i + 1, LAST), 1 - p0)
        return p0

    def drain():
        pltpu.make_async_copy(u_hbm.at[pl.ds(0, K)], ur2.at[0], su).wait()
        pltpu.make_async_copy(v_hbm.at[pl.ds(0, K)], vr2.at[0], sv).wait()

    return prologue, step, drain


@functools.partial(
    pl.kernel,
    out_type=(
        jax.ShapeDtypeStruct((NW, 2, D), jnp.float32),
        jax.ShapeDtypeStruct((NC, NS, CNT_SLICE), jnp.float32),
    ),
    mesh=_mesh,
    scratch_types=[
        pltpu.VMEM((NCHUNK, K), jnp.int32),
        pltpu.VMEM((NCHUNK, K), jnp.int32),
        pltpu.VMEM((2, K, D), jnp.float32),
        pltpu.VMEM((2, K, D), jnp.float32),
        pltpu.VMEM((K,), jnp.float32),
        pltpu.VMEM((CNT_SLICE,), jnp.float32),
        pltpu.VMEM((2, D), jnp.float32),
        pltpu.VMEM_SHARED((CNT_PAD,), jnp.float32),
        pltpu.SemaphoreType.DMA,
        pltpu.SemaphoreType.DMA,
    ],
)
def _sc_pass1(dst3_hbm, src3_hbm, u_hbm, v_hbm, stats_hbm, cnt_hbm,
              d_all, s_all, ur2, vr2, ones, zcnt, statsb, cnt_sh, su, sv):
    cid = lax.axis_index("c")
    sid = lax.axis_index("s")
    wid = sid * NC + cid
    base = wid * EPT

    _fill_const(ones, K, 1.0)
    _fill_const(zcnt, CNT_SLICE, 0.0)
    pltpu.sync_copy(zcnt, cnt_sh.at[pl.ds(sid * CNT_SLICE, CNT_SLICE)])
    plsc.subcore_barrier()

    prologue, ring_step, drain = _ring_setup(
        wid, (dst3_hbm, src3_hbm, u_hbm, v_hbm, d_all, s_all, ur2, vr2, su, sv))
    prologue()

    zero = jnp.zeros((16,), jnp.float32)
    init = tuple([zero] * 16)

    def chunk(i, carry):
        p0 = ring_step(i)

        def edge(e2, car):
            new = list(car)
            for de in range(2):
                e = e2 * 2 + de
                for j in range(8):
                    m = (ur2[p0, e, pl.ds(j * 16, 16)]
                         + vr2[p0, e, pl.ds(j * 16, 16)])
                    new[j] = new[j] + m
                    new[8 + j] = new[8 + j] + m * m
            return tuple(new)

        carry = lax.fori_loop(0, K // 2, edge, carry)
        pltpu.sync_copy(ones, cnt_sh.at[d_all.at[i]], add=True)
        return carry

    acc = lax.fori_loop(0, NCHUNK, chunk, init)
    drain()

    for j in range(8):
        statsb[0, pl.ds(j * 16, 16)] = acc[j]
        statsb[1, pl.ds(j * 16, 16)] = acc[8 + j]
    pltpu.sync_copy(statsb, stats_hbm.at[wid])

    plsc.subcore_barrier()
    pltpu.sync_copy(cnt_sh.at[pl.ds(sid * CNT_SLICE, CNT_SLICE)],
                    cnt_hbm.at[cid, sid])


@functools.partial(
    pl.kernel,
    out_type=jax.ShapeDtypeStruct((NC, N_PAD, D), jnp.float32),
    mesh=_mesh,
    scratch_types=[
        pltpu.VMEM((2, K), jnp.int32),
        pltpu.VMEM((2, K), jnp.int32),
        pltpu.VMEM((K, D), jnp.float32),
        pltpu.VMEM((K, D), jnp.float32),
        pltpu.VMEM((2, D), jnp.float32),
        pltpu.VMEM((ZROWS, D), jnp.float32),
        pltpu.VMEM_SHARED((N_PAD, D), jnp.float32),
        pltpu.SemaphoreType.DMA,
        pltpu.SemaphoreType.DMA,
    ],
)
def _sc_pass2(dst_hbm, src_hbm, u_hbm, v_hbm, aff_hbm, out_hbm,
              d2, s2, ur, vr, afb, zb, out_sh, su, sv):
    cid = lax.axis_index("c")
    sid = lax.axis_index("s")
    base = (sid * NC + cid) * EPT

    pltpu.sync_copy(aff_hbm, afb)
    svec = [afb[0, pl.ds(j * 16, 16)] for j in range(8)]
    tvec = [afb[1, pl.ds(j * 16, 16)] for j in range(8)]

    zero = jnp.zeros((16,), jnp.float32)

    def zfill(i, _):
        zb[i // 8, pl.ds((i % 8) * 16, 16)] = zero
        return 0

    lax.fori_loop(0, ZROWS * 8, zfill, 0)
    for r in range(ROWS_PT // ZROWS):
        pltpu.sync_copy(zb, out_sh.at[pl.ds(sid * ROWS_PT + r * ZROWS, ZROWS)])
    plsc.subcore_barrier()

    def load_idx(ci, row):
        off = base + ci * K
        pltpu.sync_copy(dst_hbm.at[pl.ds(off, K)], d2.at[row])
        pltpu.sync_copy(src_hbm.at[pl.ds(off, K)], s2.at[row])

    load_idx(0, 0)
    pltpu.async_copy(v_hbm.at[s2.at[0]], vr, sv)

    def chunk(i, _):
        p0 = lax.rem(i, 2)
        pltpu.async_copy(u_hbm.at[d2.at[p0]], ur, su)
        load_idx(jnp.minimum(i + 1, LAST), 1 - p0)
        pltpu.make_async_copy(u_hbm.at[pl.ds(0, K)], ur, su).wait()
        pltpu.make_async_copy(v_hbm.at[pl.ds(0, K)], vr, sv).wait()

        def edge(e2, _):
            for de in range(2):
                e = e2 * 2 + de
                for j in range(8):
                    m = ur[e, pl.ds(j * 16, 16)] + vr[e, pl.ds(j * 16, 16)]
                    y = m * svec[j] + tvec[j]
                    ur[e, pl.ds(j * 16, 16)] = jnp.maximum(y, y * 0.3)
            return 0

        lax.fori_loop(0, K // 2, edge, 0)
        pltpu.async_copy(v_hbm.at[s2.at[1 - p0]], vr, sv)
        pltpu.sync_copy(ur, out_sh.at[d2.at[p0]], add=True)
        return 0

    lax.fori_loop(0, NCHUNK, chunk, 0)
    pltpu.make_async_copy(v_hbm.at[pl.ds(0, K)], vr, sv).wait()
    plsc.subcore_barrier()

    for r in range(ROWS_PT // ZROWS):
        rows = pl.ds(sid * ROWS_PT + r * ZROWS, ZROWS)
        pltpu.sync_copy(out_sh.at[rows], out_hbm.at[cid, rows])


def _tc_uv(x, wcomb):
    def body(x_ref, w_ref, u_ref, v_ref):
        xv = x_ref[...]
        u_ref[...] = jnp.dot(xv, w_ref[:, :D], preferred_element_type=jnp.float32)
        v_ref[...] = jnp.dot(xv, w_ref[:, D:], preferred_element_type=jnp.float32)

    return pl.pallas_call(
        body,
        out_shape=(
            jax.ShapeDtypeStruct((N, D), jnp.float32),
            jax.ShapeDtypeStruct((N, D), jnp.float32),
        ),
    )(x, wcomb)


def _tc_epilogue(partials, inv_cnt):
    def body(p_ref, i_ref, o_ref):
        o_ref[...] = (p_ref[0, :N, :] + p_ref[1, :N, :]) * i_ref[...]

    return pl.pallas_call(
        body,
        out_shape=jax.ShapeDtypeStruct((N, D), jnp.float32),
    )(partials, inv_cnt)


def kernel(feature, edge_index, W, b, gamma, beta):
    del b
    dst = edge_index[1].astype(jnp.int32)
    src = edge_index[0].astype(jnp.int32)
    dst3 = dst.reshape(NW, NCHUNK, K)
    src3 = src.reshape(NW, NCHUNK, K)

    w1 = W[:, :D]
    w2 = W[:, D:]
    wcomb = jnp.concatenate([(w1 - w2).T, w2.T], axis=1)

    u, v = _tc_uv(feature, wcomb)

    stats, cntp = _sc_pass1(dst3, src3, u, v)
    ssum = stats[:, 0, :].sum(axis=0)
    sqsum = stats[:, 1, :].sum(axis=0)
    mean = ssum / E
    var = sqsum / E - mean * mean
    scale = gamma * lax.rsqrt(var + 1e-5)
    shift = beta - mean * scale
    aff = jnp.stack([scale, shift])

    cnt = cntp.reshape(NC, CNT_PAD)[:, :N].sum(axis=0)
    inv_cnt = (1.0 / jnp.maximum(cnt, 1.0)).reshape(N, 1)

    partials = _sc_pass2(dst, src, u, v, aff)
    return _tc_epilogue(partials, inv_cnt)

# --- scband reference (transcript-rebuilt; emitter-appended) ---
"""Pipeline reference for scband-edge-conv-layer-4398046511915 (READ-ONLY COPY).

The authoritative reference and input builder live on the scoring server;
editing this copy changes nothing except your own understanding.
"""

import jax, jax.numpy as jnp
import numpy as np

N_NODES = 10000
N_EDGES = 320000
D_IN = 128
D_OUT = 128


def setup_inputs(seed: int = 0) -> dict:
    key = jax.random.key(seed)
    k1, k2, k3 = jax.random.split(key, 3)
    feature = jax.random.normal(k1, (N_NODES, D_IN), dtype=jnp.float32)
    edge_index = jax.random.randint(k2, (2, N_EDGES), 0, N_NODES)
    # Linear(2*in_dim, out_dim) params
    W = jax.random.normal(k3, (D_OUT, 2 * D_IN), dtype=jnp.float32) * (1.0 / np.sqrt(2 * D_IN))
    b = jnp.zeros((D_OUT,), dtype=jnp.float32)
    # BatchNorm1d(out_dim) affine params (training-mode batch stats)
    gamma = jnp.ones((D_OUT,), dtype=jnp.float32)
    beta = jnp.zeros((D_OUT,), dtype=jnp.float32)
    return {"feature": feature, "edge_index": edge_index, "W": W, "b": b, "gamma": gamma, "beta": beta}


def reference(feature, edge_index, W, b, gamma, beta):
    src = edge_index[0]
    dst = edge_index[1]
    # PyG EdgeConv message: nn(cat([x_i, x_j - x_i], dim=-1)), i = dst, j = src
    x_i = jnp.take(feature, dst, axis=0)
    x_j = jnp.take(feature, src, axis=0)
    msg = jnp.concatenate([x_i, x_j - x_i], axis=-1)
    # Linear
    msg = msg @ W.T + b
    # BatchNorm1d (training mode: batch statistics over edge dimension)
    mean = jnp.mean(msg, axis=0)
    var = jnp.var(msg, axis=0)
    msg = (msg - mean) / jnp.sqrt(var + 1e-5) * gamma + beta
    # LeakyReLU(negative_slope=0.3); Dropout(p=0.0) is identity
    msg = jnp.where(msg >= 0, msg, 0.3 * msg)
    # mean aggregation at destination nodes
    summed = jax.ops.segment_sum(msg, dst, num_segments=N_NODES)
    counts = jax.ops.segment_sum(jnp.ones((msg.shape[0], 1), dtype=msg.dtype), dst, num_segments=N_NODES)
    out = summed / jnp.maximum(counts, 1.0)
    return out

if __name__ == "__main__":
    import jax
    _d = setup_inputs()
    print(jax.jit(kernel)(*tuple(_d.values())))

</pallas_src>

<mosaic_0001>
#map = affine_map<(d0, d1) -> (0, 0, 0)>
#map1 = affine_map<(d0, d1) -> (0, 0)>
module attributes {stable_mosaic.version = 14 : i64} {
  func.func @_sc_pass1(%arg0: i32, %arg1: i32, %arg2: memref<32x125x80xi32, #tpu.memory_space<hbm>>, %arg3: memref<32x125x80xi32, #tpu.memory_space<hbm>>, %arg4: memref<10000x128xf32, #tpu.memory_space<hbm>>, %arg5: memref<10000x128xf32, #tpu.memory_space<hbm>>, %arg6: memref<32x2x128xf32, #tpu.memory_space<hbm>>, %arg7: memref<2x16x640xf32, #tpu.memory_space<hbm>>, %arg8: memref<125x80xi32, #tpu.memory_space<vmem>>, %arg9: memref<125x80xi32, #tpu.memory_space<vmem>>, %arg10: memref<2x80x128xf32, #tpu.memory_space<vmem>>, %arg11: memref<2x80x128xf32, #tpu.memory_space<vmem>>, %arg12: memref<80xf32, #tpu.memory_space<vmem>>, %arg13: memref<640xf32, #tpu.memory_space<vmem>>, %arg14: memref<2x128xf32, #tpu.memory_space<vmem>>, %arg15: memref<10240xf32, #tpu.memory_space<vmem_shared>>, %arg16: memref<!tpu.dma_semaphore, #tpu.memory_space<semaphore_mem>>, %arg17: memref<!tpu.dma_semaphore, #tpu.memory_space<semaphore_mem>>) attributes {dimension_semantics = [#tpu.dimension_semantics<core_parallel>, #tpu.dimension_semantics<subcore_parallel>], iteration_bounds = array<i64: 2, 16>, scalar_prefetch = 0 : i64, scratch_operands = 10 : i64, tpu.core_type = #tpu.core_type<sc_vector_subcore>, window_params = [{transform_indices = #map}, {transform_indices = #map}, {transform_indices = #map1}, {transform_indices = #map1}, {transform_indices = #map}, {transform_indices = #map}]} {
    %mul3A = arith.constant 2 : i32
    %mul3A_0 = arith.muli %arg1, %mul3A : i32
    %add3A = arith.addi %mul3A_0, %arg0 : i32
    %mul3A_1 = arith.constant 10000 : i32
    %mul3A_2 = arith.muli %add3A, %mul3A_1 : i32
    %broadcast_in_dim3A = arith.constant 1.000000e+00 : f32
    %broadcast_in_dim3A_3 = vector.broadcast %broadcast_in_dim3A : f32 to vector<16xf32>
    %scan3A = arith.constant 0 : i32
    %scan3A_4 = arith.constant 0 : i32
    %scan3A_5 = arith.constant 5 : i32
    %scan3A_6 = arith.addi %scan3A_4, %scan3A_5 : i32
    %scan3A_7 = arith.constant 1 : i32
    %scan3A_8 = scf.for %scan3A_179 = %scan3A_4 to %scan3A_6 step %scan3A_7 iter_args(%scan3A_180 = %scan3A) -> (i32)  : i32 {
      %mul3A_181 = arith.constant 16 : i32
      %mul3A_182 = arith.muli %scan3A_179, %mul3A_181 : i32
      %swap3A_183 = arith.index_cast %mul3A_182 : i32 to index
      %swap3A_184 = tpu.vector_load %arg12[%swap3A_183] {strides = array<i32>} : memref<80xf32, #tpu.memory_space<vmem>>, vector<16xf32>,
      %swap3A_185 = vector.shape_cast %swap3A_184 : vector<16xf32> to vector<16xf32>
      %swap3A_186 = vector.shape_cast %broadcast_in_dim3A_3 : vector<16xf32> to vector<16xf32>
      tpu.vector_store %arg12[%swap3A_183], %swap3A_186 {strides = array<i32>} : memref<80xf32, #tpu.memory_space<vmem>>, vector<16xf32>,
      %scan3A_187 = arith.constant 0 : i32
      scf.yield %scan3A_187 : i32
    }
    %scan3A_9 = arith.constant 5 : i32
    %broadcast_in_dim3A_10 = arith.constant 0.000000e+00 : f32
    %broadcast_in_dim3A_11 = vector.broadcast %broadcast_in_dim3A_10 : f32 to vector<16xf32>
    %scan3A_12 = arith.constant 0 : i32
    %scan3A_13 = arith.constant 0 : i32
    %scan3A_14 = arith.constant 40 : i32
    %scan3A_15 = arith.addi %scan3A_13, %scan3A_14 : i32
    %scan3A_16 = arith.constant 1 : i32
    %scan3A_17 = scf.for %scan3A_179 = %scan3A_13 to %scan3A_15 step %scan3A_16 iter_args(%scan3A_180 = %scan3A_12) -> (i32)  : i32 {
      %mul3A_181 = arith.constant 16 : i32
      %mul3A_182 = arith.muli %scan3A_179, %mul3A_181 : i32
      %swap3A_183 = arith.index_cast %mul3A_182 : i32 to index
      %swap3A_184 = tpu.vector_load %arg13[%swap3A_183] {strides = array<i32>} : memref<640xf32, #tpu.memory_space<vmem>>, vector<16xf32>,
      %swap3A_185 = vector.shape_cast %swap3A_184 : vector<16xf32> to vector<16xf32>
      %swap3A_186 = vector.shape_cast %broadcast_in_dim3A_11 : vector<16xf32> to vector<16xf32>
      tpu.vector_store %arg13[%swap3A_183], %swap3A_186 {strides = array<i32>} : memref<640xf32, #tpu.memory_space<vmem>>, vector<16xf32>,
      %scan3A_187 = arith.constant 0 : i32
      scf.yield %scan3A_187 : i32
    }
    %scan3A_18 = arith.constant 40 : i32
    %mul3A_19 = arith.constant 640 : i32
    %mul3A_20 = arith.muli %arg1, %mul3A_19 : i32
    "tpu.region"() ({
      %run_scoped3A = tpu.sem_alloc : memref<!tpu.dma_semaphore, #tpu.memory_space<semaphore_mem>>
      %dma_start3A_179 = tpu.memref_slice %arg15[%mul3A_20] : memref<10240xf32, #tpu.memory_space<vmem_shared>> -> memref<640xf32, #tpu.memory_space<vmem_shared>>
      %dma_start3A_180 = tpu.memref_slice %arg15[%mul3A_20] : memref<10240xf32, #tpu.memory_space<vmem_shared>> -> memref<640xf32, #tpu.memory_space<vmem_shared>>
      tpu.enqueue_dma source(%arg13 : memref<640xf32, #tpu.memory_space<vmem>>) target(%dma_start3A_180 : memref<640xf32, #tpu.memory_space<vmem_shared>>) target_semaphore(%run_scoped3A : memref<!tpu.dma_semaphore, #tpu.memory_space<semaphore_mem>>)
      %dma_wait3A_181 = tpu.memref_slice %arg15[%mul3A_20] : memref<10240xf32, #tpu.memory_space<vmem_shared>> -> memref<640xf32, #tpu.memory_space<vmem_shared>>
      %dma_wait3A_182 = tpu.memref_slice %arg15[%mul3A_20] : memref<10240xf32, #tpu.memory_space<vmem_shared>> -> memref<640xf32, #tpu.memory_space<vmem_shared>>
      tpu.wait_dma2 semaphore(%run_scoped3A : memref<!tpu.dma_semaphore, #tpu.memory_space<semaphore_mem>>) src(%arg13 : memref<640xf32, #tpu.memory_space<vmem>>) dst(%dma_wait3A_182 : memref<640xf32, #tpu.memory_space<vmem_shared>>)
      tpu.yield
    }) : () -> ()
    %barrier3A = arith.constant 0 : index
    tpu.barrier barrier_id(%barrier3A)
    "tpu.region"() ({
      %run_scoped3A = tpu.sem_alloc : memref<!tpu.dma_semaphore, #tpu.memory_space<semaphore_mem>>
      %dma_start3A_179 = arith.constant 0 : i32
      %dma_start3A_180 = arith.constant 0 : i32
      %dma_start3A_181 = tpu.memref_slice %arg2[%add3A, %dma_start3A_179, %dma_start3A_180] : memref<32x125x80xi32, #tpu.memory_space<hbm>> -> memref<1x125x80xi32, #tpu.memory_space<hbm>>
      %dma_start3A_182 = tpu.memref_squeeze %dma_start3A_181 : memref<1x125x80xi32, #tpu.memory_space<hbm>> -> memref<125x80xi32, #tpu.memory_space<hbm>>
      %dma_start3A_183 = arith.constant 0 : i32
      %dma_start3A_184 = arith.constant 0 : i32
      %dma_start3A_185 = tpu.memref_slice %arg2[%add3A, %dma_start3A_183, %dma_start3A_184] : memref<32x125x80xi32, #tpu.memory_space<hbm>> -> memref<1x125x80xi32, #tpu.memory_space<hbm>>
      %dma_start3A_186 = tpu.memref_squeeze %dma_start3A_185 : memref<1x125x80xi32, #tpu.memory_space<hbm>> -> memref<125x80xi32, #tpu.memory_space<hbm>>
      tpu.enqueue_dma source(%dma_start3A_186 : memref<125x80xi32, #tpu.memory_space<hbm>>) target(%arg8 : memref<125x80xi32, #tpu.memory_space<vmem>>) target_semaphore(%run_scoped3A : memref<!tpu.dma_semaphore, #tpu.memory_space<semaphore_mem>>)
      %dma_wait3A_187 = arith.constant 0 : i32
      %dma_wait3A_188 = arith.constant 0 : i32
      %dma_wait3A_189 = tpu.memref_slice %arg2[%add3A, %dma_wait3A_187, %dma_wait3A_188] : memref<32x125x80xi32, #tpu.memory_space<hbm>> -> memref<1x125x80xi32, #tpu.memory_space<hbm>>
      %dma_wait3A_190 = tpu.memref_squeeze %dma_wait3A_189 : memref<1x125x80xi32, #tpu.memory_space<hbm>> -> memref<125x80xi32, #tpu.memory_space<hbm>>
      %dma_wait3A_191 = arith.constant 0 : i32
      %dma_wait3A_192 = arith.constant 0 : i32
      %dma_wait3A_193 = tpu.memref_slice %arg2[%add3A, %dma_wait3A_191, %dma_wait3A_192] : memref<32x125x80xi32, #tpu.memory_space<hbm>> -> memref<1x125x80xi32, #tpu.memory_space<hbm>>
      %dma_wait3A_194 = tpu.memref_squeeze %dma_wait3A_193 : memref<1x125x80xi32, #tpu.memory_space<hbm>> -> memref<125x80xi32, #tpu.memory_space<hbm>>
      tpu.wait_dma2 semaphore(%run_scoped3A : memref<!tpu.dma_semaphore, #tpu.memory_space<semaphore_mem>>) src(%dma_wait3A_194 : memref<125x80xi32, #tpu.memory_space<hbm>>) dst(%arg8 : memref<125x80xi32, #tpu.memory_space<vmem>>)
      tpu.yield
    }) : () -> ()
    "tpu.region"() ({
      %run_scoped3A = tpu.sem_alloc : memref<!tpu.dma_semaphore, #tpu.memory_space<semaphore_mem>>
      %dma_start3A_179 = arith.constant 0 : i32
      %dma_start3A_180 = arith.constant 0 : i32
      %dma_start3A_181 = tpu.memref_slice %arg3[%add3A, %dma_start3A_179, %dma_start3A_180] : memref<32x125x80xi32, #tpu.memory_space<hbm>> -> memref<1x125x80xi32, #tpu.memory_space<hbm>>
      %dma_start3A_182 = tpu.memref_squeeze %dma_start3A_181 : memref<1x125x80xi32, #tpu.memory_space<hbm>> -> memref<125x80xi32, #tpu.memory_space<hbm>>
      %dma_start3A_183 = arith.constant 0 : i32
      %dma_start3A_184 = arith.constant 0 : i32
      %dma_start3A_185 = tpu.memref_slice %arg3[%add3A, %dma_start3A_183, %dma_start3A_184] : memref<32x125x80xi32, #tpu.memory_space<hbm>> -> memref<1x125x80xi32, #tpu.memory_space<hbm>>
      %dma_start3A_186 = tpu.memref_squeeze %dma_start3A_185 : memref<1x125x80xi32, #tpu.memory_space<hbm>> -> memref<125x80xi32, #tpu.memory_space<hbm>>
      tpu.enqueue_dma source(%dma_start3A_186 : memref<125x80xi32, #tpu.memory_space<hbm>>) target(%arg9 : memref<125x80xi32, #tpu.memory_space<vmem>>) target_semaphore(%run_scoped3A : memref<!tpu.dma_semaphore, #tpu.memory_space<semaphore_mem>>)
      %dma_wait3A_187 = arith.constant 0 : i32
      %dma_wait3A_188 = arith.constant 0 : i32
      %dma_wait3A_189 = tpu.memref_slice %arg3[%add3A, %dma_wait3A_187, %dma_wait3A_188] : memref<32x125x80xi32, #tpu.memory_space<hbm>> -> memref<1x125x80xi32, #tpu.memory_space<hbm>>
      %dma_wait3A_190 = tpu.memref_squeeze %dma_wait3A_189 : memref<1x125x80xi32, #tpu.memory_space<hbm>> -> memref<125x80xi32, #tpu.memory_space<hbm>>
      %dma_wait3A_191 = arith.constant 0 : i32
      %dma_wait3A_192 = arith.constant 0 : i32
      %dma_wait3A_193 = tpu.memref_slice %arg3[%add3A, %dma_wait3A_191, %dma_wait3A_192] : memref<32x125x80xi32, #tpu.memory_space<hbm>> -> memref<1x125x80xi32, #tpu.memory_space<hbm>>
      %dma_wait3A_194 = tpu.memref_squeeze %dma_wait3A_193 : memref<1x125x80xi32, #tpu.memory_space<hbm>> -> memref<125x80xi32, #tpu.memory_space<hbm>>
      tpu.wait_dma2 semaphore(%run_scoped3A : memref<!tpu.dma_semaphore, #tpu.memory_space<semaphore_mem>>) src(%dma_wait3A_194 : memref<125x80xi32, #tpu.memory_space<hbm>>) dst(%arg9 : memref<125x80xi32, #tpu.memory_space<vmem>>)
      tpu.yield
    }) : () -> ()
    %dma_start3A = arith.constant 0 : i32
    %dma_start3A_21 = arith.constant 0 : i32
    %dma_start3A_22 = arith.constant 0 : i32
    %dma_start3A_23 = arith.constant 0 : i32
    %dma_start3A_24 = tpu.memref_slice %arg10[%dma_start3A_21, %dma_start3A_22, %dma_start3A_23] : memref<2x80x128xf32, #tpu.memory_space<vmem>> -> memref<1x80x128xf32, #tpu.memory_space<vmem>>
    %dma_start3A_25 = tpu.memref_squeeze %dma_start3A_24 : memref<1x80x128xf32, #tpu.memory_space<vmem>> -> memref<80x128xf32, #tpu.memory_space<vmem>>
    %dma_start3A_26 = arith.constant 0 : i32
    %dma_start3A_27 = tpu.memref_slice %arg8[%dma_start3A, %dma_start3A_26] : memref<125x80xi32, #tpu.memory_space<vmem>> -> memref<1x80xi32, #tpu.memory_space<vmem>>
    %dma_start3A_28 = tpu.memref_squeeze %dma_start3A_27 : memref<1x80xi32, #tpu.memory_space<vmem>> -> memref<80xi32, #tpu.memory_space<vmem>>
    %dma_start3A_29 = arith.constant 0 : i32
    %dma_start3A_30 = arith.constant 0 : i32
    %dma_start3A_31 = tpu.memref_slice %arg4[%dma_start3A_29, %dma_start3A_30] : memref<10000x128xf32, #tpu.memory_space<hbm>> -> memref<10000x128xf32, #tpu.memory_space<hbm>>
    tpu.enqueue_indirect_dma source(%dma_start3A_31 : memref<10000x128xf32, #tpu.memory_space<hbm>>) target(%dma_start3A_25 : memref<80x128xf32, #tpu.memory_space<vmem>>) offsets(%dma_start3A_28 : memref<80xi32, #tpu.memory_space<vmem>>) semaphore(%arg16 : memref<!tpu.dma_semaphore, #tpu.memory_space<semaphore_mem>>)
    %dma_start3A_32 = arith.constant 0 : i32
    %dma_start3A_33 = arith.constant 0 : i32
    %dma_start3A_34 = arith.constant 0 : i32
    %dma_start3A_35 = arith.constant 0 : i32
    %dma_start3A_36 = tpu.memref_slice %arg11[%dma_start3A_33, %dma_start3A_34, %dma_start3A_35] : memref<2x80x128xf32, #tpu.memory_space<vmem>> -> memref<1x80x128xf32, #tpu.memory_space<vmem>>
    %dma_start3A_37 = tpu.memref_squeeze %dma_start3A_36 : memref<1x80x128xf32, #tpu.memory_space<vmem>> -> memref<80x128xf32, #tpu.memory_space<vmem>>
    %dma_start3A_38 = arith.constant 0 : i32
    %dma_start3A_39 = tpu.memref_slice %arg9[%dma_start3A_32, %dma_start3A_38] : memref<125x80xi32, #tpu.memory_space<vmem>> -> memref<1x80xi32, #tpu.memory_space<vmem>>
    %dma_start3A_40 = tpu.memref_squeeze %dma_start3A_39 : memref<1x80xi32, #tpu.memory_space<vmem>> -> memref<80xi32, #tpu.memory_space<vmem>>
    %dma_start3A_41 = arith.constant 0 : i32
    %dma_start3A_42 = arith.constant 0 : i32
    %dma_start3A_43 = tpu.memref_slice %arg5[%dma_start3A_41, %dma_start3A_42] : memref<10000x128xf32, #tpu.memory_space<hbm>> -> memref<10000x128xf32, #tpu.memory_space<hbm>>
    tpu.enqueue_indirect_dma source(%dma_start3A_43 : memref<10000x128xf32, #tpu.memory_space<hbm>>) target(%dma_start3A_37 : memref<80x128xf32, #tpu.memory_space<vmem>>) offsets(%dma_start3A_40 : memref<80xi32, #tpu.memory_space<vmem>>) semaphore(%arg17 : memref<!tpu.dma_semaphore, #tpu.memory_space<semaphore_mem>>)
    %broadcast_in_dim3A_44 = arith.constant 0.000000e+00 : f32
    %broadcast_in_dim3A_45 = vector.broadcast %broadcast_in_dim3A_44 : f32 to vector<16xf32>
    %scan3A_46 = arith.constant 0 : i32
    %scan3A_47 = arith.constant 125 : i32
    %scan3A_48 = arith.addi %scan3A_46, %scan3A_47 : i32
    %scan3A_49 = arith.constant 1 : i32
    %scan3A_50:16 = scf.for %scan3A_179 = %scan3A_46 to %scan3A_48 step %scan3A_49 iter_args(%scan3A_180 = %broadcast_in_dim3A_45, %scan3A_181 = %broadcast_in_dim3A_45, %scan3A_182 = %broadcast_in_dim3A_45, %scan3A_183 = %broadcast_in_dim3A_45, %scan3A_184 = %broadcast_in_dim3A_45, %scan3A_185 = %broadcast_in_dim3A_45, %scan3A_186 = %broadcast_in_dim3A_45, %scan3A_187 = %broadcast_in_dim3A_45, %scan3A_188 = %broadcast_in_dim3A_45, %scan3A_189 = %broadcast_in_dim3A_45, %scan3A_190 = %broadcast_in_dim3A_45, %scan3A_191 = %broadcast_in_dim3A_45, %scan3A_192 = %broadcast_in_dim3A_45, %scan3A_193 = %broadcast_in_dim3A_45, %scan3A_194 = %broadcast_in_dim3A_45, %scan3A_195 = %broadcast_in_dim3A_45) -> (vector<16xf32>, vector<16xf32>, vector<16xf32>, vector<16xf32>, vector<16xf32>, vector<16xf32>, vector<16xf32>, vector<16xf32>, vector<16xf32>, vector<16xf32>, vector<16xf32>, vector<16xf32>, vector<16xf32>, vector<16xf32>, vector<16xf32>, vector<16xf32>)  : i32 {
      %rem3A = arith.constant 2 : i32
      %rem3A_196 = arith.remsi %scan3A_179, %rem3A : i32
      %dma_wait3A_197 = arith.constant 0 : i32
      %dma_wait3A_198 = arith.constant 0 : i32
      %dma_wait3A_199 = arith.constant 0 : i32
      %dma_wait3A_200 = tpu.memref_slice %arg10[%dma_wait3A_197, %dma_wait3A_198, %dma_wait3A_199] : memref<2x80x128xf32, #tpu.memory_space<vmem>> -> memref<1x80x128xf32, #tpu.memory_space<vmem>>
      %dma_wait3A_201 = tpu.memref_squeeze %dma_wait3A_200 : memref<1x80x128xf32, #tpu.memory_space<vmem>> -> memref<80x128xf32, #tpu.memory_space<vmem>>
      %dma_wait3A_202 = arith.constant 0 : i32
      %dma_wait3A_203 = arith.constant 0 : i32
      %dma_wait3A_204 = tpu.memref_slice %arg4[%dma_wait3A_202, %dma_wait3A_203] : memref<10000x128xf32, #tpu.memory_space<hbm>> -> memref<80x128xf32, #tpu.memory_space<hbm>>
      %dma_wait3A_205 = arith.constant 0 : i32
      %dma_wait3A_206 = arith.constant 0 : i32
      %dma_wait3A_207 = tpu.memref_slice %arg10[%dma_wait3A_197, %dma_wait3A_205, %dma_wait3A_206] : memref<2x80x128xf32, #tpu.memory_space<vmem>> -> memref<1x80x128xf32, #tpu.memory_space<vmem>>
      %dma_wait3A_208 = tpu.memref_squeeze %dma_wait3A_207 : memref<1x80x128xf32, #tpu.memory_space<vmem>> -> memref<80x128xf32, #tpu.memory_space<vmem>>
      %dma_wait3A_209 = arith.constant 0 : i32
      %dma_wait3A_210 = arith.constant 0 : i32
      %dma_wait3A_211 = tpu.memref_slice %arg4[%dma_wait3A_209, %dma_wait3A_210] : memref<10000x128xf32, #tpu.memory_space<hbm>> -> memref<80x128xf32, #tpu.memory_space<hbm>>
      tpu.wait_dma2 semaphore(%arg16 : memref<!tpu.dma_semaphore, #tpu.memory_space<semaphore_mem>>) src(%dma_wait3A_211 : memref<80x128xf32, #tpu.memory_space<hbm>>) dst(%dma_wait3A_208 : memref<80x128xf32, #tpu.memory_space<vmem>>)
      %dma_wait3A_212 = arith.constant 0 : i32
      %dma_wait3A_213 = arith.constant 0 : i32
      %dma_wait3A_214 = arith.constant 0 : i32
      %dma_wait3A_215 = tpu.memref_slice %arg11[%dma_wait3A_212, %dma_wait3A_213, %dma_wait3A_214] : memref<2x80x128xf32, #tpu.memory_space<vmem>> -> memref<1x80x128xf32, #tpu.memory_space<vmem>>
      %dma_wait3A_216 = tpu.memref_squeeze %dma_wait3A_215 : memref<1x80x128xf32, #tpu.memory_space<vmem>> -> memref<80x128xf32, #tpu.memory_space<vmem>>
      %dma_wait3A_217 = arith.constant 0 : i32
      %dma_wait3A_218 = arith.constant 0 : i32
      %dma_wait3A_219 = tpu.memref_slice %arg5[%dma_wait3A_217, %dma_wait3A_218] : memref<10000x128xf32, #tpu.memory_space<hbm>> -> memref<80x128xf32, #tpu.memory_space<hbm>>
      %dma_wait3A_220 = arith.constant 0 : i32
      %dma_wait3A_221 = arith.constant 0 : i32
      %dma_wait3A_222 = tpu.memref_slice %arg11[%dma_wait3A_212, %dma_wait3A_220, %dma_wait3A_221] : memref<2x80x128xf32, #tpu.memory_space<vmem>> -> memref<1x80x128xf32, #tpu.memory_space<vmem>>
      %dma_wait3A_223 = tpu.memref_squeeze %dma_wait3A_222 : memref<1x80x128xf32, #tpu.memory_space<vmem>> -> memref<80x128xf32, #tpu.memory_space<vmem>>
      %dma_wait3A_224 = arith.constant 0 : i32
      %dma_wait3A_225 = arith.constant 0 : i32
      %dma_wait3A_226 = tpu.memref_slice %arg5[%dma_wait3A_224, %dma_wait3A_225] : memref<10000x128xf32, #tpu.memory_space<hbm>> -> memref<80x128xf32, #tpu.memory_space<hbm>>
      tpu.wait_dma2 semaphore(%arg17 : memref<!tpu.dma_semaphore, #tpu.memory_space<semaphore_mem>>) src(%dma_wait3A_226 : memref<80x128xf32, #tpu.memory_space<hbm>>) dst(%dma_wait3A_223 : memref<80x128xf32, #tpu.memory_space<vmem>>)
      %add3A_227 = arith.constant 1 : i32
      %add3A_228 = arith.addi %scan3A_179, %add3A_227 : i32
      %min3A = arith.constant 124 : i32
      %min3A_229 = arith.minsi %add3A_228, %min3A : i32
      %sub3A = arith.constant 1 : i32
      %sub3A_230 = arith.subi %sub3A, %rem3A_196 : i32
      %dma_start3A_231 = arith.constant 0 : i32
      %dma_start3A_232 = arith.constant 0 : i32
      %dma_start3A_233 = tpu.memref_slice %arg10[%sub3A_230, %dma_start3A_231, %dma_start3A_232] : memref<2x80x128xf32, #tpu.memory_space<vmem>> -> memref<1x80x128xf32, #tpu.memory_space<vmem>>
      %dma_start3A_234 = tpu.memref_squeeze %dma_start3A_233 : memref<1x80x128xf32, #tpu.memory_space<vmem>> -> memref<80x128xf32, #tpu.memory_space<vmem>>
      %dma_start3A_235 = arith.constant 0 : i32
      %dma_start3A_236 = tpu.memref_slice %arg8[%min3A_229, %dma_start3A_235] : memref<125x80xi32, #tpu.memory_space<vmem>> -> memref<1x80xi32, #tpu.memory_space<vmem>>
      %dma_start3A_237 = tpu.memref_squeeze %dma_start3A_236 : memref<1x80xi32, #tpu.memory_space<vmem>> -> memref<80xi32, #tpu.memory_space<vmem>>
      %dma_start3A_238 = arith.constant 0 : i32
      %dma_start3A_239 = arith.constant 0 : i32
      %dma_start3A_240 = tpu.memref_slice %arg4[%dma_start3A_238, %dma_start3A_239] : memref<10000x128xf32, #tpu.memory_space<hbm>> -> memref<10000x128xf32, #tpu.memory_space<hbm>>
      tpu.enqueue_indirect_dma source(%dma_start3A_240 : memref<10000x128xf32, #tpu.memory_space<hbm>>) target(%dma_start3A_234 : memref<80x128xf32, #tpu.memory_space<vmem>>) offsets(%dma_start3A_237 : memref<80xi32, #tpu.memory_space<vmem>>) semaphore(%arg16 : memref<!tpu.dma_semaphore, #tpu.memory_space<semaphore_mem>>)
      %dma_start3A_241 = arith.constant 0 : i32
      %dma_start3A_242 = arith.constant 0 : i32
      %dma_start3A_243 = tpu.memref_slice %arg11[%sub3A_230, %dma_start3A_241, %dma_start3A_242] : memref<2x80x128xf32, #tpu.memory_space<vmem>> -> memref<1x80x128xf32, #tpu.memory_space<vmem>>
      %dma_start3A_244 = tpu.memref_squeeze %dma_start3A_243 : memref<1x80x128xf32, #tpu.memory_space<vmem>> -> memref<80x128xf32, #tpu.memory_space<vmem>>
      %dma_start3A_245 = arith.constant 0 : i32
      %dma_start3A_246 = tpu.memref_slice %arg9[%min3A_229, %dma_start3A_245] : memref<125x80xi32, #tpu.memory_space<vmem>> -> memref<1x80xi32, #tpu.memory_space<vmem>>
      %dma_start3A_247 = tpu.memref_squeeze %dma_start3A_246 : memref<1x80xi32, #tpu.memory_space<vmem>> -> memref<80xi32, #tpu.memory_space<vmem>>
      %dma_start3A_248 = arith.constant 0 : i32
      %dma_start3A_249 = arith.constant 0 : i32
      %dma_start3A_250 = tpu.memref_slice %arg5[%dma_start3A_248, %dma_start3A_249] : memref<10000x128xf32, #tpu.memory_space<hbm>> -> memref<10000x128xf32, #tpu.memory_space<hbm>>
      tpu.enqueue_indirect_dma source(%dma_start3A_250 : memref<10000x128xf32, #tpu.memory_space<hbm>>) target(%dma_start3A_244 : memref<80x128xf32, #tpu.memory_space<vmem>>) offsets(%dma_start3A_247 : memref<80xi32, #tpu.memory_space<vmem>>) semaphore(%arg17 : memref<!tpu.dma_semaphore, #tpu.memory_space<semaphore_mem>>)
      %scan3A_251 = arith.constant 0 : i32
      %scan3A_252 = arith.constant 40 : i32
      %scan3A_253 = arith.addi %scan3A_251, %scan3A_252 : i32
      %scan3A_254 = arith.constant 1 : i32
      %scan3A_255:16 = scf.for %scan3A_257 = %scan3A_251 to %scan3A_253 step %scan3A_254 iter_args(%scan3A_258 = %scan3A_180, %scan3A_259 = %scan3A_181, %scan3A_260 = %scan3A_182, %scan3A_261 = %scan3A_183, %scan3A_262 = %scan3A_184, %scan3A_263 = %scan3A_185, %scan3A_264 = %scan3A_186, %scan3A_265 = %scan3A_187, %scan3A_266 = %scan3A_188, %scan3A_267 = %scan3A_189, %scan3A_268 = %scan3A_190, %scan3A_269 = %scan3A_191, %scan3A_270 = %scan3A_192, %scan3A_271 = %scan3A_193, %scan3A_272 = %scan3A_194, %scan3A_273 = %scan3A_195) -> (vector<16xf32>, vector<16xf32>, vector<16xf32>, vector<16xf32>, vector<16xf32>, vector<16xf32>, vector<16xf32>, vector<16xf32>, vector<16xf32>, vector<16xf32>, vector<16xf32>, vector<16xf32>, vector<16xf32>, vector<16xf32>, vector<16xf32>, vector<16xf32>)  : i32 {
        %mul3A_274 = arith.constant 2 : i32
        %mul3A_275 = arith.muli %scan3A_257, %mul3A_274 : i32
        %add3A_276 = arith.constant 0 : i32
        %add3A_277 = arith.addi %mul3A_275, %add3A_276 : i32
        %get3A = arith.index_cast %rem3A_196 : i32 to index
        %get3A_278 = arith.index_cast %add3A_277 : i32 to index
        %get3A_279 = arith.constant 0 : index
        %get3A_280 = tpu.vector_load %arg10[%get3A, %get3A_278, %get3A_279] {strides = array<i32>} : memref<2x80x128xf32, #tpu.memory_space<vmem>>, vector<1x1x16xf32>,
        %get3A_281 = vector.shape_cast %get3A_280 : vector<1x1x16xf32> to vector<16xf32>
        %get3A_282 = arith.index_cast %rem3A_196 : i32 to index
        %get3A_283 = arith.index_cast %add3A_277 : i32 to index
        %get3A_284 = arith.constant 0 : index
        %get3A_285 = tpu.vector_load %arg11[%get3A_282, %get3A_283, %get3A_284] {strides = array<i32>} : memref<2x80x128xf32, #tpu.memory_space<vmem>>, vector<1x1x16xf32>,
        %get3A_286 = vector.shape_cast %get3A_285 : vector<1x1x16xf32> to vector<16xf32>
        %add3A_287 = arith.addf %get3A_281, %get3A_286 : vector<16xf32>
        %add3A_288 = arith.addf %scan3A_258, %add3A_287 : vector<16xf32>
        %mul3A_289 = arith.mulf %add3A_287, %add3A_287 : vector<16xf32>
        %add3A_290 = arith.addf %scan3A_266, %mul3A_289 : vector<16xf32>
        %get3A_291 = arith.index_cast %rem3A_196 : i32 to index
        %get3A_292 = arith.index_cast %add3A_277 : i32 to index
        %get3A_293 = arith.constant 16 : index
        %get3A_294 = tpu.vector_load %arg10[%get3A_291, %get3A_292, %get3A_293] {strides = array<i32>} : memref<2x80x128xf32, #tpu.memory_space<vmem>>, vector<1x1x16xf32>,
        %get3A_295 = vector.shape_cast %get3A_294 : vector<1x1x16xf32> to vector<16xf32>
        %get3A_296 = arith.index_cast %rem3A_196 : i32 to index
        %get3A_297 = arith.index_cast %add3A_277 : i32 to index
        %get3A_298 = arith.constant 16 : index
        %get3A_299 = tpu.vector_load %arg11[%get3A_296, %get3A_297, %get3A_298] {strides = array<i32>} : memref<2x80x128xf32, #tpu.memory_space<vmem>>, vector<1x1x16xf32>,
        %get3A_300 = vector.shape_cast %get3A_299 : vector<1x1x16xf32> to vector<16xf32>
        %add3A_301 = arith.addf %get3A_295, %get3A_300 : vector<16xf32>
        %add3A_302 = arith.addf %scan3A_259, %add3A_301 : vector<16xf32>
        %mul3A_303 = arith.mulf %add3A_301, %add3A_301 : vector<16xf32>
        %add3A_304 = arith.addf %scan3A_267, %mul3A_303 : vector<16xf32>
        %get3A_305 = arith.index_cast %rem3A_196 : i32 to index
        %get3A_306 = arith.index_cast %add3A_277 : i32 to index
        %get3A_307 = arith.constant 32 : index
        %get3A_308 = tpu.vector_load %arg10[%get3A_305, %get3A_306, %get3A_307] {strides = array<i32>} : memref<2x80x128xf32, #tpu.memory_space<vmem>>, vector<1x1x16xf32>,
        %get3A_309 = vector.shape_cast %get3A_308 : vector<1x1x16xf32> to vector<16xf32>
        %get3A_310 = arith.index_cast %rem3A_196 : i32 to index
        %get3A_311 = arith.index_cast %add3A_277 : i32 to index
        %get3A_312 = arith.constant 32 : index
        %get3A_313 = tpu.vector_load %arg11[%get3A_310, %get3A_311, %get3A_312] {strides = array<i32>} : memref<2x80x128xf32, #tpu.memory_space<vmem>>, vector<1x1x16xf32>,
        %get3A_314 = vector.shape_cast %get3A_313 : vector<1x1x16xf32> to vector<16xf32>
        %add3A_315 = arith.addf %get3A_309, %get3A_314 : vector<16xf32>
        %add3A_316 = arith.addf %scan3A_260, %add3A_315 : vector<16xf32>
        %mul3A_317 = arith.mulf %add3A_315, %add3A_315 : vector<16xf32>
        %add3A_318 = arith.addf %scan3A_268, %mul3A_317 : vector<16xf32>
        %get3A_319 = arith.index_cast %rem3A_196 : i32 to index
        %get3A_320 = arith.index_cast %add3A_277 : i32 to index
        %get3A_321 = arith.constant 48 : index
        %get3A_322 = tpu.vector_load %arg10[%get3A_319, %get3A_320, %get3A_321] {strides = array<i32>} : memref<2x80x128xf32, #tpu.memory_space<vmem>>, vector<1x1x16xf32>,
        %get3A_323 = vector.shape_cast %get3A_322 : vector<1x1x16xf32> to vector<16xf32>
        %get3A_324 = arith.index_cast %rem3A_196 : i32 to index
        %get3A_325 = arith.index_cast %add3A_277 : i32 to index
        %get3A_326 = arith.constant 48 : index
        %get3A_327 = tpu.vector_load %arg11[%get3A_324, %get3A_325, %get3A_326] {strides = array<i32>} : memref<2x80x128xf32, #tpu.memory_space<vmem>>, vector<1x1x16xf32>,
        %get3A_328 = vector.shape_cast %get3A_327 : vector<1x1x16xf32> to vector<16xf32>
        %add3A_329 = arith.addf %get3A_323, %get3A_328 : vector<16xf32>
        %add3A_330 = arith.addf %scan3A_261, %add3A_329 : vector<16xf32>
        %mul3A_331 = arith.mulf %add3A_329, %add3A_329 : vector<16xf32>
        %add3A_332 = arith.addf %scan3A_269, %mul3A_331 : vector<16xf32>
        %get3A_333 = arith.index_cast %rem3A_196 : i32 to index
        %get3A_334 = arith.index_cast %add3A_277 : i32 to index
        %get3A_335 = arith.constant 64 : index
        %get3A_336 = tpu.vector_load %arg10[%get3A_333, %get3A_334, %get3A_335] {strides = array<i32>} : memref<2x80x128xf32, #tpu.memory_space<vmem>>, vector<1x1x16xf32>,
        %get3A_337 = vector.shape_cast %get3A_336 : vector<1x1x16xf32> to vector<16xf32>
        %get3A_338 = arith.index_cast %rem3A_196 : i32 to index
        %get3A_339 = arith.index_cast %add3A_277 : i32 to index
        %get3A_340 = arith.constant 64 : index
        %get3A_341 = tpu.vector_load %arg11[%get3A_338, %get3A_339, %get3A_340] {strides = array<i32>} : memref<2x80x128xf32, #tpu.memory_space<vmem>>, vector<1x1x16xf32>,
        %get3A_342 = vector.shape_cast %get3A_341 : vector<1x1x16xf32> to vector<16xf32>
        %add3A_343 = arith.addf %get3A_337, %get3A_342 : vector<16xf32>
        %add3A_344 = arith.addf %scan3A_262, %add3A_343 : vector<16xf32>
        %mul3A_345 = arith.mulf %add3A_343, %add3A_343 : vector<16xf32>
        %add3A_346 = arith.addf %scan3A_270, %mul3A_345 : vector<16xf32>
        %get3A_347 = arith.index_cast %rem3A_196 : i32 to index
        %get3A_348 = arith.index_cast %add3A_277 : i32 to index
        %get3A_349 = arith.constant 80 : index
        %get3A_350 = tpu.vector_load %arg10[%get3A_347, %get3A_348, %get3A_349] {strides = array<i32>} : memref<2x80x128xf32, #tpu.memory_space<vmem>>, vector<1x1x16xf32>,
        %get3A_351 = vector.shape_cast %get3A_350 : vector<1x1x16xf32> to vector<16xf32>
        %get3A_352 = arith.index_cast %rem3A_196 : i32 to index
        %get3A_353 = arith.index_cast %add3A_277 : i32 to index
        %get3A_354 = arith.constant 80 : index
        %get3A_355 = tpu.vector_load %arg11[%get3A_352, %get3A_353, %get3A_354] {strides = array<i32>} : memref<2x80x128xf32, #tpu.memory_space<vmem>>, vector<1x1x16xf32>,
        %get3A_356 = vector.shape_cast %get3A_355 : vector<1x1x16xf32> to vector<16xf32>
        %add3A_357 = arith.addf %get3A_351, %get3A_356 : vector<16xf32>
        %add3A_358 = arith.addf %scan3A_263, %add3A_357 : vector<16xf32>
        %mul3A_359 = arith.mulf %add3A_357, %add3A_357 : vector<16xf32>
        %add3A_360 = arith.addf %scan3A_271, %mul3A_359 : vector<16xf32>
        %get3A_361 = arith.index_cast %rem3A_196 : i32 to index
        %get3A_362 = arith.index_cast %add3A_277 : i32 to index
        %get3A_363 = arith.constant 96 : index
        %get3A_364 = tpu.vector_load %arg10[%get3A_361, %get3A_362, %get3A_363] {strides = array<i32>} : memref<2x80x128xf32, #tpu.memory_space<vmem>>, vector<1x1x16xf32>,
        %get3A_365 = vector.shape_cast %get3A_364 : vector<1x1x16xf32> to vector<16xf32>
        %get3A_366 = arith.index_cast %rem3A_196 : i32 to index
        %get3A_367 = arith.index_cast %add3A_277 : i32 to index
        %get3A_368 = arith.constant 96 : index
        %get3A_369 = tpu.vector_load %arg11[%get3A_366, %get3A_367, %get3A_368] {strides = array<i32>} : memref<2x80x128xf32, #tpu.memory_space<vmem>>, vector<1x1x16xf32>,
        %get3A_370 = vector.shape_cast %get3A_369 : vector<1x1x16xf32> to vector<16xf32>
        %add3A_371 = arith.addf %get3A_365, %get3A_370 : vector<16xf32>
        %add3A_372 = arith.addf %scan3A_264, %add3A_371 : vector<16xf32>
        %mul3A_373 = arith.mulf %add3A_371, %add3A_371 : vector<16xf32>
        %add3A_374 = arith.addf %scan3A_272, %mul3A_373 : vector<16xf32>
        %get3A_375 = arith.index_cast %rem3A_196 : i32 to index
        %get3A_376 = arith.index_cast %add3A_277 : i32 to index
        %get3A_377 = arith.constant 112 : index
        %get3A_378 = tpu.vector_load %arg10[%get3A_375, %get3A_376, %get3A_377] {strides = array<i32>} : memref<2x80x128xf32, #tpu.memory_space<vmem>>, vector<1x1x16xf32>,
        %get3A_379 = vector.shape_cast %get3A_378 : vector<1x1x16xf32> to vector<16xf32>
        %get3A_380 = arith.index_cast %rem3A_196 : i32 to index
        %get3A_381 = arith.index_cast %add3A_277 : i32 to index
        %get3A_382 = arith.constant 112 : index
        %get3A_383 = tpu.vector_load %arg11[%get3A_380, %get3A_381, %get3A_382] {strides = array<i32>} : memref<2x80x128xf32, #tpu.memory_space<vmem>>, vector<1x1x16xf32>,
        %get3A_384 = vector.shape_cast %get3A_383 : vector<1x1x16xf32> to vector<16xf32>
        %add3A_385 = arith.addf %get3A_379, %get3A_384 : vector<16xf32>
        %add3A_386 = arith.addf %scan3A_265, %add3A_385 : vector<16xf32>
        %mul3A_387 = arith.mulf %add3A_385, %add3A_385 : vector<16xf32>
        %add3A_388 = arith.addf %scan3A_273, %mul3A_387 : vector<16xf32>
        %mul3A_389 = arith.constant 2 : i32
        %mul3A_390 = arith.muli %scan3A_257, %mul3A_389 : i32
        %add3A_391 = arith.constant 1 : i32
        %add3A_392 = arith.addi %mul3A_390, %add3A_391 : i32
        %get3A_393 = arith.index_cast %rem3A_196 : i32 to index
        %get3A_394 = arith.index_cast %add3A_392 : i32 to index
        %get3A_395 = arith.constant 0 : index
        %get3A_396 = tpu.vector_load %arg10[%get3A_393, %get3A_394, %get3A_395] {strides = array<i32>} : memref<2x80x128xf32, #tpu.memory_space<vmem>>, vector<1x1x16xf32>,
        %get3A_397 = vector.shape_cast %get3A_396 : vector<1x1x16xf32> to vector<16xf32>
        %get3A_398 = arith.index_cast %rem3A_196 : i32 to index
        %get3A_399 = arith.index_cast %add3A_392 : i32 to index
        %get3A_400 = arith.constant 0 : index
        %get3A_401 = tpu.vector_load %arg11[%get3A_398, %get3A_399, %get3A_400] {strides = array<i32>} : memref<2x80x128xf32, #tpu.memory_space<vmem>>, vector<1x1x16xf32>,
        %get3A_402 = vector.shape_cast %get3A_401 : vector<1x1x16xf32> to vector<16xf32>
        %add3A_403 = arith.addf %get3A_397, %get3A_402 : vector<16xf32>
        %add3A_404 = arith.addf %add3A_288, %add3A_403 : vector<16xf32>
        %mul3A_405 = arith.mulf %add3A_403, %add3A_403 : vector<16xf32>
        %add3A_406 = arith.addf %add3A_290, %mul3A_405 : vector<16xf32>
        %get3A_407 = arith.index_cast %rem3A_196 : i32 to index
        %get3A_408 = arith.index_cast %add3A_392 : i32 to index
        %get3A_409 = arith.constant 16 : index
        %get3A_410 = tpu.vector_load %arg10[%get3A_407, %get3A_408, %get3A_409] {strides = array<i32>} : memref<2x80x128xf32, #tpu.memory_space<vmem>>, vector<1x1x16xf32>,
        %get3A_411 = vector.shape_cast %get3A_410 : vector<1x1x16xf32> to vector<16xf32>
        %get3A_412 = arith.index_cast %rem3A_196 : i32 to index
        %get3A_413 = arith.index_cast %add3A_392 : i32 to index
        %get3A_414 = arith.constant 16 : index
        %get3A_415 = tpu.vector_load %arg11[%get3A_412, %get3A_413, %get3A_414] {strides = array<i32>} : memref<2x80x128xf32, #tpu.memory_space<vmem>>, vector<1x1x16xf32>,
        %get3A_416 = vector.shape_cast %get3A_415 : vector<1x1x16xf32> to vector<16xf32>
        %add3A_417 = arith.addf %get3A_411, %get3A_416 : vector<16xf32>
        %add3A_418 = arith.addf %add3A_302, %add3A_417 : vector<16xf32>
        %mul3A_419 = arith.mulf %add3A_417, %add3A_417 : vector<16xf32>
        %add3A_420 = arith.addf %add3A_304, %mul3A_419 : vector<16xf32>
        %get3A_421 = arith.index_cast %rem3A_196 : i32 to index
        %get3A_422 = arith.index_cast %add3A_392 : i32 to index
        %get3A_423 = arith.constant 32 : index
        %get3A_424 = tpu.vector_load %arg10[%get3A_421, %get3A_422, %get3A_423] {strides = array<i32>} : memref<2x80x128xf32, #tpu.memory_space<vmem>>, vector<1x1x16xf32>,
        %get3A_425 = vector.shape_cast %get3A_424 : vector<1x1x16xf32> to vector<16xf32>
        %get3A_426 = arith.index_cast %rem3A_196 : i32 to index
        %get3A_427 = arith.index_cast %add3A_392 : i32 to index
        %get3A_428 = arith.constant 32 : index
        %get3A_429 = tpu.vector_load %arg11[%get3A_426, %get3A_427, %get3A_428] {strides = array<i32>} : memref<2x80x128xf32, #tpu.memory_space<vmem>>, vector<1x1x16xf32>,
        %get3A_430 = vector.shape_cast %get3A_429 : vector<1x1x16xf32> to vector<16xf32>
        %add3A_431 = arith.addf %get3A_425, %get3A_430 : vector<16xf32>
        %add3A_432 = arith.addf %add3A_316, %add3A_431 : vector<16xf32>
        %mul3A_433 = arith.mulf %add3A_431, %add3A_431 : vector<16xf32>
        %add3A_434 = arith.addf %add3A_318, %mul3A_433 : vector<16xf32>
        %get3A_435 = arith.index_cast %rem3A_196 : i32 to index
        %get3A_436 = arith.index_cast %add3A_392 : i32 to index
        %get3A_437 = arith.constant 48 : index
        %get3A_438 = tpu.vector_load %arg10[%get3A_435, %get3A_436, %get3A_437] {strides = array<i32>} : memref<2x80x128xf32, #tpu.memory_space<vmem>>, vector<1x1x16xf32>,
        %get3A_439 = vector.shape_cast %get3A_438 : vector<1x1x16xf32> to vector<16xf32>
        %get3A_440 = arith.index_cast %rem3A_196 : i32 to index
        %get3A_441 = arith.index_cast %add3A_392 : i32 to index
        %get3A_442 = arith.constant 48 : index
        %get3A_443 = tpu.vector_load %arg11[%get3A_440, %get3A_441, %get3A_442] {strides = array<i32>} : memref<2x80x128xf32, #tpu.memory_space<vmem>>, vector<1x1x16xf32>,
        %get3A_444 = vector.shape_cast %get3A_443 : vector<1x1x16xf32> to vector<16xf32>
        %add3A_445 = arith.addf %get3A_439, %get3A_444 : vector<16xf32>
        %add3A_446 = arith.addf %add3A_330, %add3A_445 : vector<16xf32>
        %mul3A_447 = arith.mulf %add3A_445, %add3A_445 : vector<16xf32>
        %add3A_448 = arith.addf %add3A_332, %mul3A_447 : vector<16xf32>
        %get3A_449 = arith.index_cast %rem3A_196 : i32 to index
        %get3A_450 = arith.index_cast %add3A_392 : i32 to index
        %get3A_451 = arith.constant 64 : index
        %get3A_452 = tpu.vector_load %arg10[%get3A_449, %get3A_450, %get3A_451] {strides = array<i32>} : memref<2x80x128xf32, #tpu.memory_space<vmem>>, vector<1x1x16xf32>,
        %get3A_453 = vector.shape_cast %get3A_452 : vector<1x1x16xf32> to vector<16xf32>
        %get3A_454 = arith.index_cast %rem3A_196 : i32 to index
        %get3A_455 = arith.index_cast %add3A_392 : i32 to index
        %get3A_456 = arith.constant 64 : index
        %get3A_457 = tpu.vector_load %arg11[%get3A_454, %get3A_455, %get3A_456] {strides = array<i32>} : memref<2x80x128xf32, #tpu.memory_space<vmem>>, vector<1x1x16xf32>,
        %get3A_458 = vector.shape_cast %get3A_457 : vector<1x1x16xf32> to vector<16xf32>
        %add3A_459 = arith.addf %get3A_453, %get3A_458 : vector<16xf32>
        %add3A_460 = arith.addf %add3A_344, %add3A_459 : vector<16xf32>
        %mul3A_461 = arith.mulf %add3A_459, %add3A_459 : vector<16xf32>
        %add3A_462 = arith.addf %add3A_346, %mul3A_461 : vector<16xf32>
        %get3A_463 = arith.index_cast %rem3A_196 : i32 to index
        %get3A_464 = arith.index_cast %add3A_392 : i32 to index
        %get3A_465 = arith.constant 80 : index
        %get3A_466 = tpu.vector_load %arg10[%get3A_463, %get3A_464, %get3A_465] {strides = array<i32>} : memref<2x80x128xf32, #tpu.memory_space<vmem>>, vector<1x1x16xf32>,
        %get3A_467 = vector.shape_cast %get3A_466 : vector<1x1x16xf32> to vector<16xf32>
        %get3A_468 = arith.index_cast %rem3A_196 : i32 to index
        %get3A_469 = arith.index_cast %add3A_392 : i32 to index
        %get3A_470 = arith.constant 80 : index
        %get3A_471 = tpu.vector_load %arg11[%get3A_468, %get3A_469, %get3A_470] {strides = array<i32>} : memref<2x80x128xf32, #tpu.memory_space<vmem>>, vector<1x1x16xf32>,
        %get3A_472 = vector.shape_cast %get3A_471 : vector<1x1x16xf32> to vector<16xf32>
        %add3A_473 = arith.addf %get3A_467, %get3A_472 : vector<16xf32>
        %add3A_474 = arith.addf %add3A_358, %add3A_473 : vector<16xf32>
        %mul3A_475 = arith.mulf %add3A_473, %add3A_473 : vector<16xf32>
        %add3A_476 = arith.addf %add3A_360, %mul3A_475 : vector<16xf32>
        %get3A_477 = arith.index_cast %rem3A_196 : i32 to index
        %get3A_478 = arith.index_cast %add3A_392 : i32 to index
        %get3A_479 = arith.constant 96 : index
        %get3A_480 = tpu.vector_load %arg10[%get3A_477, %get3A_478, %get3A_479] {strides = array<i32>} : memref<2x80x128xf32, #tpu.memory_space<vmem>>, vector<1x1x16xf32>,
        %get3A_481 = vector.shape_cast %get3A_480 : vector<1x1x16xf32> to vector<16xf32>
        %get3A_482 = arith.index_cast %rem3A_196 : i32 to index
        %get3A_483 = arith.index_cast %add3A_392 : i32 to index
        %get3A_484 = arith.constant 96 : index
        %get3A_485 = tpu.vector_load %arg11[%get3A_482, %get3A_483, %get3A_484] {strides = array<i32>} : memref<2x80x128xf32, #tpu.memory_space<vmem>>, vector<1x1x16xf32>,
        %get3A_486 = vector.shape_cast %get3A_485 : vector<1x1x16xf32> to vector<16xf32>
        %add3A_487 = arith.addf %get3A_481, %get3A_486 : vector<16xf32>
        %add3A_488 = arith.addf %add3A_372, %add3A_487 : vector<16xf32>
        %mul3A_489 = arith.mulf %add3A_487, %add3A_487 : vector<16xf32>
        %add3A_490 = arith.addf %add3A_374, %mul3A_489 : vector<16xf32>
        %get3A_491 = arith.index_cast %rem3A_196 : i32 to index
        %get3A_492 = arith.index_cast %add3A_392 : i32 to index
        %get3A_493 = arith.constant 112 : index
        %get3A_494 = tpu.vector_load %arg10[%get3A_491, %get3A_492, %get3A_493] {strides = array<i32>} : memref<2x80x128xf32, #tpu.memory_space<vmem>>, vector<1x1x16xf32>,
        %get3A_495 = vector.shape_cast %get3A_494 : vector<1x1x16xf32> to vector<16xf32>
        %get3A_496 = arith.index_cast %rem3A_196 : i32 to index
        %get3A_497 = arith.index_cast %add3A_392 : i32 to index
        %get3A_498 = arith.constant 112 : index
        %get3A_499 = tpu.vector_load %arg11[%get3A_496, %get3A_497, %get3A_498] {strides = array<i32>} : memref<2x80x128xf32, #tpu.memory_space<vmem>>, vector<1x1x16xf32>,
        %get3A_500 = vector.shape_cast %get3A_499 : vector<1x1x16xf32> to vector<16xf32>
        %add3A_501 = arith.addf %get3A_495, %get3A_500 : vector<16xf32>
        %add3A_502 = arith.addf %add3A_386, %add3A_501 : vector<16xf32>
        %mul3A_503 = arith.mulf %add3A_501, %add3A_501 : vector<16xf32>
        %add3A_504 = arith.addf %add3A_388, %mul3A_503 : vector<16xf32>
        scf.yield %add3A_404, %add3A_418, %add3A_432, %add3A_446, %add3A_460, %add3A_474, %add3A_488, %add3A_502, %add3A_406, %add3A_420, %add3A_434, %add3A_448, %add3A_462, %add3A_476, %add3A_490, %add3A_504 : vector<16xf32>, vector<16xf32>, vector<16xf32>, vector<16xf32>, vector<16xf32>, vector<16xf32>, vector<16xf32>, vector<16xf32>, vector<16xf32>, vector<16xf32>, vector<16xf32>, vector<16xf32>, vector<16xf32>, vector<16xf32>, vector<16xf32>, vector<16xf32>
      }
      %scan3A_256 = arith.constant 40 : i32
      "tpu.region"() ({
        %run_scoped3A = tpu.sem_alloc : memref<!tpu.dma_semaphore, #tpu.memory_space<semaphore_mem>>
        %dma_start3A_257 = arith.constant 0 : i32
        %dma_start3A_258 = tpu.memref_slice %arg8[%scan3A_179, %dma_start3A_257] : memref<125x80xi32, #tpu.memory_space<vmem>> -> memref<1x80xi32, #tpu.memory_space<vmem>>
        %dma_start3A_259 = tpu.memref_squeeze %dma_start3A_258 : memref<1x80xi32, #tpu.memory_space<vmem>> -> memref<80xi32, #tpu.memory_space<vmem>>
        %dma_start3A_260 = arith.constant 0 : i32
        %dma_start3A_261 = tpu.memref_slice %arg15[%dma_start3A_260] : memref<10240xf32, #tpu.memory_space<vmem_shared>> -> memref<10240xf32, #tpu.memory_space<vmem_shared>>
        tpu.enqueue_indirect_dma source(%arg12 : memref<80xf32, #tpu.memory_space<vmem>>) target(%dma_start3A_261 : memref<10240xf32, #tpu.memory_space<vmem_shared>>) offsets(%dma_start3A_259 : memref<80xi32, #tpu.memory_space<vmem>>) semaphore(%run_scoped3A : memref<!tpu.dma_semaphore, #tpu.memory_space<semaphore_mem>>) {add = true}
        %dma_wait3A_262 = arith.constant 0 : i32
        %dma_wait3A_263 = tpu.memref_slice %arg8[%scan3A_179, %dma_wait3A_262] : memref<125x80xi32, #tpu.memory_space<vmem>> -> memref<1x80xi32, #tpu.memory_space<vmem>>
        %dma_wait3A_264 = tpu.memref_squeeze %dma_wait3A_263 : memref<1x80xi32, #tpu.memory_space<vmem>> -> memref<80xi32, #tpu.memory_space<vmem>>
        %dma_wait3A_265 = arith.constant 0 : i32
        %dma_wait3A_266 = tpu.memref_slice %arg15[%dma_wait3A_265] : memref<10240xf32, #tpu.memory_space<vmem_shared>> -> memref<10240xf32, #tpu.memory_space<vmem_shared>>
        tpu.wait_indirect_dma semaphore(%run_scoped3A : memref<!tpu.dma_semaphore, #tpu.memory_space<semaphore_mem>>) src(%arg12 : memref<80xf32, #tpu.memory_space<vmem>>) dst(%dma_wait3A_266 : memref<10240xf32, #tpu.memory_space<vmem_shared>>)
        tpu.yield
      }) : () -> ()
      scf.yield %scan3A_255#0, %scan3A_255#1, %scan3A_255#2, %scan3A_255#3, %scan3A_255#4, %scan3A_255#5, %scan3A_255#6, %scan3A_255#7, %scan3A_255#8, %scan3A_255#9, %scan3A_255#10, %scan3A_255#11, %scan3A_255#12, %scan3A_255#13, %scan3A_255#14, %scan3A_255#15 : vector<16xf32>, vector<16xf32>, vector<16xf32>, vector<16xf32>, vector<16xf32>, vector<16xf32>, vector<16xf32>, vector<16xf32>, vector<16xf32>, vector<16xf32>, vector<16xf32>, vector<16xf32>, vector<16xf32>, vector<16xf32>, vector<16xf32>, vector<16xf32>
    }
    %scan3A_51 = arith.constant 125 : i32
    %dma_wait3A = arith.constant 0 : i32
    %dma_wait3A_52 = arith.constant 0 : i32
    %dma_wait3A_53 = arith.constant 0 : i32
    %dma_wait3A_54 = tpu.memref_slice %arg10[%dma_wait3A, %dma_wait3A_52, %dma_wait3A_53] : memref<2x80x128xf32, #tpu.memory_space<vmem>> -> memref<1x80x128xf32, #tpu.memory_space<vmem>>
    %dma_wait3A_55 = tpu.memref_squeeze %dma_wait3A_54 : memref<1x80x128xf32, #tpu.memory_space<vmem>> -> memref<80x128xf32, #tpu.memory_space<vmem>>
    %dma_wait3A_56 = arith.constant 0 : i32
    %dma_wait3A_57 = arith.constant 0 : i32
    %dma_wait3A_58 = tpu.memref_slice %arg4[%dma_wait3A_56, %dma_wait3A_57] : memref<10000x128xf32, #tpu.memory_space<hbm>> -> memref<80x128xf32, #tpu.memory_space<hbm>>
    %dma_wait3A_59 = arith.constant 0 : i32
    %dma_wait3A_60 = arith.constant 0 : i32
    %dma_wait3A_61 = tpu.memref_slice %arg10[%dma_wait3A, %dma_wait3A_59, %dma_wait3A_60] : memref<2x80x128xf32, #tpu.memory_space<vmem>> -> memref<1x80x128xf32, #tpu.memory_space<vmem>>
    %dma_wait3A_62 = tpu.memref_squeeze %dma_wait3A_61 : memref<1x80x128xf32, #tpu.memory_space<vmem>> -> memref<80x128xf32, #tpu.memory_space<vmem>>
    %dma_wait3A_63 = arith.constant 0 : i32
    %dma_wait3A_64 = arith.constant 0 : i32
    %dma_wait3A_65 = tpu.memref_slice %arg4[%dma_wait3A_63, %dma_wait3A_64] : memref<10000x128xf32, #tpu.memory_space<hbm>> -> memref<80x128xf32, #tpu.memory_space<hbm>>
    tpu.wait_dma2 semaphore(%arg16 : memref<!tpu.dma_semaphore, #tpu.memory_space<semaphore_mem>>) src(%dma_wait3A_65 : memref<80x128xf32, #tpu.memory_space<hbm>>) dst(%dma_wait3A_62 : memref<80x128xf32, #tpu.memory_space<vmem>>)
    %dma_wait3A_66 = arith.constant 0 : i32
    %dma_wait3A_67 = arith.constant 0 : i32
    %dma_wait3A_68 = arith.constant 0 : i32
    %dma_wait3A_69 = tpu.memref_slice %arg11[%dma_wait3A_66, %dma_wait3A_67, %dma_wait3A_68] : memref<2x80x128xf32, #tpu.memory_space<vmem>> -> memref<1x80x128xf32, #tpu.memory_space<vmem>>
    %dma_wait3A_70 = tpu.memref_squeeze %dma_wait3A_69 : memref<1x80x128xf32, #tpu.memory_space<vmem>> -> memref<80x128xf32, #tpu.memory_space<vmem>>
    %dma_wait3A_71 = arith.constant 0 : i32
    %dma_wait3A_72 = arith.constant 0 : i32
    %dma_wait3A_73 = tpu.memref_slice %arg5[%dma_wait3A_71, %dma_wait3A_72] : memref<10000x128xf32, #tpu.memory_space<hbm>> -> memref<80x128xf32, #tpu.memory_space<hbm>>
    %dma_wait3A_74 = arith.constant 0 : i32
    %dma_wait3A_75 = arith.constant 0 : i32
    %dma_wait3A_76 = tpu.memref_slice %arg11[%dma_wait3A_66, %dma_wait3A_74, %dma_wait3A_75] : memref<2x80x128xf32, #tpu.memory_space<vmem>> -> memref<1x80x128xf32, #tpu.memory_space<vmem>>
    %dma_wait3A_77 = tpu.memref_squeeze %dma_wait3A_76 : memref<1x80x128xf32, #tpu.memory_space<vmem>> -> memref<80x128xf32, #tpu.memory_space<vmem>>
    %dma_wait3A_78 = arith.constant 0 : i32
    %dma_wait3A_79 = arith.constant 0 : i32
    %dma_wait3A_80 = tpu.memref_slice %arg5[%dma_wait3A_78, %dma_wait3A_79] : memref<10000x128xf32, #tpu.memory_space<hbm>> -> memref<80x128xf32, #tpu.memory_space<hbm>>
    tpu.wait_dma2 semaphore(%arg17 : memref<!tpu.dma_semaphore, #tpu.memory_space<semaphore_mem>>) src(%dma_wait3A_80 : memref<80x128xf32, #tpu.memory_space<hbm>>) dst(%dma_wait3A_77 : memref<80x128xf32, #tpu.memory_space<vmem>>)
    %swap3A = arith.constant 0 : i32
    %swap3A_81 = arith.index_cast %swap3A : i32 to index
    %swap3A_82 = arith.constant 0 : index
    %swap3A_83 = tpu.vector_load %arg14[%swap3A_81, %swap3A_82] {strides = array<i32>} : memref<2x128xf32, #tpu.memory_space<vmem>>, vector<1x16xf32>,
    %swap3A_84 = vector.shape_cast %swap3A_83 : vector<1x16xf32> to vector<16xf32>
    %swap3A_85 = vector.shape_cast %scan3A_50#0 : vector<16xf32> to vector<1x16xf32>
    tpu.vector_store %arg14[%swap3A_81, %swap3A_82], %swap3A_85 {strides = array<i32>} : memref<2x128xf32, #tpu.memory_space<vmem>>, vector<1x16xf32>,
    %swap3A_86 = arith.constant 1 : i32
    %swap3A_87 = arith.index_cast %swap3A_86 : i32 to index
    %swap3A_88 = arith.constant 0 : index
    %swap3A_89 = tpu.vector_load %arg14[%swap3A_87, %swap3A_88] {strides = array<i32>} : memref<2x128xf32, #tpu.memory_space<vmem>>, vector<1x16xf32>,
    %swap3A_90 = vector.shape_cast %swap3A_89 : vector<1x16xf32> to vector<16xf32>
    %swap3A_91 = vector.shape_cast %scan3A_50#8 : vector<16xf32> to vector<1x16xf32>
    tpu.vector_store %arg14[%swap3A_87, %swap3A_88], %swap3A_91 {strides = array<i32>} : memref<2x128xf32, #tpu.memory_space<vmem>>, vector<1x16xf32>,
    %swap3A_92 = arith.constant 0 : i32
    %swap3A_93 = arith.index_cast %swap3A_92 : i32 to index
    %swap3A_94 = arith.constant 16 : index
    %swap3A_95 = tpu.vector_load %arg14[%swap3A_93, %swap3A_94] {strides = array<i32>} : memref<2x128xf32, #tpu.memory_space<vmem>>, vector<1x16xf32>,
    %swap3A_96 = vector.shape_cast %swap3A_95 : vector<1x16xf32> to vector<16xf32>
    %swap3A_97 = vector.shape_cast %scan3A_50#1 : vector<16xf32> to vector<1x16xf32>
    tpu.vector_store %arg14[%swap3A_93, %swap3A_94], %swap3A_97 {strides = array<i32>} : memref<2x128xf32, #tpu.memory_space<vmem>>, vector<1x16xf32>,
    %swap3A_98 = arith.constant 1 : i32
    %swap3A_99 = arith.index_cast %swap3A_98 : i32 to index
    %swap3A_100 = arith.constant 16 : index
    %swap3A_101 = tpu.vector_load %arg14[%swap3A_99, %swap3A_100] {strides = array<i32>} : memref<2x128xf32, #tpu.memory_space<vmem>>, vector<1x16xf32>,
    %swap3A_102 = vector.shape_cast %swap3A_101 : vector<1x16xf32> to vector<16xf32>
    %swap3A_103 = vector.shape_cast %scan3A_50#9 : vector<16xf32> to vector<1x16xf32>
    tpu.vector_store %arg14[%swap3A_99, %swap3A_100], %swap3A_103 {strides = array<i32>} : memref<2x128xf32, #tpu.memory_space<vmem>>, vector<1x16xf32>,
    %swap3A_104 = arith.constant 0 : i32
    %swap3A_105 = arith.index_cast %swap3A_104 : i32 to index
    %swap3A_106 = arith.constant 32 : index
    %swap3A_107 = tpu.vector_load %arg14[%swap3A_105, %swap3A_106] {strides = array<i32>} : memref<2x128xf32, #tpu.memory_space<vmem>>, vector<1x16xf32>,
    %swap3A_108 = vector.shape_cast %swap3A_107 : vector<1x16xf32> to vector<16xf32>
    %swap3A_109 = vector.shape_cast %scan3A_50#2 : vector<16xf32> to vector<1x16xf32>
    tpu.vector_store %arg14[%swap3A_105, %swap3A_106], %swap3A_109 {strides = array<i32>} : memref<2x128xf32, #tpu.memory_space<vmem>>, vector<1x16xf32>,
    %swap3A_110 = arith.constant 1 : i32
    %swap3A_111 = arith.index_cast %swap3A_110 : i32 to index
    %swap3A_112 = arith.constant 32 : index
    %swap3A_113 = tpu.vector_load %arg14[%swap3A_111, %swap3A_112] {strides = array<i32>} : memref<2x128xf32, #tpu.memory_space<vmem>>, vector<1x16xf32>,
    %swap3A_114 = vector.shape_cast %swap3A_113 : vector<1x16xf32> to vector<16xf32>
    %swap3A_115 = vector.shape_cast %scan3A_50#10 : vector<16xf32> to vector<1x16xf32>
    tpu.vector_store %arg14[%swap3A_111, %swap3A_112], %swap3A_115 {strides = array<i32>} : memref<2x128xf32, #tpu.memory_space<vmem>>, vector<1x16xf32>,
    %swap3A_116 = arith.constant 0 : i32
    %swap3A_117 = arith.index_cast %swap3A_116 : i32 to index
    %swap3A_118 = arith.constant 48 : index
    %swap3A_119 = tpu.vector_load %arg14[%swap3A_117, %swap3A_118] {strides = array<i32>} : memref<2x128xf32, #tpu.memory_space<vmem>>, vector<1x16xf32>,
    %swap3A_120 = vector.shape_cast %swap3A_119 : vector<1x16xf32> to vector<16xf32>
    %swap3A_121 = vector.shape_cast %scan3A_50#3 : vector<16xf32> to vector<1x16xf32>
    tpu.vector_store %arg14[%swap3A_117, %swap3A_118], %swap3A_121 {strides = array<i32>} : memref<2x128xf32, #tpu.memory_space<vmem>>, vector<1x16xf32>,
    %swap3A_122 = arith.constant 1 : i32
    %swap3A_123 = arith.index_cast %swap3A_122 : i32 to index
    %swap3A_124 = arith.constant 48 : index
    %swap3A_125 = tpu.vector_load %arg14[%swap3A_123, %swap3A_124] {strides = array<i32>} : memref<2x128xf32, #tpu.memory_space<vmem>>, vector<1x16xf32>,
    %swap3A_126 = vector.shape_cast %swap3A_125 : vector<1x16xf32> to vector<16xf32>
    %swap3A_127 = vector.shape_cast %scan3A_50#11 : vector<16xf32> to vector<1x16xf32>
    tpu.vector_store %arg14[%swap3A_123, %swap3A_124], %swap3A_127 {strides = array<i32>} : memref<2x128xf32, #tpu.memory_space<vmem>>, vector<1x16xf32>,
    %swap3A_128 = arith.constant 0 : i32
    %swap3A_129 = arith.index_cast %swap3A_128 : i32 to index
    %swap3A_130 = arith.constant 64 : index
    %swap3A_131 = tpu.vector_load %arg14[%swap3A_129, %swap3A_130] {strides = array<i32>} : memref<2x128xf32, #tpu.memory_space<vmem>>, vector<1x16xf32>,
    %swap3A_132 = vector.shape_cast %swap3A_131 : vector<1x16xf32> to vector<16xf32>
    %swap3A_133 = vector.shape_cast %scan3A_50#4 : vector<16xf32> to vector<1x16xf32>
    tpu.vector_store %arg14[%swap3A_129, %swap3A_130], %swap3A_133 {strides = array<i32>} : memref<2x128xf32, #tpu.memory_space<vmem>>, vector<1x16xf32>,
    %swap3A_134 = arith.constant 1 : i32
    %swap3A_135 = arith.index_cast %swap3A_134 : i32 to index
    %swap3A_136 = arith.constant 64 : index
    %swap3A_137 = tpu.vector_load %arg14[%swap3A_135, %swap3A_136] {strides = array<i32>} : memref<2x128xf32, #tpu.memory_space<vmem>>, vector<1x16xf32>,
    %swap3A_138 = vector.shape_cast %swap3A_137 : vector<1x16xf32> to vector<16xf32>
    %swap3A_139 = vector.shape_cast %scan3A_50#12 : vector<16xf32> to vector<1x16xf32>
    tpu.vector_store %arg14[%swap3A_135, %swap3A_136], %swap3A_139 {strides = array<i32>} : memref<2x128xf32, #tpu.memory_space<vmem>>, vector<1x16xf32>,
    %swap3A_140 = arith.constant 0 : i32
    %swap3A_141 = arith.index_cast %swap3A_140 : i32 to index
    %swap3A_142 = arith.constant 80 : index
    %swap3A_143 = tpu.vector_load %arg14[%swap3A_141, %swap3A_142] {strides = array<i32>} : memref<2x128xf32, #tpu.memory_space<vmem>>, vector<1x16xf32>,
    %swap3A_144 = vector.shape_cast %swap3A_143 : vector<1x16xf32> to vector<16xf32>
    %swap3A_145 = vector.shape_cast %scan3A_50#5 : vector<16xf32> to vector<1x16xf32>
    tpu.vector_store %arg14[%swap3A_141, %swap3A_142], %swap3A_145 {strides = array<i32>} : memref<2x128xf32, #tpu.memory_space<vmem>>, vector<1x16xf32>,
    %swap3A_146 = arith.constant 1 : i32
    %swap3A_147 = arith.index_cast %swap3A_146 : i32 to index
    %swap3A_148 = arith.constant 80 : index
    %swap3A_149 = tpu.vector_load %arg14[%swap3A_147, %swap3A_148] {strides = array<i32>} : memref<2x128xf32, #tpu.memory_space<vmem>>, vector<1x16xf32>,
    %swap3A_150 = vector.shape_cast %swap3A_149 : vector<1x16xf32> to vector<16xf32>
    %swap3A_151 = vector.shape_cast %scan3A_50#13 : vector<16xf32> to vector<1x16xf32>
    tpu.vector_store %arg14[%swap3A_147, %swap3A_148], %swap3A_151 {strides = array<i32>} : memref<2x128xf32, #tpu.memory_space<vmem>>, vector<1x16xf32>,
    %swap3A_152 = arith.constant 0 : i32
    %swap3A_153 = arith.index_cast %swap3A_152 : i32 to index
    %swap3A_154 = arith.constant 96 : index
    %swap3A_155 = tpu.vector_load %arg14[%swap3A_153, %swap3A_154] {strides = array<i32>} : memref<2x128xf32, #tpu.memory_space<vmem>>, vector<1x16xf32>,
    %swap3A_156 = vector.shape_cast %swap3A_155 : vector<1x16xf32> to vector<16xf32>
    %swap3A_157 = vector.shape_cast %scan3A_50#6 : vector<16xf32> to vector<1x16xf32>
    tpu.vector_store %arg14[%swap3A_153, %swap3A_154], %swap3A_157 {strides = array<i32>} : memref<2x128xf32, #tpu.memory_space<vmem>>, vector<1x16xf32>,
    %swap3A_158 = arith.constant 1 : i32
    %swap3A_159 = arith.index_cast %swap3A_158 : i32 to index
    %swap3A_160 = arith.constant 96 : index
    %swap3A_161 = tpu.vector_load %arg14[%swap3A_159, %swap3A_160] {strides = array<i32>} : memref<2x128xf32, #tpu.memory_space<vmem>>, vector<1x16xf32>,
    %swap3A_162 = vector.shape_cast %swap3A_161 : vector<1x16xf32> to vector<16xf32>
    %swap3A_163 = vector.shape_cast %scan3A_50#14 : vector<16xf32> to vector<1x16xf32>
    tpu.vector_store %arg14[%swap3A_159, %swap3A_160], %swap3A_163 {strides = array<i32>} : memref<2x128xf32, #tpu.memory_space<vmem>>, vector<1x16xf32>,
    %swap3A_164 = arith.constant 0 : i32
    %swap3A_165 = arith.index_cast %swap3A_164 : i32 to index
    %swap3A_166 = arith.constant 112 : index
    %swap3A_167 = tpu.vector_load %arg14[%swap3A_165, %swap3A_166] {strides = array<i32>} : memref<2x128xf32, #tpu.memory_space<vmem>>, vector<1x16xf32>,
    %swap3A_168 = vector.shape_cast %swap3A_167 : vector<1x16xf32> to vector<16xf32>
    %swap3A_169 = vector.shape_cast %scan3A_50#7 : vector<16xf32> to vector<1x16xf32>
    tpu.vector_store %arg14[%swap3A_165, %swap3A_166], %swap3A_169 {strides = array<i32>} : memref<2x128xf32, #tpu.memory_space<vmem>>, vector<1x16xf32>,
    %swap3A_170 = arith.constant 1 : i32
    %swap3A_171 = arith.index_cast %swap3A_170 : i32 to index
    %swap3A_172 = arith.constant 112 : index
    %swap3A_173 = tpu.vector_load %arg14[%swap3A_171, %swap3A_172] {strides = array<i32>} : memref<2x128xf32, #tpu.memory_space<vmem>>, vector<1x16xf32>,
    %swap3A_174 = vector.shape_cast %swap3A_173 : vector<1x16xf32> to vector<16xf32>
    %swap3A_175 = vector.shape_cast %scan3A_50#15 : vector<16xf32> to vector<1x16xf32>
    tpu.vector_store %arg14[%swap3A_171, %swap3A_172], %swap3A_175 {strides = array<i32>} : memref<2x128xf32, #tpu.memory_space<vmem>>, vector<1x16xf32>,
    "tpu.region"() ({
      %run_scoped3A = tpu.sem_alloc : memref<!tpu.dma_semaphore, #tpu.memory_space<semaphore_mem>>
      %dma_start3A_179 = arith.constant 0 : i32
      %dma_start3A_180 = arith.constant 0 : i32
      %dma_start3A_181 = tpu.memref_slice %arg6[%add3A, %dma_start3A_179, %dma_start3A_180] : memref<32x2x128xf32, #tpu.memory_space<hbm>> -> memref<1x2x128xf32, #tpu.memory_space<hbm>>
      %dma_start3A_182 = tpu.memref_squeeze %dma_start3A_181 : memref<1x2x128xf32, #tpu.memory_space<hbm>> -> memref<2x128xf32, #tpu.memory_space<hbm>>
      %dma_start3A_183 = arith.constant 0 : i32
      %dma_start3A_184 = arith.constant 0 : i32
      %dma_start3A_185 = tpu.memref_slice %arg6[%add3A, %dma_start3A_183, %dma_start3A_184] : memref<32x2x128xf32, #tpu.memory_space<hbm>> -> memref<1x2x128xf32, #tpu.memory_space<hbm>>
      %dma_start3A_186 = tpu.memref_squeeze %dma_start3A_185 : memref<1x2x128xf32, #tpu.memory_space<hbm>> -> memref<2x128xf32, #tpu.memory_space<hbm>>
      tpu.enqueue_dma source(%arg14 : memref<2x128xf32, #tpu.memory_space<vmem>>) target(%dma_start3A_186 : memref<2x128xf32, #tpu.memory_space<hbm>>) target_semaphore(%run_scoped3A : memref<!tpu.dma_semaphore, #tpu.memory_space<semaphore_mem>>)
      %dma_wait3A_187 = arith.constant 0 : i32
      %dma_wait3A_188 = arith.constant 0 : i32
      %dma_wait3A_189 = tpu.memref_slice %arg6[%add3A, %dma_wait3A_187, %dma_wait3A_188] : memref<32x2x128xf32, #tpu.memory_space<hbm>> -> memref<1x2x128xf32, #tpu.memory_space<hbm>>
      %dma_wait3A_190 = tpu.memref_squeeze %dma_wait3A_189 : memref<1x2x128xf32, #tpu.memory_space<hbm>> -> memref<2x128xf32, #tpu.memory_space<hbm>>
      %dma_wait3A_191 = arith.constant 0 : i32
      %dma_wait3A_192 = arith.constant 0 : i32
      %dma_wait3A_193 = tpu.memref_slice %arg6[%add3A, %dma_wait3A_191, %dma_wait3A_192] : memref<32x2x128xf32, #tpu.memory_space<hbm>> -> memref<1x2x128xf32, #tpu.memory_space<hbm>>
      %dma_wait3A_194 = tpu.memref_squeeze %dma_wait3A_193 : memref<1x2x128xf32, #tpu.memory_space<hbm>> -> memref<2x128xf32, #tpu.memory_space<hbm>>
      tpu.wait_dma2 semaphore(%run_scoped3A : memref<!tpu.dma_semaphore, #tpu.memory_space<semaphore_mem>>) src(%arg14 : memref<2x128xf32, #tpu.memory_space<vmem>>) dst(%dma_wait3A_194 : memref<2x128xf32, #tpu.memory_space<hbm>>)
      tpu.yield
    }) : () -> ()
    %barrier3A_176 = arith.constant 0 : index
    tpu.barrier barrier_id(%barrier3A_176)
    %mul3A_177 = arith.constant 640 : i32
    %mul3A_178 = arith.muli %arg1, %mul3A_177 : i32
    "tpu.region"() ({
      %run_scoped3A = tpu.sem_alloc : memref<!tpu.dma_semaphore, #tpu.memory_space<semaphore_mem>>
      %dma_start3A_179 = arith.constant 0 : i32
      %dma_start3A_180 = tpu.memref_slice %arg7[%arg0, %arg1, %dma_start3A_179] : memref<2x16x640xf32, #tpu.memory_space<hbm>> -> memref<1x1x640xf32, #tpu.memory_space<hbm>>
      %dma_start3A_181 = tpu.memref_squeeze %dma_start3A_180 : memref<1x1x640xf32, #tpu.memory_space<hbm>> -> memref<640xf32, #tpu.memory_space<hbm>>
      %dma_start3A_182 = tpu.memref_slice %arg15[%mul3A_178] : memref<10240xf32, #tpu.memory_space<vmem_shared>> -> memref<640xf32, #tpu.memory_space<vmem_shared>>
      tpu.enqueue_dma source(%dma_start3A_182 : memref<640xf32, #tpu.memory_space<vmem_shared>>) target(%dma_start3A_181 : memref<640xf32, #tpu.memory_space<hbm>>) target_semaphore(%run_scoped3A : memref<!tpu.dma_semaphore, #tpu.memory_space<semaphore_mem>>)
      %dma_wait3A_183 = arith.constant 0 : i32
      %dma_wait3A_184 = tpu.memref_slice %arg7[%arg0, %arg1, %dma_wait3A_183] : memref<2x16x640xf32, #tpu.memory_space<hbm>> -> memref<1x1x640xf32, #tpu.memory_space<hbm>>
      %dma_wait3A_185 = tpu.memref_squeeze %dma_wait3A_184 : memref<1x1x640xf32, #tpu.memory_space<hbm>> -> memref<640xf32, #tpu.memory_space<hbm>>
      %dma_wait3A_186 = tpu.memref_slice %arg15[%mul3A_178] : memref<10240xf32, #tpu.memory_space<vmem_shared>> -> memref<640xf32, #tpu.memory_space<vmem_shared>>
      tpu.wait_dma2 semaphore(%run_scoped3A : memref<!tpu.dma_semaphore, #tpu.memory_space<semaphore_mem>>) src(%dma_wait3A_186 : memref<640xf32, #tpu.memory_space<vmem_shared>>) dst(%dma_wait3A_185 : memref<640xf32, #tpu.memory_space<hbm>>)
      tpu.yield
    }) : () -> ()
    return
  }
}

#map = affine_map<(d0, d1) -> (0)>
#map1 = affine_map<(d0, d1) -> (0, 0)>
#map2 = affine_map<(d0, d1) -> (0, 0, 0)>
module attributes {stable_mosaic.version = 14 : i64} {
  func.func @_sc_pass2(%arg0: i32, %arg1: i32, %arg2: memref<320000xi32, #tpu.memory_space<hbm>>, %arg3: memref<320000xi32, #tpu.memory_space<hbm>>, %arg4: memref<10000x128xf32, #tpu.memory_space<hbm>>, %arg5: memref<10000x128xf32, #tpu.memory_space<hbm>>, %arg6: memref<2x128xf32, #tpu.memory_space<hbm>>, %arg7: memref<2x10240x128xf32, #tpu.memory_space<hbm>>, %arg8: memref<2x80xi32, #tpu.memory_space<vmem>>, %arg9: memref<2x80xi32, #tpu.memory_space<vmem>>, %arg10: memref<80x128xf32, #tpu.memory_space<vmem>>, %arg11: memref<80x128xf32, #tpu.memory_space<vmem>>, %arg12: memref<2x128xf32, #tpu.memory_space<vmem>>, %arg13: memref<128x128xf32, #tpu.memory_space<vmem>>, %arg14: memref<10240x128xf32, #tpu.memory_space<vmem_shared>>, %arg15: memref<!tpu.dma_semaphore, #tpu.memory_space<semaphore_mem>>, %arg16: memref<!tpu.dma_semaphore, #tpu.memory_space<semaphore_mem>>) attributes {dimension_semantics = [#tpu.dimension_semantics<core_parallel>, #tpu.dimension_semantics<subcore_parallel>], iteration_bounds = array<i64: 2, 16>, scalar_prefetch = 0 : i64, scratch_operands = 9 : i64, tpu.core_type = #tpu.core_type<sc_vector_subcore>, window_params = [{transform_indices = #map}, {transform_indices = #map}, {transform_indices = #map1}, {transform_indices = #map1}, {transform_indices = #map1}, {transform_indices = #map2}]} {
    %mul3A = arith.constant 2 : i32
    %mul3A_0 = arith.muli %arg1, %mul3A : i32
    %add3A = arith.addi %mul3A_0, %arg0 : i32
    %mul3A_1 = arith.constant 10000 : i32
    %mul3A_2 = arith.muli %add3A, %mul3A_1 : i32
    "tpu.region"() ({
      %run_scoped3A_151 = tpu.sem_alloc : memref<!tpu.dma_semaphore, #tpu.memory_space<semaphore_mem>>
      tpu.enqueue_dma source(%arg6 : memref<2x128xf32, #tpu.memory_space<hbm>>) target(%arg12 : memref<2x128xf32, #tpu.memory_space<vmem>>) target_semaphore(%run_scoped3A_151 : memref<!tpu.dma_semaphore, #tpu.memory_space<semaphore_mem>>)
      tpu.wait_dma2 semaphore(%run_scoped3A_151 : memref<!tpu.dma_semaphore, #tpu.memory_space<semaphore_mem>>) src(%arg6 : memref<2x128xf32, #tpu.memory_space<hbm>>) dst(%arg12 : memref<2x128xf32, #tpu.memory_space<vmem>>)
      tpu.yield
    }) : () -> ()
    %get3A = arith.constant 0 : i32
    %get3A_3 = arith.index_cast %get3A : i32 to index
    %get3A_4 = arith.constant 0 : index
    %get3A_5 = tpu.vector_load %arg12[%get3A_3, %get3A_4] {strides = array<i32>} : memref<2x128xf32, #tpu.memory_space<vmem>>, vector<1x16xf32>,
    %get3A_6 = vector.shape_cast %get3A_5 : vector<1x16xf32> to vector<16xf32>
    %get3A_7 = arith.constant 0 : i32
    %get3A_8 = arith.index_cast %get3A_7 : i32 to index
    %get3A_9 = arith.constant 16 : index
    %get3A_10 = tpu.vector_load %arg12[%get3A_8, %get3A_9] {strides = array<i32>} : memref<2x128xf32, #tpu.memory_space<vmem>>, vector<1x16xf32>,
    %get3A_11 = vector.shape_cast %get3A_10 : vector<1x16xf32> to vector<16xf32>
    %get3A_12 = arith.constant 0 : i32
    %get3A_13 = arith.index_cast %get3A_12 : i32 to index
    %get3A_14 = arith.constant 32 : index
    %get3A_15 = tpu.vector_load %arg12[%get3A_13, %get3A_14] {strides = array<i32>} : memref<2x128xf32, #tpu.memory_space<vmem>>, vector<1x16xf32>,
    %get3A_16 = vector.shape_cast %get3A_15 : vector<1x16xf32> to vector<16xf32>
    %get3A_17 = arith.constant 0 : i32
    %get3A_18 = arith.index_cast %get3A_17 : i32 to index
    %get3A_19 = arith.constant 48 : index
    %get3A_20 = tpu.vector_load %arg12[%get3A_18, %get3A_19] {strides = array<i32>} : memref<2x128xf32, #tpu.memory_space<vmem>>, vector<1x16xf32>,
    %get3A_21 = vector.shape_cast %get3A_20 : vector<1x16xf32> to vector<16xf32>
    %get3A_22 = arith.constant 0 : i32
    %get3A_23 = arith.index_cast %get3A_22 : i32 to index
    %get3A_24 = arith.constant 64 : index
    %get3A_25 = tpu.vector_load %arg12[%get3A_23, %get3A_24] {strides = array<i32>} : memref<2x128xf32, #tpu.memory_space<vmem>>, vector<1x16xf32>,
    %get3A_26 = vector.shape_cast %get3A_25 : vector<1x16xf32> to vector<16xf32>
    %get3A_27 = arith.constant 0 : i32
    %get3A_28 = arith.index_cast %get3A_27 : i32 to index
    %get3A_29 = arith.constant 80 : index
    %get3A_30 = tpu.vector_load %arg12[%get3A_28, %get3A_29] {strides = array<i32>} : memref<2x128xf32, #tpu.memory_space<vmem>>, vector<1x16xf32>,
    %get3A_31 = vector.shape_cast %get3A_30 : vector<1x16xf32> to vector<16xf32>
    %get3A_32 = arith.constant 0 : i32
    %get3A_33 = arith.index_cast %get3A_32 : i32 to index
    %get3A_34 = arith.constant 96 : index
    %get3A_35 = tpu.vector_load %arg12[%get3A_33, %get3A_34] {strides = array<i32>} : memref<2x128xf32, #tpu.memory_space<vmem>>, vector<1x16xf32>,
    %get3A_36 = vector.shape_cast %get3A_35 : vector<1x16xf32> to vector<16xf32>
    %get3A_37 = arith.constant 0 : i32
    %get3A_38 = arith.index_cast %get3A_37 : i32 to index
    %get3A_39 = arith.constant 112 : index
    %get3A_40 = tpu.vector_load %arg12[%get3A_38, %get3A_39] {strides = array<i32>} : memref<2x128xf32, #tpu.memory_space<vmem>>, vector<1x16xf32>,
    %get3A_41 = vector.shape_cast %get3A_40 : vector<1x16xf32> to vector<16xf32>
    %get3A_42 = arith.constant 1 : i32
    %get3A_43 = arith.index_cast %get3A_42 : i32 to index
    %get3A_44 = arith.constant 0 : index
    %get3A_45 = tpu.vector_load %arg12[%get3A_43, %get3A_44] {strides = array<i32>} : memref<2x128xf32, #tpu.memory_space<vmem>>, vector<1x16xf32>,
    %get3A_46 = vector.shape_cast %get3A_45 : vector<1x16xf32> to vector<16xf32>
    %get3A_47 = arith.constant 1 : i32
    %get3A_48 = arith.index_cast %get3A_47 : i32 to index
    %get3A_49 = arith.constant 16 : index
    %get3A_50 = tpu.vector_load %arg12[%get3A_48, %get3A_49] {strides = array<i32>} : memref<2x128xf32, #tpu.memory_space<vmem>>, vector<1x16xf32>,
    %get3A_51 = vector.shape_cast %get3A_50 : vector<1x16xf32> to vector<16xf32>
    %get3A_52 = arith.constant 1 : i32
    %get3A_53 = arith.index_cast %get3A_52 : i32 to index
    %get3A_54 = arith.constant 32 : index
    %get3A_55 = tpu.vector_load %arg12[%get3A_53, %get3A_54] {strides = array<i32>} : memref<2x128xf32, #tpu.memory_space<vmem>>, vector<1x16xf32>,
    %get3A_56 = vector.shape_cast %get3A_55 : vector<1x16xf32> to vector<16xf32>
    %get3A_57 = arith.constant 1 : i32
    %get3A_58 = arith.index_cast %get3A_57 : i32 to index
    %get3A_59 = arith.constant 48 : index
    %get3A_60 = tpu.vector_load %arg12[%get3A_58, %get3A_59] {strides = array<i32>} : memref<2x128xf32, #tpu.memory_space<vmem>>, vector<1x16xf32>,
    %get3A_61 = vector.shape_cast %get3A_60 : vector<1x16xf32> to vector<16xf32>
    %get3A_62 = arith.constant 1 : i32
    %get3A_63 = arith.index_cast %get3A_62 : i32 to index
    %get3A_64 = arith.constant 64 : index
    %get3A_65 = tpu.vector_load %arg12[%get3A_63, %get3A_64] {strides = array<i32>} : memref<2x128xf32, #tpu.memory_space<vmem>>, vector<1x16xf32>,
    %get3A_66 = vector.shape_cast %get3A_65 : vector<1x16xf32> to vector<16xf32>
    %get3A_67 = arith.constant 1 : i32
    %get3A_68 = arith.index_cast %get3A_67 : i32 to index
    %get3A_69 = arith.constant 80 : index
    %get3A_70 = tpu.vector_load %arg12[%get3A_68, %get3A_69] {strides = array<i32>} : memref<2x128xf32, #tpu.memory_space<vmem>>, vector<1x16xf32>,
    %get3A_71 = vector.shape_cast %get3A_70 : vector<1x16xf32> to vector<16xf32>
    %get3A_72 = arith.constant 1 : i32
    %get3A_73 = arith.index_cast %get3A_72 : i32 to index
    %get3A_74 = arith.constant 96 : index
    %get3A_75 = tpu.vector_load %arg12[%get3A_73, %get3A_74] {strides = array<i32>} : memref<2x128xf32, #tpu.memory_space<vmem>>, vector<1x16xf32>,
    %get3A_76 = vector.shape_cast %get3A_75 : vector<1x16xf32> to vector<16xf32>
    %get3A_77 = arith.constant 1 : i32
    %get3A_78 = arith.index_cast %get3A_77 : i32 to index
    %get3A_79 = arith.constant 112 : index
    %get3A_80 = tpu.vector_load %arg12[%get3A_78, %get3A_79] {strides = array<i32>} : memref<2x128xf32, #tpu.memory_space<vmem>>, vector<1x16xf32>,
    %get3A_81 = vector.shape_cast %get3A_80 : vector<1x16xf32> to vector<16xf32>
    %broadcast_in_dim3A = arith.constant 0.000000e+00 : f32
    %broadcast_in_dim3A_82 = vector.broadcast %broadcast_in_dim3A : f32 to vector<16xf32>
    %scan3A = arith.constant 0 : i32
    %scan3A_83 = arith.constant 0 : i32
    %scan3A_84 = arith.constant 1024 : i32
    %scan3A_85 = arith.addi %scan3A_83, %scan3A_84 : i32
    %scan3A_86 = arith.constant 1 : i32
    %scan3A_87 = scf.for %scan3A_151 = %scan3A_83 to %scan3A_85 step %scan3A_86 iter_args(%scan3A_152 = %scan3A) -> (i32)  : i32 {
      %jit3A = arith.constant 8 : i32
      %div3A = arith.divsi %scan3A_151, %jit3A : i32
      %sign3A = arith.constant 0 : i32
      %sign3A_153 = arith.cmpi sgt, %scan3A_151, %sign3A : i32
      %sign3A_154 = arith.extui %sign3A_153 : i1 to i32
      %sign3A_155 = arith.constant 0 : i32
      %sign3A_156 = arith.cmpi slt, %scan3A_151, %sign3A_155 : i32
      %sign3A_157 = arith.extui %sign3A_156 : i1 to i32
      %sign3A_158 = arith.subi %sign3A_154, %sign3A_157 : i32
      %sign3A_159 = arith.constant 0 : i32
      %sign3A_160 = arith.cmpi sgt, %jit3A, %sign3A_159 : i32
      %sign3A_161 = arith.extui %sign3A_160 : i1 to i32
      %sign3A_162 = arith.constant 0 : i32
      %sign3A_163 = arith.cmpi slt, %jit3A, %sign3A_162 : i32
      %sign3A_164 = arith.extui %sign3A_163 : i1 to i32
      %sign3A_165 = arith.subi %sign3A_161, %sign3A_164 : i32
      %ne3A = arith.cmpi ne, %sign3A_158, %sign3A_165 : i32
      %rem3A = arith.remsi %scan3A_151, %jit3A : i32
      %ne3A_166 = arith.constant 0 : i32
      %ne3A_167 = arith.cmpi ne, %rem3A, %ne3A_166 : i32
      %and3A = arith.andi %ne3A, %ne3A_167 : i1
      %sub3A = arith.constant 1 : i32
      %sub3A_168 = arith.subi %div3A, %sub3A : i32
      %select_n3A = arith.select %and3A, %sub3A_168, %div3A : i32
      %jit3A_169 = arith.constant 8 : i32
      %eq3A = arith.constant 0 : i32
      %eq3A_170 = arith.cmpi eq, %jit3A_169, %eq3A : i32
      %jit3A_171 = arith.constant 1 : i32
      %select_n3A_172 = arith.select %eq3A_170, %jit3A_171, %jit3A_169 : i32
      %rem3A_173 = arith.remsi %scan3A_151, %select_n3A_172 : i32
      %ne3A_174 = arith.constant 0 : i32
      %ne3A_175 = arith.cmpi ne, %rem3A_173, %ne3A_174 : i32
      %lt3A = arith.constant 0 : i32
      %lt3A_176 = arith.cmpi slt, %rem3A_173, %lt3A : i32
      %lt3A_177 = arith.constant 0 : i32
      %lt3A_178 = arith.cmpi slt, %select_n3A_172, %lt3A_177 : i32
      %ne3A_179 = arith.xori %lt3A_176, %lt3A_178 : i1
      %and3A_180 = arith.andi %ne3A_179, %ne3A_175 : i1
      %add3A_181 = arith.addi %rem3A_173, %select_n3A_172 : i32
      %select_n3A_182 = arith.select %and3A_180, %add3A_181, %rem3A_173 : i32
      %mul3A_183 = arith.constant 16 : i32
      %mul3A_184 = arith.muli %select_n3A_182, %mul3A_183 : i32
      %swap3A = arith.index_cast %select_n3A : i32 to index
      %swap3A_185 = arith.index_cast %mul3A_184 : i32 to index
      %swap3A_186 = tpu.vector_load %arg13[%swap3A, %swap3A_185] {strides = array<i32>} : memref<128x128xf32, #tpu.memory_space<vmem>>, vector<1x16xf32>,
      %swap3A_187 = vector.shape_cast %swap3A_186 : vector<1x16xf32> to vector<16xf32>
      %swap3A_188 = vector.shape_cast %broadcast_in_dim3A_82 : vector<16xf32> to vector<1x16xf32>
      tpu.vector_store %arg13[%swap3A, %swap3A_185], %swap3A_188 {strides = array<i32>} : memref<128x128xf32, #tpu.memory_space<vmem>>, vector<1x16xf32>,
      %scan3A_189 = arith.constant 0 : i32
      scf.yield %scan3A_189 : i32
    }
    %scan3A_88 = arith.constant 1024 : i32
    %mul3A_89 = arith.constant 640 : i32
    %mul3A_90 = arith.muli %arg1, %mul3A_89 : i32
    %add3A_91 = arith.constant 0 : i32
    %add3A_92 = arith.addi %mul3A_90, %add3A_91 : i32
    "tpu.region"() ({
      %run_scoped3A_151 = tpu.sem_alloc : memref<!tpu.dma_semaphore, #tpu.memory_space<semaphore_mem>>
      %dma_start3A_152 = arith.constant 0 : i32
      %dma_start3A_153 = tpu.memref_slice %arg14[%add3A_92, %dma_start3A_152] : memref<10240x128xf32, #tpu.memory_space<vmem_shared>> -> memref<128x128xf32, #tpu.memory_space<vmem_shared>>
      %dma_start3A_154 = arith.constant 0 : i32
      %dma_start3A_155 = tpu.memref_slice %arg14[%add3A_92, %dma_start3A_154] : memref<10240x128xf32, #tpu.memory_space<vmem_shared>> -> memref<128x128xf32, #tpu.memory_space<vmem_shared>>
      tpu.enqueue_dma source(%arg13 : memref<128x128xf32, #tpu.memory_space<vmem>>) target(%dma_start3A_155 : memref<128x128xf32, #tpu.memory_space<vmem_shared>>) target_semaphore(%run_scoped3A_151 : memref<!tpu.dma_semaphore, #tpu.memory_space<semaphore_mem>>)
      %dma_wait3A_156 = arith.constant 0 : i32
      %dma_wait3A_157 = tpu.memref_slice %arg14[%add3A_92, %dma_wait3A_156] : memref<10240x128xf32, #tpu.memory_space<vmem_shared>> -> memref<128x128xf32, #tpu.memory_space<vmem_shared>>
      %dma_wait3A_158 = arith.constant 0 : i32
      %dma_wait3A_159 = tpu.memref_slice %arg14[%add3A_92, %dma_wait3A_158] : memref<10240x128xf32, #tpu.memory_space<vmem_shared>> -> memref<128x128xf32, #tpu.memory_space<vmem_shared>>
      tpu.wait_dma2 semaphore(%run_scoped3A_151 : memref<!tpu.dma_semaphore, #tpu.memory_space<semaphore_mem>>) src(%arg13 : memref<128x128xf32, #tpu.memory_space<vmem>>) dst(%dma_wait3A_159 : memref<128x128xf32, #tpu.memory_space<vmem_shared>>)
      tpu.yield
    }) : () -> ()
    %mul3A_93 = arith.constant 640 : i32
    %mul3A_94 = arith.muli %arg1, %mul3A_93 : i32
    %add3A_95 = arith.constant 128 : i32
    %add3A_96 = arith.addi %mul3A_94, %add3A_95 : i32
    "tpu.region"() ({
      %run_scoped3A_151 = tpu.sem_alloc : memref<!tpu.dma_semaphore, #tpu.memory_space<semaphore_mem>>
      %dma_start3A_152 = arith.constant 0 : i32
      %dma_start3A_153 = tpu.memref_slice %arg14[%add3A_96, %dma_start3A_152] : memref<10240x128xf32, #tpu.memory_space<vmem_shared>> -> memref<128x128xf32, #tpu.memory_space<vmem_shared>>
      %dma_start3A_154 = arith.constant 0 : i32
      %dma_start3A_155 = tpu.memref_slice %arg14[%add3A_96, %dma_start3A_154] : memref<10240x128xf32, #tpu.memory_space<vmem_shared>> -> memref<128x128xf32, #tpu.memory_space<vmem_shared>>
      tpu.enqueue_dma source(%arg13 : memref<128x128xf32, #tpu.memory_space<vmem>>) target(%dma_start3A_155 : memref<128x128xf32, #tpu.memory_space<vmem_shared>>) target_semaphore(%run_scoped3A_151 : memref<!tpu.dma_semaphore, #tpu.memory_space<semaphore_mem>>)
      %dma_wait3A_156 = arith.constant 0 : i32
      %dma_wait3A_157 = tpu.memref_slice %arg14[%add3A_96, %dma_wait3A_156] : memref<10240x128xf32, #tpu.memory_space<vmem_shared>> -> memref<128x128xf32, #tpu.memory_space<vmem_shared>>
      %dma_wait3A_158 = arith.constant 0 : i32
      %dma_wait3A_159 = tpu.memref_slice %arg14[%add3A_96, %dma_wait3A_158] : memref<10240x128xf32, #tpu.memory_space<vmem_shared>> -> memref<128x128xf32, #tpu.memory_space<vmem_shared>>
      tpu.wait_dma2 semaphore(%run_scoped3A_151 : memref<!tpu.dma_semaphore, #tpu.memory_space<semaphore_mem>>) src(%arg13 : memref<128x128xf32, #tpu.memory_space<vmem>>) dst(%dma_wait3A_159 : memref<128x128xf32, #tpu.memory_space<vmem_shared>>)
      tpu.yield
    }) : () -> ()
    %mul3A_97 = arith.constant 640 : i32
    %mul3A_98 = arith.muli %arg1, %mul3A_97 : i32
    %add3A_99 = arith.constant 256 : i32
    %add3A_100 = arith.addi %mul3A_98, %add3A_99 : i32
    "tpu.region"() ({
      %run_scoped3A_151 = tpu.sem_alloc : memref<!tpu.dma_semaphore, #tpu.memory_space<semaphore_mem>>
      %dma_start3A_152 = arith.constant 0 : i32
      %dma_start3A_153 = tpu.memref_slice %arg14[%add3A_100, %dma_start3A_152] : memref<10240x128xf32, #tpu.memory_space<vmem_shared>> -> memref<128x128xf32, #tpu.memory_space<vmem_shared>>
      %dma_start3A_154 = arith.constant 0 : i32
      %dma_start3A_155 = tpu.memref_slice %arg14[%add3A_100, %dma_start3A_154] : memref<10240x128xf32, #tpu.memory_space<vmem_shared>> -> memref<128x128xf32, #tpu.memory_space<vmem_shared>>
      tpu.enqueue_dma source(%arg13 : memref<128x128xf32, #tpu.memory_space<vmem>>) target(%dma_start3A_155 : memref<128x128xf32, #tpu.memory_space<vmem_shared>>) target_semaphore(%run_scoped3A_151 : memref<!tpu.dma_semaphore, #tpu.memory_space<semaphore_mem>>)
      %dma_wait3A_156 = arith.constant 0 : i32
      %dma_wait3A_157 = tpu.memref_slice %arg14[%add3A_100, %dma_wait3A_156] : memref<10240x128xf32, #tpu.memory_space<vmem_shared>> -> memref<128x128xf32, #tpu.memory_space<vmem_shared>>
      %dma_wait3A_158 = arith.constant 0 : i32
      %dma_wait3A_159 = tpu.memref_slice %arg14[%add3A_100, %dma_wait3A_158] : memref<10240x128xf32, #tpu.memory_space<vmem_shared>> -> memref<128x128xf32, #tpu.memory_space<vmem_shared>>
      tpu.wait_dma2 semaphore(%run_scoped3A_151 : memref<!tpu.dma_semaphore, #tpu.memory_space<semaphore_mem>>) src(%arg13 : memref<128x128xf32, #tpu.memory_space<vmem>>) dst(%dma_wait3A_159 : memref<128x128xf32, #tpu.memory_space<vmem_shared>>)
      tpu.yield
    }) : () -> ()
    %mul3A_101 = arith.constant 640 : i32
    %mul3A_102 = arith.muli %arg1, %mul3A_101 : i32
    %add3A_103 = arith.constant 384 : i32
    %add3A_104 = arith.addi %mul3A_102, %add3A_103 : i32
    "tpu.region"() ({
      %run_scoped3A_151 = tpu.sem_alloc : memref<!tpu.dma_semaphore, #tpu.memory_space<semaphore_mem>>
      %dma_start3A_152 = arith.constant 0 : i32
      %dma_start3A_153 = tpu.memref_slice %arg14[%add3A_104, %dma_start3A_152] : memref<10240x128xf32, #tpu.memory_space<vmem_shared>> -> memref<128x128xf32, #tpu.memory_space<vmem_shared>>
      %dma_start3A_154 = arith.constant 0 : i32
      %dma_start3A_155 = tpu.memref_slice %arg14[%add3A_104, %dma_start3A_154] : memref<10240x128xf32, #tpu.memory_space<vmem_shared>> -> memref<128x128xf32, #tpu.memory_space<vmem_shared>>
      tpu.enqueue_dma source(%arg13 : memref<128x128xf32, #tpu.memory_space<vmem>>) target(%dma_start3A_155 : memref<128x128xf32, #tpu.memory_space<vmem_shared>>) target_semaphore(%run_scoped3A_151 : memref<!tpu.dma_semaphore, #tpu.memory_space<semaphore_mem>>)
      %dma_wait3A_156 = arith.constant 0 : i32
      %dma_wait3A_157 = tpu.memref_slice %arg14[%add3A_104, %dma_wait3A_156] : memref<10240x128xf32, #tpu.memory_space<vmem_shared>> -> memref<128x128xf32, #tpu.memory_space<vmem_shared>>
      %dma_wait3A_158 = arith.constant 0 : i32
      %dma_wait3A_159 = tpu.memref_slice %arg14[%add3A_104, %dma_wait3A_158] : memref<10240x128xf32, #tpu.memory_space<vmem_shared>> -> memref<128x128xf32, #tpu.memory_space<vmem_shared>>
      tpu.wait_dma2 semaphore(%run_scoped3A_151 : memref<!tpu.dma_semaphore, #tpu.memory_space<semaphore_mem>>) src(%arg13 : memref<128x128xf32, #tpu.memory_space<vmem>>) dst(%dma_wait3A_159 : memref<128x128xf32, #tpu.memory_space<vmem_shared>>)
      tpu.yield
    }) : () -> ()
    %mul3A_105 = arith.constant 640 : i32
    %mul3A_106 = arith.muli %arg1, %mul3A_105 : i32
    %add3A_107 = arith.constant 512 : i32
    %add3A_108 = arith.addi %mul3A_106, %add3A_107 : i32
    "tpu.region"() ({
      %run_scoped3A_151 = tpu.sem_alloc : memref<!tpu.dma_semaphore, #tpu.memory_space<semaphore_mem>>
      %dma_start3A_152 = arith.constant 0 : i32
      %dma_start3A_153 = tpu.memref_slice %arg14[%add3A_108, %dma_start3A_152] : memref<10240x128xf32, #tpu.memory_space<vmem_shared>> -> memref<128x128xf32, #tpu.memory_space<vmem_shared>>
      %dma_start3A_154 = arith.constant 0 : i32
      %dma_start3A_155 = tpu.memref_slice %arg14[%add3A_108, %dma_start3A_154] : memref<10240x128xf32, #tpu.memory_space<vmem_shared>> -> memref<128x128xf32, #tpu.memory_space<vmem_shared>>
      tpu.enqueue_dma source(%arg13 : memref<128x128xf32, #tpu.memory_space<vmem>>) target(%dma_start3A_155 : memref<128x128xf32, #tpu.memory_space<vmem_shared>>) target_semaphore(%run_scoped3A_151 : memref<!tpu.dma_semaphore, #tpu.memory_space<semaphore_mem>>)
      %dma_wait3A_156 = arith.constant 0 : i32
      %dma_wait3A_157 = tpu.memref_slice %arg14[%add3A_108, %dma_wait3A_156] : memref<10240x128xf32, #tpu.memory_space<vmem_shared>> -> memref<128x128xf32, #tpu.memory_space<vmem_shared>>
      %dma_wait3A_158 = arith.constant 0 : i32
      %dma_wait3A_159 = tpu.memref_slice %arg14[%add3A_108, %dma_wait3A_158] : memref<10240x128xf32, #tpu.memory_space<vmem_shared>> -> memref<128x128xf32, #tpu.memory_space<vmem_shared>>
      tpu.wait_dma2 semaphore(%run_scoped3A_151 : memref<!tpu.dma_semaphore, #tpu.memory_space<semaphore_mem>>) src(%arg13 : memref<128x128xf32, #tpu.memory_space<vmem>>) dst(%dma_wait3A_159 : memref<128x128xf32, #tpu.memory_space<vmem_shared>>)
      tpu.yield
    }) : () -> ()
    %barrier3A = arith.constant 0 : index
    tpu.barrier barrier_id(%barrier3A)
    %add3A_109 = arith.constant 0 : i32
    %add3A_110 = arith.addi %mul3A_2, %add3A_109 : i32
    %run_scoped3A = arith.constant 0 : i32
    "tpu.region"() ({
      %run_scoped3A_151 = tpu.sem_alloc : memref<!tpu.dma_semaphore, #tpu.memory_space<semaphore_mem>>
      %dma_start3A_152 = arith.constant 0 : i32
      %dma_start3A_153 = tpu.memref_slice %arg8[%run_scoped3A, %dma_start3A_152] : memref<2x80xi32, #tpu.memory_space<vmem>> -> memref<1x80xi32, #tpu.memory_space<vmem>>
      %dma_start3A_154 = tpu.memref_squeeze %dma_start3A_153 : memref<1x80xi32, #tpu.memory_space<vmem>> -> memref<80xi32, #tpu.memory_space<vmem>>
      %dma_start3A_155 = tpu.memref_slice %arg2[%add3A_110] : memref<320000xi32, #tpu.memory_space<hbm>> -> memref<80xi32, #tpu.memory_space<hbm>>
      %dma_start3A_156 = arith.constant 0 : i32
      %dma_start3A_157 = tpu.memref_slice %arg8[%run_scoped3A, %dma_start3A_156] : memref<2x80xi32, #tpu.memory_space<vmem>> -> memref<1x80xi32, #tpu.memory_space<vmem>>
      %dma_start3A_158 = tpu.memref_squeeze %dma_start3A_157 : memref<1x80xi32, #tpu.memory_space<vmem>> -> memref<80xi32, #tpu.memory_space<vmem>>
      %dma_start3A_159 = tpu.memref_slice %arg2[%add3A_110] : memref<320000xi32, #tpu.memory_space<hbm>> -> memref<80xi32, #tpu.memory_space<hbm>>
      tpu.enqueue_dma source(%dma_start3A_159 : memref<80xi32, #tpu.memory_space<hbm>>) target(%dma_start3A_158 : memref<80xi32, #tpu.memory_space<vmem>>) target_semaphore(%run_scoped3A_151 : memref<!tpu.dma_semaphore, #tpu.memory_space<semaphore_mem>>)
      %dma_wait3A_160 = arith.constant 0 : i32
      %dma_wait3A_161 = tpu.memref_slice %arg8[%run_scoped3A, %dma_wait3A_160] : memref<2x80xi32, #tpu.memory_space<vmem>> -> memref<1x80xi32, #tpu.memory_space<vmem>>
      %dma_wait3A_162 = tpu.memref_squeeze %dma_wait3A_161 : memref<1x80xi32, #tpu.memory_space<vmem>> -> memref<80xi32, #tpu.memory_space<vmem>>
      %dma_wait3A_163 = tpu.memref_slice %arg2[%add3A_110] : memref<320000xi32, #tpu.memory_space<hbm>> -> memref<80xi32, #tpu.memory_space<hbm>>
      %dma_wait3A_164 = arith.constant 0 : i32
      %dma_wait3A_165 = tpu.memref_slice %arg8[%run_scoped3A, %dma_wait3A_164] : memref<2x80xi32, #tpu.memory_space<vmem>> -> memref<1x80xi32, #tpu.memory_space<vmem>>
      %dma_wait3A_166 = tpu.memref_squeeze %dma_wait3A_165 : memref<1x80xi32, #tpu.memory_space<vmem>> -> memref<80xi32, #tpu.memory_space<vmem>>
      %dma_wait3A_167 = tpu.memref_slice %arg2[%add3A_110] : memref<320000xi32, #tpu.memory_space<hbm>> -> memref<80xi32, #tpu.memory_space<hbm>>
      tpu.wait_dma2 semaphore(%run_scoped3A_151 : memref<!tpu.dma_semaphore, #tpu.memory_space<semaphore_mem>>) src(%dma_wait3A_167 : memref<80xi32, #tpu.memory_space<hbm>>) dst(%dma_wait3A_166 : memref<80xi32, #tpu.memory_space<vmem>>)
      tpu.yield
    }) : () -> ()
    %run_scoped3A_111 = arith.constant 0 : i32
    "tpu.region"() ({
      %run_scoped3A_151 = tpu.sem_alloc : memref<!tpu.dma_semaphore, #tpu.memory_space<semaphore_mem>>
      %dma_start3A_152 = arith.constant 0 : i32
      %dma_start3A_153 = tpu.memref_slice %arg9[%run_scoped3A_111, %dma_start3A_152] : memref<2x80xi32, #tpu.memory_space<vmem>> -> memref<1x80xi32, #tpu.memory_space<vmem>>
      %dma_start3A_154 = tpu.memref_squeeze %dma_start3A_153 : memref<1x80xi32, #tpu.memory_space<vmem>> -> memref<80xi32, #tpu.memory_space<vmem>>
      %dma_start3A_155 = tpu.memref_slice %arg3[%add3A_110] : memref<320000xi32, #tpu.memory_space<hbm>> -> memref<80xi32, #tpu.memory_space<hbm>>
      %dma_start3A_156 = arith.constant 0 : i32
      %dma_start3A_157 = tpu.memref_slice %arg9[%run_scoped3A_111, %dma_start3A_156] : memref<2x80xi32, #tpu.memory_space<vmem>> -> memref<1x80xi32, #tpu.memory_space<vmem>>
      %dma_start3A_158 = tpu.memref_squeeze %dma_start3A_157 : memref<1x80xi32, #tpu.memory_space<vmem>> -> memref<80xi32, #tpu.memory_space<vmem>>
      %dma_start3A_159 = tpu.memref_slice %arg3[%add3A_110] : memref<320000xi32, #tpu.memory_space<hbm>> -> memref<80xi32, #tpu.memory_space<hbm>>
      tpu.enqueue_dma source(%dma_start3A_159 : memref<80xi32, #tpu.memory_space<hbm>>) target(%dma_start3A_158 : memref<80xi32, #tpu.memory_space<vmem>>) target_semaphore(%run_scoped3A_151 : memref<!tpu.dma_semaphore, #tpu.memory_space<semaphore_mem>>)
      %dma_wait3A_160 = arith.constant 0 : i32
      %dma_wait3A_161 = tpu.memref_slice %arg9[%run_scoped3A_111, %dma_wait3A_160] : memref<2x80xi32, #tpu.memory_space<vmem>> -> memref<1x80xi32, #tpu.memory_space<vmem>>
      %dma_wait3A_162 = tpu.memref_squeeze %dma_wait3A_161 : memref<1x80xi32, #tpu.memory_space<vmem>> -> memref<80xi32, #tpu.memory_space<vmem>>
      %dma_wait3A_163 = tpu.memref_slice %arg3[%add3A_110] : memref<320000xi32, #tpu.memory_space<hbm>> -> memref<80xi32, #tpu.memory_space<hbm>>
      %dma_wait3A_164 = arith.constant 0 : i32
      %dma_wait3A_165 = tpu.memref_slice %arg9[%run_scoped3A_111, %dma_wait3A_164] : memref<2x80xi32, #tpu.memory_space<vmem>> -> memref<1x80xi32, #tpu.memory_space<vmem>>
      %dma_wait3A_166 = tpu.memref_squeeze %dma_wait3A_165 : memref<1x80xi32, #tpu.memory_space<vmem>> -> memref<80xi32, #tpu.memory_space<vmem>>
      %dma_wait3A_167 = tpu.memref_slice %arg3[%add3A_110] : memref<320000xi32, #tpu.memory_space<hbm>> -> memref<80xi32, #tpu.memory_space<hbm>>
      tpu.wait_dma2 semaphore(%run_scoped3A_151 : memref<!tpu.dma_semaphore, #tpu.memory_space<semaphore_mem>>) src(%dma_wait3A_167 : memref<80xi32, #tpu.memory_space<hbm>>) dst(%dma_wait3A_166 : memref<80xi32, #tpu.memory_space<vmem>>)
      tpu.yield
    }) : () -> ()
    %dma_start3A = arith.constant 0 : i32
    %dma_start3A_112 = arith.constant 0 : i32
    %dma_start3A_113 = tpu.memref_slice %arg9[%dma_start3A, %dma_start3A_112] : memref<2x80xi32, #tpu.memory_space<vmem>> -> memref<1x80xi32, #tpu.memory_space<vmem>>
    %dma_start3A_114 = tpu.memref_squeeze %dma_start3A_113 : memref<1x80xi32, #tpu.memory_space<vmem>> -> memref<80xi32, #tpu.memory_space<vmem>>
    %dma_start3A_115 = arith.constant 0 : i32
    %dma_start3A_116 = arith.constant 0 : i32
    %dma_start3A_117 = tpu.memref_slice %arg5[%dma_start3A_115, %dma_start3A_116] : memref<10000x128xf32, #tpu.memory_space<hbm>> -> memref<10000x128xf32, #tpu.memory_space<hbm>>
    tpu.enqueue_indirect_dma source(%dma_start3A_117 : memref<10000x128xf32, #tpu.memory_space<hbm>>) target(%arg11 : memref<80x128xf32, #tpu.memory_space<vmem>>) offsets(%dma_start3A_114 : memref<80xi32, #tpu.memory_space<vmem>>) semaphore(%arg16 : memref<!tpu.dma_semaphore, #tpu.memory_space<semaphore_mem>>)
    %scan3A_118 = arith.constant 0 : i32
    %scan3A_119 = arith.constant 0 : i32
    %scan3A_120 = arith.constant 125 : i32
    %scan3A_121 = arith.addi %scan3A_119, %scan3A_120 : i32
    %scan3A_122 = arith.constant 1 : i32
    %scan3A_123 = scf.for %scan3A_151 = %scan3A_119 to %scan3A_121 step %scan3A_122 iter_args(%scan3A_152 = %scan3A_118) -> (i32)  : i32 {
      %rem3A = arith.constant 2 : i32
      %rem3A_153 = arith.remsi %scan3A_151, %rem3A : i32
      %dma_start3A_154 = arith.constant 0 : i32
      %dma_start3A_155 = tpu.memref_slice %arg8[%rem3A_153, %dma_start3A_154] : memref<2x80xi32, #tpu.memory_space<vmem>> -> memref<1x80xi32, #tpu.memory_space<vmem>>
      %dma_start3A_156 = tpu.memref_squeeze %dma_start3A_155 : memref<1x80xi32, #tpu.memory_space<vmem>> -> memref<80xi32, #tpu.memory_space<vmem>>
      %dma_start3A_157 = arith.constant 0 : i32
      %dma_start3A_158 = arith.constant 0 : i32
      %dma_start3A_159 = tpu.memref_slice %arg4[%dma_start3A_157, %dma_start3A_158] : memref<10000x128xf32, #tpu.memory_space<hbm>> -> memref<10000x128xf32, #tpu.memory_space<hbm>>
      tpu.enqueue_indirect_dma source(%dma_start3A_159 : memref<10000x128xf32, #tpu.memory_space<hbm>>) target(%arg10 : memref<80x128xf32, #tpu.memory_space<vmem>>) offsets(%dma_start3A_156 : memref<80xi32, #tpu.memory_space<vmem>>) semaphore(%arg15 : memref<!tpu.dma_semaphore, #tpu.memory_space<semaphore_mem>>)
      %add3A_160 = arith.constant 1 : i32
      %add3A_161 = arith.addi %scan3A_151, %add3A_160 : i32
      %min3A = arith.constant 124 : i32
      %min3A_162 = arith.minsi %add3A_161, %min3A : i32
      %sub3A = arith.constant 1 : i32
      %sub3A_163 = arith.subi %sub3A, %rem3A_153 : i32
      %mul3A_164 = arith.constant 80 : i32
      %mul3A_165 = arith.muli %min3A_162, %mul3A_164 : i32
      %add3A_166 = arith.addi %mul3A_2, %mul3A_165 : i32
      "tpu.region"() ({
        %run_scoped3A_195 = tpu.sem_alloc : memref<!tpu.dma_semaphore, #tpu.memory_space<semaphore_mem>>
        %dma_start3A_196 = arith.constant 0 : i32
        %dma_start3A_197 = tpu.memref_slice %arg8[%sub3A_163, %dma_start3A_196] : memref<2x80xi32, #tpu.memory_space<vmem>> -> memref<1x80xi32, #tpu.memory_space<vmem>>
        %dma_start3A_198 = tpu.memref_squeeze %dma_start3A_197 : memref<1x80xi32, #tpu.memory_space<vmem>> -> memref<80xi32, #tpu.memory_space<vmem>>
        %dma_start3A_199 = tpu.memref_slice %arg2[%add3A_166] : memref<320000xi32, #tpu.memory_space<hbm>> -> memref<80xi32, #tpu.memory_space<hbm>>
        %dma_start3A_200 = arith.constant 0 : i32
        %dma_start3A_201 = tpu.memref_slice %arg8[%sub3A_163, %dma_start3A_200] : memref<2x80xi32, #tpu.memory_space<vmem>> -> memref<1x80xi32, #tpu.memory_space<vmem>>
        %dma_start3A_202 = tpu.memref_squeeze %dma_start3A_201 : memref<1x80xi32, #tpu.memory_space<vmem>> -> memref<80xi32, #tpu.memory_space<vmem>>
        %dma_start3A_203 = tpu.memref_slice %arg2[%add3A_166] : memref<320000xi32, #tpu.memory_space<hbm>> -> memref<80xi32, #tpu.memory_space<hbm>>
        tpu.enqueue_dma source(%dma_start3A_203 : memref<80xi32, #tpu.memory_space<hbm>>) target(%dma_start3A_202 : memref<80xi32, #tpu.memory_space<vmem>>) target_semaphore(%run_scoped3A_195 : memref<!tpu.dma_semaphore, #tpu.memory_space<semaphore_mem>>)
        %dma_wait3A_204 = arith.constant 0 : i32
        %dma_wait3A_205 = tpu.memref_slice %arg8[%sub3A_163, %dma_wait3A_204] : memref<2x80xi32, #tpu.memory_space<vmem>> -> memref<1x80xi32, #tpu.memory_space<vmem>>
        %dma_wait3A_206 = tpu.memref_squeeze %dma_wait3A_205 : memref<1x80xi32, #tpu.memory_space<vmem>> -> memref<80xi32, #tpu.memory_space<vmem>>
        %dma_wait3A_207 = tpu.memref_slice %arg2[%add3A_166] : memref<320000xi32, #tpu.memory_space<hbm>> -> memref<80xi32, #tpu.memory_space<hbm>>
        %dma_wait3A_208 = arith.constant 0 : i32
        %dma_wait3A_209 = tpu.memref_slice %arg8[%sub3A_163, %dma_wait3A_208] : memref<2x80xi32, #tpu.memory_space<vmem>> -> memref<1x80xi32, #tpu.memory_space<vmem>>
        %dma_wait3A_210 = tpu.memref_squeeze %dma_wait3A_209 : memref<1x80xi32, #tpu.memory_space<vmem>> -> memref<80xi32, #tpu.memory_space<vmem>>
        %dma_wait3A_211 = tpu.memref_slice %arg2[%add3A_166] : memref<320000xi32, #tpu.memory_space<hbm>> -> memref<80xi32, #tpu.memory_space<hbm>>
        tpu.wait_dma2 semaphore(%run_scoped3A_195 : memref<!tpu.dma_semaphore, #tpu.memory_space<semaphore_mem>>) src(%dma_wait3A_211 : memref<80xi32, #tpu.memory_space<hbm>>) dst(%dma_wait3A_210 : memref<80xi32, #tpu.memory_space<vmem>>)
        tpu.yield
      }) : () -> ()
      "tpu.region"() ({
        %run_scoped3A_195 = tpu.sem_alloc : memref<!tpu.dma_semaphore, #tpu.memory_space<semaphore_mem>>
        %dma_start3A_196 = arith.constant 0 : i32
        %dma_start3A_197 = tpu.memref_slice %arg9[%sub3A_163, %dma_start3A_196] : memref<2x80xi32, #tpu.memory_space<vmem>> -> memref<1x80xi32, #tpu.memory_space<vmem>>
        %dma_start3A_198 = tpu.memref_squeeze %dma_start3A_197 : memref<1x80xi32, #tpu.memory_space<vmem>> -> memref<80xi32, #tpu.memory_space<vmem>>
        %dma_start3A_199 = tpu.memref_slice %arg3[%add3A_166] : memref<320000xi32, #tpu.memory_space<hbm>> -> memref<80xi32, #tpu.memory_space<hbm>>
        %dma_start3A_200 = arith.constant 0 : i32
        %dma_start3A_201 = tpu.memref_slice %arg9[%sub3A_163, %dma_start3A_200] : memref<2x80xi32, #tpu.memory_space<vmem>> -> memref<1x80xi32, #tpu.memory_space<vmem>>
        %dma_start3A_202 = tpu.memref_squeeze %dma_start3A_201 : memref<1x80xi32, #tpu.memory_space<vmem>> -> memref<80xi32, #tpu.memory_space<vmem>>
        %dma_start3A_203 = tpu.memref_slice %arg3[%add3A_166] : memref<320000xi32, #tpu.memory_space<hbm>> -> memref<80xi32, #tpu.memory_space<hbm>>
        tpu.enqueue_dma source(%dma_start3A_203 : memref<80xi32, #tpu.memory_space<hbm>>) target(%dma_start3A_202 : memref<80xi32, #tpu.memory_space<vmem>>) target_semaphore(%run_scoped3A_195 : memref<!tpu.dma_semaphore, #tpu.memory_space<semaphore_mem>>)
        %dma_wait3A_204 = arith.constant 0 : i32
        %dma_wait3A_205 = tpu.memref_slice %arg9[%sub3A_163, %dma_wait3A_204] : memref<2x80xi32, #tpu.memory_space<vmem>> -> memref<1x80xi32, #tpu.memory_space<vmem>>
        %dma_wait3A_206 = tpu.memref_squeeze %dma_wait3A_205 : memref<1x80xi32, #tpu.memory_space<vmem>> -> memref<80xi32, #tpu.memory_space<vmem>>
        %dma_wait3A_207 = tpu.memref_slice %arg3[%add3A_166] : memref<320000xi32, #tpu.memory_space<hbm>> -> memref<80xi32, #tpu.memory_space<hbm>>
        %dma_wait3A_208 = arith.constant 0 : i32
        %dma_wait3A_209 = tpu.memref_slice %arg9[%sub3A_163, %dma_wait3A_208] : memref<2x80xi32, #tpu.memory_space<vmem>> -> memref<1x80xi32, #tpu.memory_space<vmem>>
        %dma_wait3A_210 = tpu.memref_squeeze %dma_wait3A_209 : memref<1x80xi32, #tpu.memory_space<vmem>> -> memref<80xi32, #tpu.memory_space<vmem>>
        %dma_wait3A_211 = tpu.memref_slice %arg3[%add3A_166] : memref<320000xi32, #tpu.memory_space<hbm>> -> memref<80xi32, #tpu.memory_space<hbm>>
        tpu.wait_dma2 semaphore(%run_scoped3A_195 : memref<!tpu.dma_semaphore, #tpu.memory_space<semaphore_mem>>) src(%dma_wait3A_211 : memref<80xi32, #tpu.memory_space<hbm>>) dst(%dma_wait3A_210 : memref<80xi32, #tpu.memory_space<vmem>>)
        tpu.yield
      }) : () -> ()
      %dma_wait3A_167 = arith.constant 0 : i32
      %dma_wait3A_168 = arith.constant 0 : i32
      %dma_wait3A_169 = tpu.memref_slice %arg4[%dma_wait3A_167, %dma_wait3A_168] : memref<10000x128xf32, #tpu.memory_space<hbm>> -> memref<80x128xf32, #tpu.memory_space<hbm>>
      %dma_wait3A_170 = arith.constant 0 : i32
      %dma_wait3A_171 = arith.constant 0 : i32
      %dma_wait3A_172 = tpu.memref_slice %arg4[%dma_wait3A_170, %dma_wait3A_171] : memref<10000x128xf32, #tpu.memory_space<hbm>> -> memref<80x128xf32, #tpu.memory_space<hbm>>
      tpu.wait_dma2 semaphore(%arg15 : memref<!tpu.dma_semaphore, #tpu.memory_space<semaphore_mem>>) src(%dma_wait3A_172 : memref<80x128xf32, #tpu.memory_space<hbm>>) dst(%arg10 : memref<80x128xf32, #tpu.memory_space<vmem>>)
      %dma_wait3A_173 = arith.constant 0 : i32
      %dma_wait3A_174 = arith.constant 0 : i32
      %dma_wait3A_175 = tpu.memref_slice %arg5[%dma_wait3A_173, %dma_wait3A_174] : memref<10000x128xf32, #tpu.memory_space<hbm>> -> memref<80x128xf32, #tpu.memory_space<hbm>>
      %dma_wait3A_176 = arith.constant 0 : i32
      %dma_wait3A_177 = arith.constant 0 : i32
      %dma_wait3A_178 = tpu.memref_slice %arg5[%dma_wait3A_176, %dma_wait3A_177] : memref<10000x128xf32, #tpu.memory_space<hbm>> -> memref<80x128xf32, #tpu.memory_space<hbm>>
      tpu.wait_dma2 semaphore(%arg16 : memref<!tpu.dma_semaphore, #tpu.memory_space<semaphore_mem>>) src(%dma_wait3A_178 : memref<80x128xf32, #tpu.memory_space<hbm>>) dst(%arg11 : memref<80x128xf32, #tpu.memory_space<vmem>>)
      %scan3A_179 = arith.constant 0 : i32
      %scan3A_180 = arith.constant 0 : i32
      %scan3A_181 = arith.constant 40 : i32
      %scan3A_182 = arith.addi %scan3A_180, %scan3A_181 : i32
      %scan3A_183 = arith.constant 1 : i32
      %scan3A_184 = scf.for %scan3A_195 = %scan3A_180 to %scan3A_182 step %scan3A_183 iter_args(%scan3A_196 = %scan3A_179) -> (i32)  : i32 {
        %mul3A_197 = arith.constant 2 : i32
        %mul3A_198 = arith.muli %scan3A_195, %mul3A_197 : i32
        %add3A_199 = arith.constant 0 : i32
        %add3A_200 = arith.addi %mul3A_198, %add3A_199 : i32
        %get3A_201 = arith.index_cast %add3A_200 : i32 to index
        %get3A_202 = arith.constant 0 : index
        %get3A_203 = tpu.vector_load %arg10[%get3A_201, %get3A_202] {strides = array<i32>} : memref<80x128xf32, #tpu.memory_space<vmem>>, vector<1x16xf32>,
        %get3A_204 = vector.shape_cast %get3A_203 : vector<1x16xf32> to vector<16xf32>
        %get3A_205 = arith.index_cast %add3A_200 : i32 to index
        %get3A_206 = arith.constant 0 : index
        %get3A_207 = tpu.vector_load %arg11[%get3A_205, %get3A_206] {strides = array<i32>} : memref<80x128xf32, #tpu.memory_space<vmem>>, vector<1x16xf32>,
        %get3A_208 = vector.shape_cast %get3A_207 : vector<1x16xf32> to vector<16xf32>
        %add3A_209 = arith.addf %get3A_204, %get3A_208 : vector<16xf32>
        %mul3A_210 = arith.mulf %add3A_209, %get3A_6 : vector<16xf32>
        %add3A_211 = arith.addf %mul3A_210, %get3A_46 : vector<16xf32>
        %mul3A_212 = arith.constant 3.000000e-01 : f32
        %mul3A_213 = vector.broadcast %mul3A_212 : f32 to vector<16xf32>
        %mul3A_214 = arith.mulf %add3A_211, %mul3A_213 : vector<16xf32>
        %max3A = arith.maximumf %add3A_211, %mul3A_214 : vector<16xf32>
        %swap3A = arith.index_cast %add3A_200 : i32 to index
        %swap3A_215 = arith.constant 0 : index
        %swap3A_216 = tpu.vector_load %arg10[%swap3A, %swap3A_215] {strides = array<i32>} : memref<80x128xf32, #tpu.memory_space<vmem>>, vector<1x16xf32>,
        %swap3A_217 = vector.shape_cast %swap3A_216 : vector<1x16xf32> to vector<16xf32>
        %swap3A_218 = vector.shape_cast %max3A : vector<16xf32> to vector<1x16xf32>
        tpu.vector_store %arg10[%swap3A, %swap3A_215], %swap3A_218 {strides = array<i32>} : memref<80x128xf32, #tpu.memory_space<vmem>>, vector<1x16xf32>,
        %get3A_219 = arith.index_cast %add3A_200 : i32 to index
        %get3A_220 = arith.constant 16 : index
        %get3A_221 = tpu.vector_load %arg10[%get3A_219, %get3A_220] {strides = array<i32>} : memref<80x128xf32, #tpu.memory_space<vmem>>, vector<1x16xf32>,
        %get3A_222 = vector.shape_cast %get3A_221 : vector<1x16xf32> to vector<16xf32>
        %get3A_223 = arith.index_cast %add3A_200 : i32 to index
        %get3A_224 = arith.constant 16 : index
        %get3A_225 = tpu.vector_load %arg11[%get3A_223, %get3A_224] {strides = array<i32>} : memref<80x128xf32, #tpu.memory_space<vmem>>, vector<1x16xf32>,
        %get3A_226 = vector.shape_cast %get3A_225 : vector<1x16xf32> to vector<16xf32>
        %add3A_227 = arith.addf %get3A_222, %get3A_226 : vector<16xf32>
        %mul3A_228 = arith.mulf %add3A_227, %get3A_11 : vector<16xf32>
        %add3A_229 = arith.addf %mul3A_228, %get3A_51 : vector<16xf32>
        %mul3A_230 = arith.constant 3.000000e-01 : f32
        %mul3A_231 = vector.broadcast %mul3A_230 : f32 to vector<16xf32>
        %mul3A_232 = arith.mulf %add3A_229, %mul3A_231 : vector<16xf32>
        %max3A_233 = arith.maximumf %add3A_229, %mul3A_232 : vector<16xf32>
        %swap3A_234 = arith.index_cast %add3A_200 : i32 to index
        %swap3A_235 = arith.constant 16 : index
        %swap3A_236 = tpu.vector_load %arg10[%swap3A_234, %swap3A_235] {strides = array<i32>} : memref<80x128xf32, #tpu.memory_space<vmem>>, vector<1x16xf32>,
        %swap3A_237 = vector.shape_cast %swap3A_236 : vector<1x16xf32> to vector<16xf32>
        %swap3A_238 = vector.shape_cast %max3A_233 : vector<16xf32> to vector<1x16xf32>
        tpu.vector_store %arg10[%swap3A_234, %swap3A_235], %swap3A_238 {strides = array<i32>} : memref<80x128xf32, #tpu.memory_space<vmem>>, vector<1x16xf32>,
        %get3A_239 = arith.index_cast %add3A_200 : i32 to index
        %get3A_240 = arith.constant 32 : index
        %get3A_241 = tpu.vector_load %arg10[%get3A_239, %get3A_240] {strides = array<i32>} : memref<80x128xf32, #tpu.memory_space<vmem>>, vector<1x16xf32>,
        %get3A_242 = vector.shape_cast %get3A_241 : vector<1x16xf32> to vector<16xf32>
        %get3A_243 = arith.index_cast %add3A_200 : i32 to index
        %get3A_244 = arith.constant 32 : index
        %get3A_245 = tpu.vector_load %arg11[%get3A_243, %get3A_244] {strides = array<i32>} : memref<80x128xf32, #tpu.memory_space<vmem>>, vector<1x16xf32>,
        %get3A_246 = vector.shape_cast %get3A_245 : vector<1x16xf32> to vector<16xf32>
        %add3A_247 = arith.addf %get3A_242, %get3A_246 : vector<16xf32>
        %mul3A_248 = arith.mulf %add3A_247, %get3A_16 : vector<16xf32>
        %add3A_249 = arith.addf %mul3A_248, %get3A_56 : vector<16xf32>
        %mul3A_250 = arith.constant 3.000000e-01 : f32
        %mul3A_251 = vector.broadcast %mul3A_250 : f32 to vector<16xf32>
        %mul3A_252 = arith.mulf %add3A_249, %mul3A_251 : vector<16xf32>
        %max3A_253 = arith.maximumf %add3A_249, %mul3A_252 : vector<16xf32>
        %swap3A_254 = arith.index_cast %add3A_200 : i32 to index
        %swap3A_255 = arith.constant 32 : index
        %swap3A_256 = tpu.vector_load %arg10[%swap3A_254, %swap3A_255] {strides = array<i32>} : memref<80x128xf32, #tpu.memory_space<vmem>>, vector<1x16xf32>,
        %swap3A_257 = vector.shape_cast %swap3A_256 : vector<1x16xf32> to vector<16xf32>
        %swap3A_258 = vector.shape_cast %max3A_253 : vector<16xf32> to vector<1x16xf32>
        tpu.vector_store %arg10[%swap3A_254, %swap3A_255], %swap3A_258 {strides = array<i32>} : memref<80x128xf32, #tpu.memory_space<vmem>>, vector<1x16xf32>,
        %get3A_259 = arith.index_cast %add3A_200 : i32 to index
        %get3A_260 = arith.constant 48 : index
        %get3A_261 = tpu.vector_load %arg10[%get3A_259, %get3A_260] {strides = array<i32>} : memref<80x128xf32, #tpu.memory_space<vmem>>, vector<1x16xf32>,
        %get3A_262 = vector.shape_cast %get3A_261 : vector<1x16xf32> to vector<16xf32>
        %get3A_263 = arith.index_cast %add3A_200 : i32 to index
        %get3A_264 = arith.constant 48 : index
        %get3A_265 = tpu.vector_load %arg11[%get3A_263, %get3A_264] {strides = array<i32>} : memref<80x128xf32, #tpu.memory_space<vmem>>, vector<1x16xf32>,
        %get3A_266 = vector.shape_cast %get3A_265 : vector<1x16xf32> to vector<16xf32>
        %add3A_267 = arith.addf %get3A_262, %get3A_266 : vector<16xf32>
        %mul3A_268 = arith.mulf %add3A_267, %get3A_21 : vector<16xf32>
        %add3A_269 = arith.addf %mul3A_268, %get3A_61 : vector<16xf32>
        %mul3A_270 = arith.constant 3.000000e-01 : f32
        %mul3A_271 = vector.broadcast %mul3A_270 : f32 to vector<16xf32>
        %mul3A_272 = arith.mulf %add3A_269, %mul3A_271 : vector<16xf32>
        %max3A_273 = arith.maximumf %add3A_269, %mul3A_272 : vector<16xf32>
        %swap3A_274 = arith.index_cast %add3A_200 : i32 to index
        %swap3A_275 = arith.constant 48 : index
        %swap3A_276 = tpu.vector_load %arg10[%swap3A_274, %swap3A_275] {strides = array<i32>} : memref<80x128xf32, #tpu.memory_space<vmem>>, vector<1x16xf32>,
        %swap3A_277 = vector.shape_cast %swap3A_276 : vector<1x16xf32> to vector<16xf32>
        %swap3A_278 = vector.shape_cast %max3A_273 : vector<16xf32> to vector<1x16xf32>
        tpu.vector_store %arg10[%swap3A_274, %swap3A_275], %swap3A_278 {strides = array<i32>} : memref<80x128xf32, #tpu.memory_space<vmem>>, vector<1x16xf32>,
        %get3A_279 = arith.index_cast %add3A_200 : i32 to index
        %get3A_280 = arith.constant 64 : index
        %get3A_281 = tpu.vector_load %arg10[%get3A_279, %get3A_280] {strides = array<i32>} : memref<80x128xf32, #tpu.memory_space<vmem>>, vector<1x16xf32>,
        %get3A_282 = vector.shape_cast %get3A_281 : vector<1x16xf32> to vector<16xf32>
        %get3A_283 = arith.index_cast %add3A_200 : i32 to index
        %get3A_284 = arith.constant 64 : index
        %get3A_285 = tpu.vector_load %arg11[%get3A_283, %get3A_284] {strides = array<i32>} : memref<80x128xf32, #tpu.memory_space<vmem>>, vector<1x16xf32>,
        %get3A_286 = vector.shape_cast %get3A_285 : vector<1x16xf32> to vector<16xf32>
        %add3A_287 = arith.addf %get3A_282, %get3A_286 : vector<16xf32>
        %mul3A_288 = arith.mulf %add3A_287, %get3A_26 : vector<16xf32>
        %add3A_289 = arith.addf %mul3A_288, %get3A_66 : vector<16xf32>
        %mul3A_290 = arith.constant 3.000000e-01 : f32
        %mul3A_291 = vector.broadcast %mul3A_290 : f32 to vector<16xf32>
        %mul3A_292 = arith.mulf %add3A_289, %mul3A_291 : vector<16xf32>
        %max3A_293 = arith.maximumf %add3A_289, %mul3A_292 : vector<16xf32>
        %swap3A_294 = arith.index_cast %add3A_200 : i32 to index
        %swap3A_295 = arith.constant 64 : index
        %swap3A_296 = tpu.vector_load %arg10[%swap3A_294, %swap3A_295] {strides = array<i32>} : memref<80x128xf32, #tpu.memory_space<vmem>>, vector<1x16xf32>,
        %swap3A_297 = vector.shape_cast %swap3A_296 : vector<1x16xf32> to vector<16xf32>
        %swap3A_298 = vector.shape_cast %max3A_293 : vector<16xf32> to vector<1x16xf32>
        tpu.vector_store %arg10[%swap3A_294, %swap3A_295], %swap3A_298 {strides = array<i32>} : memref<80x128xf32, #tpu.memory_space<vmem>>, vector<1x16xf32>,
        %get3A_299 = arith.index_cast %add3A_200 : i32 to index
        %get3A_300 = arith.constant 80 : index
        %get3A_301 = tpu.vector_load %arg10[%get3A_299, %get3A_300] {strides = array<i32>} : memref<80x128xf32, #tpu.memory_space<vmem>>, vector<1x16xf32>,
        %get3A_302 = vector.shape_cast %get3A_301 : vector<1x16xf32> to vector<16xf32>
        %get3A_303 = arith.index_cast %add3A_200 : i32 to index
        %get3A_304 = arith.constant 80 : index
        %get3A_305 = tpu.vector_load %arg11[%get3A_303, %get3A_304] {strides = array<i32>} : memref<80x128xf32, #tpu.memory_space<vmem>>, vector<1x16xf32>,
        %get3A_306 = vector.shape_cast %get3A_305 : vector<1x16xf32> to vector<16xf32>
        %add3A_307 = arith.addf %get3A_302, %get3A_306 : vector<16xf32>
        %mul3A_308 = arith.mulf %add3A_307, %get3A_31 : vector<16xf32>
        %add3A_309 = arith.addf %mul3A_308, %get3A_71 : vector<16xf32>
        %mul3A_310 = arith.constant 3.000000e-01 : f32
        %mul3A_311 = vector.broadcast %mul3A_310 : f32 to vector<16xf32>
        %mul3A_312 = arith.mulf %add3A_309, %mul3A_311 : vector<16xf32>
        %max3A_313 = arith.maximumf %add3A_309, %mul3A_312 : vector<16xf32>
        %swap3A_314 = arith.index_cast %add3A_200 : i32 to index
        %swap3A_315 = arith.constant 80 : index
        %swap3A_316 = tpu.vector_load %arg10[%swap3A_314, %swap3A_315] {strides = array<i32>} : memref<80x128xf32, #tpu.memory_space<vmem>>, vector<1x16xf32>,
        %swap3A_317 = vector.shape_cast %swap3A_316 : vector<1x16xf32> to vector<16xf32>
        %swap3A_318 = vector.shape_cast %max3A_313 : vector<16xf32> to vector<1x16xf32>
        tpu.vector_store %arg10[%swap3A_314, %swap3A_315], %swap3A_318 {strides = array<i32>} : memref<80x128xf32, #tpu.memory_space<vmem>>, vector<1x16xf32>,
        %get3A_319 = arith.index_cast %add3A_200 : i32 to index
        %get3A_320 = arith.constant 96 : index
        %get3A_321 = tpu.vector_load %arg10[%get3A_319, %get3A_320] {strides = array<i32>} : memref<80x128xf32, #tpu.memory_space<vmem>>, vector<1x16xf32>,
        %get3A_322 = vector.shape_cast %get3A_321 : vector<1x16xf32> to vector<16xf32>
        %get3A_323 = arith.index_cast %add3A_200 : i32 to index
        %get3A_324 = arith.constant 96 : index
        %get3A_325 = tpu.vector_load %arg11[%get3A_323, %get3A_324] {strides = array<i32>} : memref<80x128xf32, #tpu.memory_space<vmem>>, vector<1x16xf32>,
        %get3A_326 = vector.shape_cast %get3A_325 : vector<1x16xf32> to vector<16xf32>
        %add3A_327 = arith.addf %get3A_322, %get3A_326 : vector<16xf32>
        %mul3A_328 = arith.mulf %add3A_327, %get3A_36 : vector<16xf32>
        %add3A_329 = arith.addf %mul3A_328, %get3A_76 : vector<16xf32>
        %mul3A_330 = arith.constant 3.000000e-01 : f32
        %mul3A_331 = vector.broadcast %mul3A_330 : f32 to vector<16xf32>
        %mul3A_332 = arith.mulf %add3A_329, %mul3A_331 : vector<16xf32>
        %max3A_333 = arith.maximumf %add3A_329, %mul3A_332 : vector<16xf32>
        %swap3A_334 = arith.index_cast %add3A_200 : i32 to index
        %swap3A_335 = arith.constant 96 : index
        %swap3A_336 = tpu.vector_load %arg10[%swap3A_334, %swap3A_335] {strides = array<i32>} : memref<80x128xf32, #tpu.memory_space<vmem>>, vector<1x16xf32>,
        %swap3A_337 = vector.shape_cast %swap3A_336 : vector<1x16xf32> to vector<16xf32>
        %swap3A_338 = vector.shape_cast %max3A_333 : vector<16xf32> to vector<1x16xf32>
        tpu.vector_store %arg10[%swap3A_334, %swap3A_335], %swap3A_338 {strides = array<i32>} : memref<80x128xf32, #tpu.memory_space<vmem>>, vector<1x16xf32>,
        %get3A_339 = arith.index_cast %add3A_200 : i32 to index
        %get3A_340 = arith.constant 112 : index
        %get3A_341 = tpu.vector_load %arg10[%get3A_339, %get3A_340] {strides = array<i32>} : memref<80x128xf32, #tpu.memory_space<vmem>>, vector<1x16xf32>,
        %get3A_342 = vector.shape_cast %get3A_341 : vector<1x16xf32> to vector<16xf32>
        %get3A_343 = arith.index_cast %add3A_200 : i32 to index
        %get3A_344 = arith.constant 112 : index
        %get3A_345 = tpu.vector_load %arg11[%get3A_343, %get3A_344] {strides = array<i32>} : memref<80x128xf32, #tpu.memory_space<vmem>>, vector<1x16xf32>,
        %get3A_346 = vector.shape_cast %get3A_345 : vector<1x16xf32> to vector<16xf32>
        %add3A_347 = arith.addf %get3A_342, %get3A_346 : vector<16xf32>
        %mul3A_348 = arith.mulf %add3A_347, %get3A_41 : vector<16xf32>
        %add3A_349 = arith.addf %mul3A_348, %get3A_81 : vector<16xf32>
        %mul3A_350 = arith.constant 3.000000e-01 : f32
        %mul3A_351 = vector.broadcast %mul3A_350 : f32 to vector<16xf32>
        %mul3A_352 = arith.mulf %add3A_349, %mul3A_351 : vector<16xf32>
        %max3A_353 = arith.maximumf %add3A_349, %mul3A_352 : vector<16xf32>
        %swap3A_354 = arith.index_cast %add3A_200 : i32 to index
        %swap3A_355 = arith.constant 112 : index
        %swap3A_356 = tpu.vector_load %arg10[%swap3A_354, %swap3A_355] {strides = array<i32>} : memref<80x128xf32, #tpu.memory_space<vmem>>, vector<1x16xf32>,
        %swap3A_357 = vector.shape_cast %swap3A_356 : vector<1x16xf32> to vector<16xf32>
        %swap3A_358 = vector.shape_cast %max3A_353 : vector<16xf32> to vector<1x16xf32>
        tpu.vector_store %arg10[%swap3A_354, %swap3A_355], %swap3A_358 {strides = array<i32>} : memref<80x128xf32, #tpu.memory_space<vmem>>, vector<1x16xf32>,
        %mul3A_359 = arith.constant 2 : i32
        %mul3A_360 = arith.muli %scan3A_195, %mul3A_359 : i32
        %add3A_361 = arith.constant 1 : i32
        %add3A_362 = arith.addi %mul3A_360, %add3A_361 : i32
        %get3A_363 = arith.index_cast %add3A_362 : i32 to index
        %get3A_364 = arith.constant 0 : index
        %get3A_365 = tpu.vector_load %arg10[%get3A_363, %get3A_364] {strides = array<i32>} : memref<80x128xf32, #tpu.memory_space<vmem>>, vector<1x16xf32>,
        %get3A_366 = vector.shape_cast %get3A_365 : vector<1x16xf32> to vector<16xf32>
        %get3A_367 = arith.index_cast %add3A_362 : i32 to index
        %get3A_368 = arith.constant 0 : index
        %get3A_369 = tpu.vector_load %arg11[%get3A_367, %get3A_368] {strides = array<i32>} : memref<80x128xf32, #tpu.memory_space<vmem>>, vector<1x16xf32>,
        %get3A_370 = vector.shape_cast %get3A_369 : vector<1x16xf32> to vector<16xf32>
        %add3A_371 = arith.addf %get3A_366, %get3A_370 : vector<16xf32>
        %mul3A_372 = arith.mulf %add3A_371, %get3A_6 : vector<16xf32>
        %add3A_373 = arith.addf %mul3A_372, %get3A_46 : vector<16xf32>
        %mul3A_374 = arith.constant 3.000000e-01 : f32
        %mul3A_375 = vector.broadcast %mul3A_374 : f32 to vector<16xf32>
        %mul3A_376 = arith.mulf %add3A_373, %mul3A_375 : vector<16xf32>
        %max3A_377 = arith.maximumf %add3A_373, %mul3A_376 : vector<16xf32>
        %swap3A_378 = arith.index_cast %add3A_362 : i32 to index
        %swap3A_379 = arith.constant 0 : index
        %swap3A_380 = tpu.vector_load %arg10[%swap3A_378, %swap3A_379] {strides = array<i32>} : memref<80x128xf32, #tpu.memory_space<vmem>>, vector<1x16xf32>,
        %swap3A_381 = vector.shape_cast %swap3A_380 : vector<1x16xf32> to vector<16xf32>
        %swap3A_382 = vector.shape_cast %max3A_377 : vector<16xf32> to vector<1x16xf32>
        tpu.vector_store %arg10[%swap3A_378, %swap3A_379], %swap3A_382 {strides = array<i32>} : memref<80x128xf32, #tpu.memory_space<vmem>>, vector<1x16xf32>,
        %get3A_383 = arith.index_cast %add3A_362 : i32 to index
        %get3A_384 = arith.constant 16 : index
        %get3A_385 = tpu.vector_load %arg10[%get3A_383, %get3A_384] {strides = array<i32>} : memref<80x128xf32, #tpu.memory_space<vmem>>, vector<1x16xf32>,
        %get3A_386 = vector.shape_cast %get3A_385 : vector<1x16xf32> to vector<16xf32>
        %get3A_387 = arith.index_cast %add3A_362 : i32 to index
        %get3A_388 = arith.constant 16 : index
        %get3A_389 = tpu.vector_load %arg11[%get3A_387, %get3A_388] {strides = array<i32>} : memref<80x128xf32, #tpu.memory_space<vmem>>, vector<1x16xf32>,
        %get3A_390 = vector.shape_cast %get3A_389 : vector<1x16xf32> to vector<16xf32>
        %add3A_391 = arith.addf %get3A_386, %get3A_390 : vector<16xf32>
        %mul3A_392 = arith.mulf %add3A_391, %get3A_11 : vector<16xf32>
        %add3A_393 = arith.addf %mul3A_392, %get3A_51 : vector<16xf32>
        %mul3A_394 = arith.constant 3.000000e-01 : f32
        %mul3A_395 = vector.broadcast %mul3A_394 : f32 to vector<16xf32>
        %mul3A_396 = arith.mulf %add3A_393, %mul3A_395 : vector<16xf32>
        %max3A_397 = arith.maximumf %add3A_393, %mul3A_396 : vector<16xf32>
        %swap3A_398 = arith.index_cast %add3A_362 : i32 to index
        %swap3A_399 = arith.constant 16 : index
        %swap3A_400 = tpu.vector_load %arg10[%swap3A_398, %swap3A_399] {strides = array<i32>} : memref<80x128xf32, #tpu.memory_space<vmem>>, vector<1x16xf32>,
        %swap3A_401 = vector.shape_cast %swap3A_400 : vector<1x16xf32> to vector<16xf32>
        %swap3A_402 = vector.shape_cast %max3A_397 : vector<16xf32> to vector<1x16xf32>
        tpu.vector_store %arg10[%swap3A_398, %swap3A_399], %swap3A_402 {strides = array<i32>} : memref<80x128xf32, #tpu.memory_space<vmem>>, vector<1x16xf32>,
        %get3A_403 = arith.index_cast %add3A_362 : i32 to index
        %get3A_404 = arith.constant 32 : index
        %get3A_405 = tpu.vector_load %arg10[%get3A_403, %get3A_404] {strides = array<i32>} : memref<80x128xf32, #tpu.memory_space<vmem>>, vector<1x16xf32>,
        %get3A_406 = vector.shape_cast %get3A_405 : vector<1x16xf32> to vector<16xf32>
        %get3A_407 = arith.index_cast %add3A_362 : i32 to index
        %get3A_408 = arith.constant 32 : index
        %get3A_409 = tpu.vector_load %arg11[%get3A_407, %get3A_408] {strides = array<i32>} : memref<80x128xf32, #tpu.memory_space<vmem>>, vector<1x16xf32>,
        %get3A_410 = vector.shape_cast %get3A_409 : vector<1x16xf32> to vector<16xf32>
        %add3A_411 = arith.addf %get3A_406, %get3A_410 : vector<16xf32>
        %mul3A_412 = arith.mulf %add3A_411, %get3A_16 : vector<16xf32>
        %add3A_413 = arith.addf %mul3A_412, %get3A_56 : vector<16xf32>
        %mul3A_414 = arith.constant 3.000000e-01 : f32
        %mul3A_415 = vector.broadcast %mul3A_414 : f32 to vector<16xf32>
        %mul3A_416 = arith.mulf %add3A_413, %mul3A_415 : vector<16xf32>
        %max3A_417 = arith.maximumf %add3A_413, %mul3A_416 : vector<16xf32>
        %swap3A_418 = arith.index_cast %add3A_362 : i32 to index
        %swap3A_419 = arith.constant 32 : index
        %swap3A_420 = tpu.vector_load %arg10[%swap3A_418, %swap3A_419] {strides = array<i32>} : memref<80x128xf32, #tpu.memory_space<vmem>>, vector<1x16xf32>,
        %swap3A_421 = vector.shape_cast %swap3A_420 : vector<1x16xf32> to vector<16xf32>
        %swap3A_422 = vector.shape_cast %max3A_417 : vector<16xf32> to vector<1x16xf32>
        tpu.vector_store %arg10[%swap3A_418, %swap3A_419], %swap3A_422 {strides = array<i32>} : memref<80x128xf32, #tpu.memory_space<vmem>>, vector<1x16xf32>,
        %get3A_423 = arith.index_cast %add3A_362 : i32 to index
        %get3A_424 = arith.constant 48 : index
        %get3A_425 = tpu.vector_load %arg10[%get3A_423, %get3A_424] {strides = array<i32>} : memref<80x128xf32, #tpu.memory_space<vmem>>, vector<1x16xf32>,
        %get3A_426 = vector.shape_cast %get3A_425 : vector<1x16xf32> to vector<16xf32>
        %get3A_427 = arith.index_cast %add3A_362 : i32 to index
        %get3A_428 = arith.constant 48 : index
        %get3A_429 = tpu.vector_load %arg11[%get3A_427, %get3A_428] {strides = array<i32>} : memref<80x128xf32, #tpu.memory_space<vmem>>, vector<1x16xf32>,
        %get3A_430 = vector.shape_cast %get3A_429 : vector<1x16xf32> to vector<16xf32>
        %add3A_431 = arith.addf %get3A_426, %get3A_430 : vector<16xf32>
        %mul3A_432 = arith.mulf %add3A_431, %get3A_21 : vector<16xf32>
        %add3A_433 = arith.addf %mul3A_432, %get3A_61 : vector<16xf32>
        %mul3A_434 = arith.constant 3.000000e-01 : f32
        %mul3A_435 = vector.broadcast %mul3A_434 : f32 to vector<16xf32>
        %mul3A_436 = arith.mulf %add3A_433, %mul3A_435 : vector<16xf32>
        %max3A_437 = arith.maximumf %add3A_433, %mul3A_436 : vector<16xf32>
        %swap3A_438 = arith.index_cast %add3A_362 : i32 to index
        %swap3A_439 = arith.constant 48 : index
        %swap3A_440 = tpu.vector_load %arg10[%swap3A_438, %swap3A_439] {strides = array<i32>} : memref<80x128xf32, #tpu.memory_space<vmem>>, vector<1x16xf32>,
        %swap3A_441 = vector.shape_cast %swap3A_440 : vector<1x16xf32> to vector<16xf32>
        %swap3A_442 = vector.shape_cast %max3A_437 : vector<16xf32> to vector<1x16xf32>
        tpu.vector_store %arg10[%swap3A_438, %swap3A_439], %swap3A_442 {strides = array<i32>} : memref<80x128xf32, #tpu.memory_space<vmem>>, vector<1x16xf32>,
        %get3A_443 = arith.index_cast %add3A_362 : i32 to index
        %get3A_444 = arith.constant 64 : index
        %get3A_445 = tpu.vector_load %arg10[%get3A_443, %get3A_444] {strides = array<i32>} : memref<80x128xf32, #tpu.memory_space<vmem>>, vector<1x16xf32>,
        %get3A_446 = vector.shape_cast %get3A_445 : vector<1x16xf32> to vector<16xf32>
        %get3A_447 = arith.index_cast %add3A_362 : i32 to index
        %get3A_448 = arith.constant 64 : index
        %get3A_449 = tpu.vector_load %arg11[%get3A_447, %get3A_448] {strides = array<i32>} : memref<80x128xf32, #tpu.memory_space<vmem>>, vector<1x16xf32>,
        %get3A_450 = vector.shape_cast %get3A_449 : vector<1x16xf32> to vector<16xf32>
        %add3A_451 = arith.addf %get3A_446, %get3A_450 : vector<16xf32>
        %mul3A_452 = arith.mulf %add3A_451, %get3A_26 : vector<16xf32>
        %add3A_453 = arith.addf %mul3A_452, %get3A_66 : vector<16xf32>
        %mul3A_454 = arith.constant 3.000000e-01 : f32
        %mul3A_455 = vector.broadcast %mul3A_454 : f32 to vector<16xf32>
        %mul3A_456 = arith.mulf %add3A_453, %mul3A_455 : vector<16xf32>
        %max3A_457 = arith.maximumf %add3A_453, %mul3A_456 : vector<16xf32>
        %swap3A_458 = arith.index_cast %add3A_362 : i32 to index
        %swap3A_459 = arith.constant 64 : index
        %swap3A_460 = tpu.vector_load %arg10[%swap3A_458, %swap3A_459] {strides = array<i32>} : memref<80x128xf32, #tpu.memory_space<vmem>>, vector<1x16xf32>,
        %swap3A_461 = vector.shape_cast %swap3A_460 : vector<1x16xf32> to vector<16xf32>
        %swap3A_462 = vector.shape_cast %max3A_457 : vector<16xf32> to vector<1x16xf32>
        tpu.vector_store %arg10[%swap3A_458, %swap3A_459], %swap3A_462 {strides = array<i32>} : memref<80x128xf32, #tpu.memory_space<vmem>>, vector<1x16xf32>,
        %get3A_463 = arith.index_cast %add3A_362 : i32 to index
        %get3A_464 = arith.constant 80 : index
        %get3A_465 = tpu.vector_load %arg10[%get3A_463, %get3A_464] {strides = array<i32>} : memref<80x128xf32, #tpu.memory_space<vmem>>, vector<1x16xf32>,
        %get3A_466 = vector.shape_cast %get3A_465 : vector<1x16xf32> to vector<16xf32>
        %get3A_467 = arith.index_cast %add3A_362 : i32 to index
        %get3A_468 = arith.constant 80 : index
        %get3A_469 = tpu.vector_load %arg11[%get3A_467, %get3A_468] {strides = array<i32>} : memref<80x128xf32, #tpu.memory_space<vmem>>, vector<1x16xf32>,
        %get3A_470 = vector.shape_cast %get3A_469 : vector<1x16xf32> to vector<16xf32>
        %add3A_471 = arith.addf %get3A_466, %get3A_470 : vector<16xf32>
        %mul3A_472 = arith.mulf %add3A_471, %get3A_31 : vector<16xf32>
        %add3A_473 = arith.addf %mul3A_472, %get3A_71 : vector<16xf32>
        %mul3A_474 = arith.constant 3.000000e-01 : f32
        %mul3A_475 = vector.broadcast %mul3A_474 : f32 to vector<16xf32>
        %mul3A_476 = arith.mulf %add3A_473, %mul3A_475 : vector<16xf32>
        %max3A_477 = arith.maximumf %add3A_473, %mul3A_476 : vector<16xf32>
        %swap3A_478 = arith.index_cast %add3A_362 : i32 to index
        %swap3A_479 = arith.constant 80 : index
        %swap3A_480 = tpu.vector_load %arg10[%swap3A_478, %swap3A_479] {strides = array<i32>} : memref<80x128xf32, #tpu.memory_space<vmem>>, vector<1x16xf32>,
        %swap3A_481 = vector.shape_cast %swap3A_480 : vector<1x16xf32> to vector<16xf32>
        %swap3A_482 = vector.shape_cast %max3A_477 : vector<16xf32> to vector<1x16xf32>
        tpu.vector_store %arg10[%swap3A_478, %swap3A_479], %swap3A_482 {strides = array<i32>} : memref<80x128xf32, #tpu.memory_space<vmem>>, vector<1x16xf32>,
        %get3A_483 = arith.index_cast %add3A_362 : i32 to index
        %get3A_484 = arith.constant 96 : index
        %get3A_485 = tpu.vector_load %arg10[%get3A_483, %get3A_484] {strides = array<i32>} : memref<80x128xf32, #tpu.memory_space<vmem>>, vector<1x16xf32>,
        %get3A_486 = vector.shape_cast %get3A_485 : vector<1x16xf32> to vector<16xf32>
        %get3A_487 = arith.index_cast %add3A_362 : i32 to index
        %get3A_488 = arith.constant 96 : index
        %get3A_489 = tpu.vector_load %arg11[%get3A_487, %get3A_488] {strides = array<i32>} : memref<80x128xf32, #tpu.memory_space<vmem>>, vector<1x16xf32>,
        %get3A_490 = vector.shape_cast %get3A_489 : vector<1x16xf32> to vector<16xf32>
        %add3A_491 = arith.addf %get3A_486, %get3A_490 : vector<16xf32>
        %mul3A_492 = arith.mulf %add3A_491, %get3A_36 : vector<16xf32>
        %add3A_493 = arith.addf %mul3A_492, %get3A_76 : vector<16xf32>
        %mul3A_494 = arith.constant 3.000000e-01 : f32
        %mul3A_495 = vector.broadcast %mul3A_494 : f32 to vector<16xf32>
        %mul3A_496 = arith.mulf %add3A_493, %mul3A_495 : vector<16xf32>
        %max3A_497 = arith.maximumf %add3A_493, %mul3A_496 : vector<16xf32>
        %swap3A_498 = arith.index_cast %add3A_362 : i32 to index
        %swap3A_499 = arith.constant 96 : index
        %swap3A_500 = tpu.vector_load %arg10[%swap3A_498, %swap3A_499] {strides = array<i32>} : memref<80x128xf32, #tpu.memory_space<vmem>>, vector<1x16xf32>,
        %swap3A_501 = vector.shape_cast %swap3A_500 : vector<1x16xf32> to vector<16xf32>
        %swap3A_502 = vector.shape_cast %max3A_497 : vector<16xf32> to vector<1x16xf32>
        tpu.vector_store %arg10[%swap3A_498, %swap3A_499], %swap3A_502 {strides = array<i32>} : memref<80x128xf32, #tpu.memory_space<vmem>>, vector<1x16xf32>,
        %get3A_503 = arith.index_cast %add3A_362 : i32 to index
        %get3A_504 = arith.constant 112 : index
        %get3A_505 = tpu.vector_load %arg10[%get3A_503, %get3A_504] {strides = array<i32>} : memref<80x128xf32, #tpu.memory_space<vmem>>, vector<1x16xf32>,
        %get3A_506 = vector.shape_cast %get3A_505 : vector<1x16xf32> to vector<16xf32>
        %get3A_507 = arith.index_cast %add3A_362 : i32 to index
        %get3A_508 = arith.constant 112 : index
        %get3A_509 = tpu.vector_load %arg11[%get3A_507, %get3A_508] {strides = array<i32>} : memref<80x128xf32, #tpu.memory_space<vmem>>, vector<1x16xf32>,
        %get3A_510 = vector.shape_cast %get3A_509 : vector<1x16xf32> to vector<16xf32>
        %add3A_511 = arith.addf %get3A_506, %get3A_510 : vector<16xf32>
        %mul3A_512 = arith.mulf %add3A_511, %get3A_41 : vector<16xf32>
        %add3A_513 = arith.addf %mul3A_512, %get3A_81 : vector<16xf32>
        %mul3A_514 = arith.constant 3.000000e-01 : f32
        %mul3A_515 = vector.broadcast %mul3A_514 : f32 to vector<16xf32>
        %mul3A_516 = arith.mulf %add3A_513, %mul3A_515 : vector<16xf32>
        %max3A_517 = arith.maximumf %add3A_513, %mul3A_516 : vector<16xf32>
        %swap3A_518 = arith.index_cast %add3A_362 : i32 to index
        %swap3A_519 = arith.constant 112 : index
        %swap3A_520 = tpu.vector_load %arg10[%swap3A_518, %swap3A_519] {strides = array<i32>} : memref<80x128xf32, #tpu.memory_space<vmem>>, vector<1x16xf32>,
        %swap3A_521 = vector.shape_cast %swap3A_520 : vector<1x16xf32> to vector<16xf32>
        %swap3A_522 = vector.shape_cast %max3A_517 : vector<16xf32> to vector<1x16xf32>
        tpu.vector_store %arg10[%swap3A_518, %swap3A_519], %swap3A_522 {strides = array<i32>} : memref<80x128xf32, #tpu.memory_space<vmem>>, vector<1x16xf32>,
        %scan3A_523 = arith.constant 0 : i32
        scf.yield %scan3A_523 : i32
      }
      %scan3A_185 = arith.constant 40 : i32
      %sub3A_186 = arith.constant 1 : i32
      %sub3A_187 = arith.subi %sub3A_186, %rem3A_153 : i32
      %dma_start3A_188 = arith.constant 0 : i32
      %dma_start3A_189 = tpu.memref_slice %arg9[%sub3A_187, %dma_start3A_188] : memref<2x80xi32, #tpu.memory_space<vmem>> -> memref<1x80xi32, #tpu.memory_space<vmem>>
      %dma_start3A_190 = tpu.memref_squeeze %dma_start3A_189 : memref<1x80xi32, #tpu.memory_space<vmem>> -> memref<80xi32, #tpu.memory_space<vmem>>
      %dma_start3A_191 = arith.constant 0 : i32
      %dma_start3A_192 = arith.constant 0 : i32
      %dma_start3A_193 = tpu.memref_slice %arg5[%dma_start3A_191, %dma_start3A_192] : memref<10000x128xf32, #tpu.memory_space<hbm>> -> memref<10000x128xf32, #tpu.memory_space<hbm>>
      tpu.enqueue_indirect_dma source(%dma_start3A_193 : memref<10000x128xf32, #tpu.memory_space<hbm>>) target(%arg11 : memref<80x128xf32, #tpu.memory_space<vmem>>) offsets(%dma_start3A_190 : memref<80xi32, #tpu.memory_space<vmem>>) semaphore(%arg16 : memref<!tpu.dma_semaphore, #tpu.memory_space<semaphore_mem>>)
      "tpu.region"() ({
        %run_scoped3A_195 = tpu.sem_alloc : memref<!tpu.dma_semaphore, #tpu.memory_space<semaphore_mem>>
        %dma_start3A_196 = arith.constant 0 : i32
        %dma_start3A_197 = tpu.memref_slice %arg8[%rem3A_153, %dma_start3A_196] : memref<2x80xi32, #tpu.memory_space<vmem>> -> memref<1x80xi32, #tpu.memory_space<vmem>>
        %dma_start3A_198 = tpu.memref_squeeze %dma_start3A_197 : memref<1x80xi32, #tpu.memory_space<vmem>> -> memref<80xi32, #tpu.memory_space<vmem>>
        %dma_start3A_199 = arith.constant 0 : i32
        %dma_start3A_200 = arith.constant 0 : i32
        %dma_start3A_201 = tpu.memref_slice %arg14[%dma_start3A_199, %dma_start3A_200] : memref<10240x128xf32, #tpu.memory_space<vmem_shared>> -> memref<10240x128xf32, #tpu.memory_space<vmem_shared>>
        tpu.enqueue_indirect_dma source(%arg10 : memref<80x128xf32, #tpu.memory_space<vmem>>) target(%dma_start3A_201 : memref<10240x128xf32, #tpu.memory_space<vmem_shared>>) offsets(%dma_start3A_198 : memref<80xi32, #tpu.memory_space<vmem>>) semaphore(%run_scoped3A_195 : memref<!tpu.dma_semaphore, #tpu.memory_space<semaphore_mem>>) {add = true}
        %dma_wait3A_202 = arith.constant 0 : i32
        %dma_wait3A_203 = tpu.memref_slice %arg8[%rem3A_153, %dma_wait3A_202] : memref<2x80xi32, #tpu.memory_space<vmem>> -> memref<1x80xi32, #tpu.memory_space<vmem>>
        %dma_wait3A_204 = tpu.memref_squeeze %dma_wait3A_203 : memref<1x80xi32, #tpu.memory_space<vmem>> -> memref<80xi32, #tpu.memory_space<vmem>>
        %dma_wait3A_205 = arith.constant 0 : i32
        %dma_wait3A_206 = arith.constant 0 : i32
        %dma_wait3A_207 = tpu.memref_slice %arg14[%dma_wait3A_205, %dma_wait3A_206] : memref<10240x128xf32, #tpu.memory_space<vmem_shared>> -> memref<10240x128xf32, #tpu.memory_space<vmem_shared>>
        tpu.wait_indirect_dma semaphore(%run_scoped3A_195 : memref<!tpu.dma_semaphore, #tpu.memory_space<semaphore_mem>>) src(%arg10 : memref<80x128xf32, #tpu.memory_space<vmem>>) dst(%dma_wait3A_207 : memref<10240x128xf32, #tpu.memory_space<vmem_shared>>)
        tpu.yield
      }) : () -> ()
      %scan3A_194 = arith.constant 0 : i32
      scf.yield %scan3A_194 : i32
    }
    %scan3A_124 = arith.constant 125 : i32
    %dma_wait3A = arith.constant 0 : i32
    %dma_wait3A_125 = arith.constant 0 : i32
    %dma_wait3A_126 = tpu.memref_slice %arg5[%dma_wait3A, %dma_wait3A_125] : memref<10000x128xf32, #tpu.memory_space<hbm>> -> memref<80x128xf32, #tpu.memory_space<hbm>>
    %dma_wait3A_127 = arith.constant 0 : i32
    %dma_wait3A_128 = arith.constant 0 : i32
    %dma_wait3A_129 = tpu.memref_slice %arg5[%dma_wait3A_127, %dma_wait3A_128] : memref<10000x128xf32, #tpu.memory_space<hbm>> -> memref<80x128xf32, #tpu.memory_space<hbm>>
    tpu.wait_dma2 semaphore(%arg16 : memref<!tpu.dma_semaphore, #tpu.memory_space<semaphore_mem>>) src(%dma_wait3A_129 : memref<80x128xf32, #tpu.memory_space<hbm>>) dst(%arg11 : memref<80x128xf32, #tpu.memory_space<vmem>>)
    %barrier3A_130 = arith.constant 0 : index
    tpu.barrier barrier_id(%barrier3A_130)
    %mul3A_131 = arith.constant 640 : i32
    %mul3A_132 = arith.muli %arg1, %mul3A_131 : i32
    %add3A_133 = arith.constant 0 : i32
    %add3A_134 = arith.addi %mul3A_132, %add3A_133 : i32
    "tpu.region"() ({
      %run_scoped3A_151 = tpu.sem_alloc : memref<!tpu.dma_semaphore, #tpu.memory_space<semaphore_mem>>
      %dma_start3A_152 = arith.constant 0 : i32
      %dma_start3A_153 = tpu.memref_slice %arg7[%arg0, %add3A_134, %dma_start3A_152] : memref<2x10240x128xf32, #tpu.memory_space<hbm>> -> memref<1x128x128xf32, #tpu.memory_space<hbm>>
      %dma_start3A_154 = tpu.memref_squeeze %dma_start3A_153 : memref<1x128x128xf32, #tpu.memory_space<hbm>> -> memref<128x128xf32, #tpu.memory_space<hbm>>
      %dma_start3A_155 = arith.constant 0 : i32
      %dma_start3A_156 = tpu.memref_slice %arg14[%add3A_134, %dma_start3A_155] : memref<10240x128xf32, #tpu.memory_space<vmem_shared>> -> memref<128x128xf32, #tpu.memory_space<vmem_shared>>
      tpu.enqueue_dma source(%dma_start3A_156 : memref<128x128xf32, #tpu.memory_space<vmem_shared>>) target(%dma_start3A_154 : memref<128x128xf32, #tpu.memory_space<hbm>>) target_semaphore(%run_scoped3A_151 : memref<!tpu.dma_semaphore, #tpu.memory_space<semaphore_mem>>)
      %dma_wait3A_157 = arith.constant 0 : i32
      %dma_wait3A_158 = tpu.memref_slice %arg7[%arg0, %add3A_134, %dma_wait3A_157] : memref<2x10240x128xf32, #tpu.memory_space<hbm>> -> memref<1x128x128xf32, #tpu.memory_space<hbm>>
      %dma_wait3A_159 = tpu.memref_squeeze %dma_wait3A_158 : memref<1x128x128xf32, #tpu.memory_space<hbm>> -> memref<128x128xf32, #tpu.memory_space<hbm>>
      %dma_wait3A_160 = arith.constant 0 : i32
      %dma_wait3A_161 = tpu.memref_slice %arg14[%add3A_134, %dma_wait3A_160] : memref<10240x128xf32, #tpu.memory_space<vmem_shared>> -> memref<128x128xf32, #tpu.memory_space<vmem_shared>>
      tpu.wait_dma2 semaphore(%run_scoped3A_151 : memref<!tpu.dma_semaphore, #tpu.memory_space<semaphore_mem>>) src(%dma_wait3A_161 : memref<128x128xf32, #tpu.memory_space<vmem_shared>>) dst(%dma_wait3A_159 : memref<128x128xf32, #tpu.memory_space<hbm>>)
      tpu.yield
    }) : () -> ()
    %mul3A_135 = arith.constant 640 : i32
    %mul3A_136 = arith.muli %arg1, %mul3A_135 : i32
    %add3A_137 = arith.constant 128 : i32
    %add3A_138 = arith.addi %mul3A_136, %add3A_137 : i32
    "tpu.region"() ({
      %run_scoped3A_151 = tpu.sem_alloc : memref<!tpu.dma_semaphore, #tpu.memory_space<semaphore_mem>>
      %dma_start3A_152 = arith.constant 0 : i32
      %dma_start3A_153 = tpu.memref_slice %arg7[%arg0, %add3A_138, %dma_start3A_152] : memref<2x10240x128xf32, #tpu.memory_space<hbm>> -> memref<1x128x128xf32, #tpu.memory_space<hbm>>
      %dma_start3A_154 = tpu.memref_squeeze %dma_start3A_153 : memref<1x128x128xf32, #tpu.memory_space<hbm>> -> memref<128x128xf32, #tpu.memory_space<hbm>>
      %dma_start3A_155 = arith.constant 0 : i32
      %dma_start3A_156 = tpu.memref_slice %arg14[%add3A_138, %dma_start3A_155] : memref<10240x128xf32, #tpu.memory_space<vmem_shared>> -> memref<128x128xf32, #tpu.memory_space<vmem_shared>>
      tpu.enqueue_dma source(%dma_start3A_156 : memref<128x128xf32, #tpu.memory_space<vmem_shared>>) target(%dma_start3A_154 : memref<128x128xf32, #tpu.memory_space<hbm>>) target_semaphore(%run_scoped3A_151 : memref<!tpu.dma_semaphore, #tpu.memory_space<semaphore_mem>>)
      %dma_wait3A_157 = arith.constant 0 : i32
      %dma_wait3A_158 = tpu.memref_slice %arg7[%arg0, %add3A_138, %dma_wait3A_157] : memref<2x10240x128xf32, #tpu.memory_space<hbm>> -> memref<1x128x128xf32, #tpu.memory_space<hbm>>
      %dma_wait3A_159 = tpu.memref_squeeze %dma_wait3A_158 : memref<1x128x128xf32, #tpu.memory_space<hbm>> -> memref<128x128xf32, #tpu.memory_space<hbm>>
      %dma_wait3A_160 = arith.constant 0 : i32
      %dma_wait3A_161 = tpu.memref_slice %arg14[%add3A_138, %dma_wait3A_160] : memref<10240x128xf32, #tpu.memory_space<vmem_shared>> -> memref<128x128xf32, #tpu.memory_space<vmem_shared>>
      tpu.wait_dma2 semaphore(%run_scoped3A_151 : memref<!tpu.dma_semaphore, #tpu.memory_space<semaphore_mem>>) src(%dma_wait3A_161 : memref<128x128xf32, #tpu.memory_space<vmem_shared>>) dst(%dma_wait3A_159 : memref<128x128xf32, #tpu.memory_space<hbm>>)
      tpu.yield
    }) : () -> ()
    %mul3A_139 = arith.constant 640 : i32
    %mul3A_140 = arith.muli %arg1, %mul3A_139 : i32
    %add3A_141 = arith.constant 256 : i32
    %add3A_142 = arith.addi %mul3A_140, %add3A_141 : i32
    "tpu.region"() ({
      %run_scoped3A_151 = tpu.sem_alloc : memref<!tpu.dma_semaphore, #tpu.memory_space<semaphore_mem>>
      %dma_start3A_152 = arith.constant 0 : i32
      %dma_start3A_153 = tpu.memref_slice %arg7[%arg0, %add3A_142, %dma_start3A_152] : memref<2x10240x128xf32, #tpu.memory_space<hbm>> -> memref<1x128x128xf32, #tpu.memory_space<hbm>>
      %dma_start3A_154 = tpu.memref_squeeze %dma_start3A_153 : memref<1x128x128xf32, #tpu.memory_space<hbm>> -> memref<128x128xf32, #tpu.memory_space<hbm>>
      %dma_start3A_155 = arith.constant 0 : i32
      %dma_start3A_156 = tpu.memref_slice %arg14[%add3A_142, %dma_start3A_155] : memref<10240x128xf32, #tpu.memory_space<vmem_shared>> -> memref<128x128xf32, #tpu.memory_space<vmem_shared>>
      tpu.enqueue_dma source(%dma_start3A_156 : memref<128x128xf32, #tpu.memory_space<vmem_shared>>) target(%dma_start3A_154 : memref<128x128xf32, #tpu.memory_space<hbm>>) target_semaphore(%run_scoped3A_151 : memref<!tpu.dma_semaphore, #tpu.memory_space<semaphore_mem>>)
      %dma_wait3A_157 = arith.constant 0 : i32
      %dma_wait3A_158 = tpu.memref_slice %arg7[%arg0, %add3A_142, %dma_wait3A_157] : memref<2x10240x128xf32, #tpu.memory_space<hbm>> -> memref<1x128x128xf32, #tpu.memory_space<hbm>>
      %dma_wait3A_159 = tpu.memref_squeeze %dma_wait3A_158 : memref<1x128x128xf32, #tpu.memory_space<hbm>> -> memref<128x128xf32, #tpu.memory_space<hbm>>
      %dma_wait3A_160 = arith.constant 0 : i32
      %dma_wait3A_161 = tpu.memref_slice %arg14[%add3A_142, %dma_wait3A_160] : memref<10240x128xf32, #tpu.memory_space<vmem_shared>> -> memref<128x128xf32, #tpu.memory_space<vmem_shared>>
      tpu.wait_dma2 semaphore(%run_scoped3A_151 : memref<!tpu.dma_semaphore, #tpu.memory_space<semaphore_mem>>) src(%dma_wait3A_161 : memref<128x128xf32, #tpu.memory_space<vmem_shared>>) dst(%dma_wait3A_159 : memref<128x128xf32, #tpu.memory_space<hbm>>)
      tpu.yield
    }) : () -> ()
    %mul3A_143 = arith.constant 640 : i32
    %mul3A_144 = arith.muli %arg1, %mul3A_143 : i32
    %add3A_145 = arith.constant 384 : i32
    %add3A_146 = arith.addi %mul3A_144, %add3A_145 : i32
    "tpu.region"() ({
      %run_scoped3A_151 = tpu.sem_alloc : memref<!tpu.dma_semaphore, #tpu.memory_space<semaphore_mem>>
      %dma_start3A_152 = arith.constant 0 : i32
      %dma_start3A_153 = tpu.memref_slice %arg7[%arg0, %add3A_146, %dma_start3A_152] : memref<2x10240x128xf32, #tpu.memory_space<hbm>> -> memref<1x128x128xf32, #tpu.memory_space<hbm>>
      %dma_start3A_154 = tpu.memref_squeeze %dma_start3A_153 : memref<1x128x128xf32, #tpu.memory_space<hbm>> -> memref<128x128xf32, #tpu.memory_space<hbm>>
      %dma_start3A_155 = arith.constant 0 : i32
      %dma_start3A_156 = tpu.memref_slice %arg14[%add3A_146, %dma_start3A_155] : memref<10240x128xf32, #tpu.memory_space<vmem_shared>> -> memref<128x128xf32, #tpu.memory_space<vmem_shared>>
      tpu.enqueue_dma source(%dma_start3A_156 : memref<128x128xf32, #tpu.memory_space<vmem_shared>>) target(%dma_start3A_154 : memref<128x128xf32, #tpu.memory_space<hbm>>) target_semaphore(%run_scoped3A_151 : memref<!tpu.dma_semaphore, #tpu.memory_space<semaphore_mem>>)
      %dma_wait3A_157 = arith.constant 0 : i32
      %dma_wait3A_158 = tpu.memref_slice %arg7[%arg0, %add3A_146, %dma_wait3A_157] : memref<2x10240x128xf32, #tpu.memory_space<hbm>> -> memref<1x128x128xf32, #tpu.memory_space<hbm>>
      %dma_wait3A_159 = tpu.memref_squeeze %dma_wait3A_158 : memref<1x128x128xf32, #tpu.memory_space<hbm>> -> memref<128x128xf32, #tpu.memory_space<hbm>>
      %dma_wait3A_160 = arith.constant 0 : i32
      %dma_wait3A_161 = tpu.memref_slice %arg14[%add3A_146, %dma_wait3A_160] : memref<10240x128xf32, #tpu.memory_space<vmem_shared>> -> memref<128x128xf32, #tpu.memory_space<vmem_shared>>
      tpu.wait_dma2 semaphore(%run_scoped3A_151 : memref<!tpu.dma_semaphore, #tpu.memory_space<semaphore_mem>>) src(%dma_wait3A_161 : memref<128x128xf32, #tpu.memory_space<vmem_shared>>) dst(%dma_wait3A_159 : memref<128x128xf32, #tpu.memory_space<hbm>>)
      tpu.yield
    }) : () -> ()
    %mul3A_147 = arith.constant 640 : i32
    %mul3A_148 = arith.muli %arg1, %mul3A_147 : i32
    %add3A_149 = arith.constant 512 : i32
    %add3A_150 = arith.addi %mul3A_148, %add3A_149 : i32
    "tpu.region"() ({
      %run_scoped3A_151 = tpu.sem_alloc : memref<!tpu.dma_semaphore, #tpu.memory_space<semaphore_mem>>
      %dma_start3A_152 = arith.constant 0 : i32
      %dma_start3A_153 = tpu.memref_slice %arg7[%arg0, %add3A_150, %dma_start3A_152] : memref<2x10240x128xf32, #tpu.memory_space<hbm>> -> memref<1x128x128xf32, #tpu.memory_space<hbm>>
      %dma_start3A_154 = tpu.memref_squeeze %dma_start3A_153 : memref<1x128x128xf32, #tpu.memory_space<hbm>> -> memref<128x128xf32, #tpu.memory_space<hbm>>
      %dma_start3A_155 = arith.constant 0 : i32
      %dma_start3A_156 = tpu.memref_slice %arg14[%add3A_150, %dma_start3A_155] : memref<10240x128xf32, #tpu.memory_space<vmem_shared>> -> memref<128x128xf32, #tpu.memory_space<vmem_shared>>
      tpu.enqueue_dma source(%dma_start3A_156 : memref<128x128xf32, #tpu.memory_space<vmem_shared>>) target(%dma_start3A_154 : memref<128x128xf32, #tpu.memory_space<hbm>>) target_semaphore(%run_scoped3A_151 : memref<!tpu.dma_semaphore, #tpu.memory_space<semaphore_mem>>)
      %dma_wait3A_157 = arith.constant 0 : i32
      %dma_wait3A_158 = tpu.memref_slice %arg7[%arg0, %add3A_150, %dma_wait3A_157] : memref<2x10240x128xf32, #tpu.memory_space<hbm>> -> memref<1x128x128xf32, #tpu.memory_space<hbm>>
      %dma_wait3A_159 = tpu.memref_squeeze %dma_wait3A_158 : memref<1x128x128xf32, #tpu.memory_space<hbm>> -> memref<128x128xf32, #tpu.memory_space<hbm>>
      %dma_wait3A_160 = arith.constant 0 : i32
      %dma_wait3A_161 = tpu.memref_slice %arg14[%add3A_150, %dma_wait3A_160] : memref<10240x128xf32, #tpu.memory_space<vmem_shared>> -> memref<128x128xf32, #tpu.memory_space<vmem_shared>>
      tpu.wait_dma2 semaphore(%run_scoped3A_151 : memref<!tpu.dma_semaphore, #tpu.memory_space<semaphore_mem>>) src(%dma_wait3A_161 : memref<128x128xf32, #tpu.memory_space<vmem_shared>>) dst(%dma_wait3A_159 : memref<128x128xf32, #tpu.memory_space<hbm>>)
      tpu.yield
    }) : () -> ()
    return
  }
}

module attributes {stable_mosaic.version = 14 : i64} {
  func.func @body(%arg0: memref<10000x128xf32, #tpu.memory_space<vmem>>, %arg1: memref<128x256xf32, #tpu.memory_space<vmem>>, %arg2: memref<10000x128xf32, #tpu.memory_space<vmem>>, %arg3: memref<10000x128xf32, #tpu.memory_space<vmem>>) attributes {dimension_semantics = [], scalar_prefetch = 0 : i64, scratch_operands = 0 : i64, tpu.core_type = #tpu.core_type<tc>} {
    %get3A = arith.constant 0 : index
    %get3A_0 = arith.constant 0 : index
    %get3A_1 = vector.load %arg0[%get3A, %get3A_0] : memref<10000x128xf32, #tpu.memory_space<vmem>>, vector<10000x128xf32>
    %get3A_2 = arith.constant 0 : index
    %get3A_3 = arith.constant 0 : index
    %get3A_4 = vector.load %arg1[%get3A_2, %get3A_3] : memref<128x256xf32, #tpu.memory_space<vmem>>, vector<128x128xf32>
    %dot_general3A = arith.constant dense<0.000000e+00> : vector<10000x128xf32>
    %dot_general3A_5 = tpu.matmul %get3A_1, %get3A_4, %dot_general3A {dimension_numbers = #tpu.dot_dimension_numbers<[1], [0], [0], [1], [0, 0, 1, 1], [], []>, transpose_lhs_hint = false} : vector<10000x128xf32>, vector<128x128xf32>, vector<10000x128xf32> -> vector<10000x128xf32>
    %swap3A = arith.constant 0 : index
    %swap3A_6 = arith.constant 0 : index
    %swap3A_7 = vector.load %arg2[%swap3A, %swap3A_6] : memref<10000x128xf32, #tpu.memory_space<vmem>>, vector<10000x128xf32>
    tpu.vector_store %arg2[%swap3A, %swap3A_6], %dot_general3A_5 {strides = array<i32>} : memref<10000x128xf32, #tpu.memory_space<vmem>>, vector<10000x128xf32>,
    %get3A_8 = arith.constant 0 : index
    %get3A_9 = arith.constant 128 : index
    %get3A_10 = vector.load %arg1[%get3A_8, %get3A_9] : memref<128x256xf32, #tpu.memory_space<vmem>>, vector<128x128xf32>
    %dot_general3A_11 = arith.constant dense<0.000000e+00> : vector<10000x128xf32>
    %dot_general3A_12 = tpu.matmul %get3A_1, %get3A_10, %dot_general3A_11 {dimension_numbers = #tpu.dot_dimension_numbers<[1], [0], [0], [1], [0, 0, 1, 1], [], []>, transpose_lhs_hint = false} : vector<10000x128xf32>, vector<128x128xf32>, vector<10000x128xf32> -> vector<10000x128xf32>
    %swap3A_13 = arith.constant 0 : index
    %swap3A_14 = arith.constant 0 : index
    %swap3A_15 = vector.load %arg3[%swap3A_13, %swap3A_14] : memref<10000x128xf32, #tpu.memory_space<vmem>>, vector<10000x128xf32>
    tpu.vector_store %arg3[%swap3A_13, %swap3A_14], %dot_general3A_12 {strides = array<i32>} : memref<10000x128xf32, #tpu.memory_space<vmem>>, vector<10000x128xf32>,
    return
  }
}

module attributes {stable_mosaic.version = 14 : i64} {
  func.func @body(%arg0: memref<2x10240x128xf32, #tpu.memory_space<vmem>>, %arg1: memref<10000x1xf32, #tpu.memory_space<vmem>>, %arg2: memref<10000x128xf32, #tpu.memory_space<vmem>>) attributes {dimension_semantics = [], scalar_prefetch = 0 : i64, scratch_operands = 0 : i64, tpu.core_type = #tpu.core_type<tc>} {
    %get3A = arith.constant 0 : index
    %get3A_0 = arith.constant 0 : index
    %get3A_1 = arith.constant 0 : index
    %get3A_2 = vector.load %arg0[%get3A, %get3A_0, %get3A_1] : memref<2x10240x128xf32, #tpu.memory_space<vmem>>, vector<1x10000x128xf32>
    %get3A_3 = vector.shape_cast %get3A_2 : vector<1x10000x128xf32> to vector<10000x128xf32>
    %get3A_4 = arith.constant 1 : index
    %get3A_5 = arith.constant 0 : index
    %get3A_6 = arith.constant 0 : index
    %get3A_7 = vector.load %arg0[%get3A_4, %get3A_5, %get3A_6] : memref<2x10240x128xf32, #tpu.memory_space<vmem>>, vector<1x10000x128xf32>
    %get3A_8 = vector.shape_cast %get3A_7 : vector<1x10000x128xf32> to vector<10000x128xf32>
    %add3A = arith.addf %get3A_3, %get3A_8 : vector<10000x128xf32>
    %get3A_9 = arith.constant 0 : index
    %get3A_10 = arith.constant 0 : index
    %get3A_11 = vector.load %arg1[%get3A_9, %get3A_10] : memref<10000x1xf32, #tpu.memory_space<vmem>>, vector<10000x1xf32>
    %mul3A = vector.broadcast %get3A_11 : vector<10000x1xf32> to vector<10000x128xf32>
    %mul3A_12 = arith.mulf %add3A, %mul3A : vector<10000x128xf32>
    %swap3A = arith.constant 0 : index
    %swap3A_13 = arith.constant 0 : index
    %swap3A_14 = vector.load %arg2[%swap3A, %swap3A_13] : memref<10000x128xf32, #tpu.memory_space<vmem>>, vector<10000x128xf32>
    tpu.vector_store %arg2[%swap3A, %swap3A_13], %mul3A_12 {strides = array<i32>} : memref<10000x128xf32, #tpu.memory_space<vmem>>, vector<10000x128xf32>,
    return
  }
}

</mosaic_0001>

<sc_bundles>
// kernel: kernel.6.cloned.1.call-start
scs
__scs_entry_jumppad:
0x0: {  	(pc) =	sbr.rel $0x88, $3  }
0x1: {  	(tag) =	ssettag $0x0;
	lr =	simm.s32 $0x1  }
0x2: {  	[smem:$0x3F9C] =	sst lr;
	_ =	strace $0xD0000000  }
0x3: {  	_ = 	snop  }
0x4: {  	_ = 	snop  }
0x5: {  	_ = 	snop  }
0x6: {  	_ = 	snop  }
0x7: {  	_ = 	snop  }
__scs_overlays_trampoline_lowered:
0x8: {  	[smem:$0x3FAB] =	sst s0  }
0x9: {  	[smem:$0x3FAC] =	sst s1  }
0xa: {  	[smem:$0x3FAD] =	sst s2  }
0xb: {  	[smem:$0x3FAE] =	sst s3  }
0xc: {  	[smem:$0x3FAF] =	sst s4  }
0xd: {  	[smem:$0x3FB0] =	sst s5  }
0xe: {  	[smem:$0x3FB1] =	sst s6  }
0xf: {  	[smem:$0x3FB2] =	sst s7  }
0x10: {  	[smem:$0x3FB3] =	sst s8  }
0x11: {  	[smem:$0x3FB4] =	sst s9;
	s0 =	simm.s32 @!p0 $0x0  }
0x12: {  	s1 =	sld [smem:$0x3F9A];
	s0 =	simm.s32 @p0 $0x1  }
0x13: {  	[smem:$0x3FB5] =	sst s0;
	s0 =	simm.s32 @!p1 $0x0  }
0x14: {  	s2 =	sld [smem:$0x3F99];
	s0 =	simm.s32 @p1 $0x1  }
0x15: {  	[smem:$0x3FB6] =	sst s0;
	s0 =	simm.s32 @!p2 $0x0  }
0x16: {  	s3 =	sld [smem:$0x3FDB];
	s0 =	simm.s32 @p2 $0x1  }
0x17: {  	s4 =	simm.s32 $0x1BF5;
	[smem:$0x3FB8] =	sst s0  }
0x18: {  	s0 =	sld [smem:$0x3F9B];
	_ =	swait.ge [sflag:s4], $0x0  }
0x19: {  	s7 =	sld [smem:$0x3F9C]  }
0x1a: {  	s8 =	sadd.s32 $0xFFFFE003, lr  }
0x1b: {  	s9 =	sadd.s32 $0xFFFFFEF7, lr;
	s5 =	simm.s32 $0xFFFFFFFF;
	p2 =	slt.u32 s8, $0xFFFFF086  }
0x1c: {  	p1 =	slt.u32 s9, $0xF7A;
	s5 =	simm.s32 @!p2 $0x0  }
0x1d: {  	s5 =	simm.s32 @p1 $0x1;
	p0 =	seq.s32 s7, s2  }
0x1e: {  	s7 =	smul.u32 @!p0 $0xF7A, s2;
	p2 =	seq.s32 @!p0 s5, $0x0  }
0x1f: {  	s9 =	smul.u32 $0xF7A, s1;
	s8 =	simm.s32 @!p0 $0x1BF5;
	p2 =	por !p2, p0  }
0x20: {  	[sflag:s8] =	ssyncset.s32 @!p0 $0xFFFFF086;
	s6 =	sadd.s32 @!p0 s3, s7;
	s7 =	simm.s32 @!p0 $0x108  }
0x21: {  	s3 =	sadd.s32 s3, s9;
	s6 =	sadd.s32 @!p0 $0x88, s6;
	s7 =	simm.s32 @p2 $0x1082  }
0x22: {  	[simem:s7], [sflag:s8] =	dma.local @!p0 [hbm:s6], $0xF7A  }
0x23: {  	s9 =	sor.u32 $0xD0000000, s2;
	s6 =	simm.s32 $0x108;
	_ =	swait.ge @!p0 [sflag:s8], $0x0  }
0x24: {  	s3 =	sadd.s32 $0x88, s3;
	s6 =	simm.s32 @!p1 $0x1082;
	[sflag:s4] =	ssyncset.s32 $0xFFFFF086  }
0x25: {  	[simem:s6], [sflag:s4] =	dma.local [hbm:s3], $0xF7A  }
0x26: {  	[smem:$0x3F9C] =	sst s1;
	(tag) =	ssettag s2;
	_ =	strace s9  }
0x27: {  	s1 =	sld [smem:$0x3FAC]  }
0x28: {  	s2 =	sld [smem:$0x3FAD]  }
0x29: {  	s4 =	sld [smem:$0x3FAF]  }
0x2a: {  	p0 =	seq.s32 s5, $0x0;
	s5 =	sld [smem:$0x3FB0]  }
0x2b: {  	s6 =	sld [smem:$0x3FB1]  }
0x2c: {  	s7 =	sld [smem:$0x3FB2]  }
0x2d: {  	s3 =	simm.s32 $0x108;
	s8 =	sld [smem:$0x3FB3]  }
0x2e: {  	s3 =	simm.s32 @!p0 $0x1082;
	s9 =	sld [smem:$0x3FB4]  }
0x2f: {  	lr =	sadd.s32 s0, s3;
	s0 =	sld [smem:$0x3FAB]  }
0x30: {  	s3 =	sld [smem:$0x3FAE]  }
0x31: {  	[smem:$0x3FB7] =	sst s10  }
0x32: {  	s10 =	sld [smem:$0x3FB5];
	_ =	sdelay $0x3  }
0x33: {  	p0 =	seq.s32 s10, $0x1;
	s10 =	sld [smem:$0x3FB7];
	_ =	sdelay $0x3  }
0x34: {  	[smem:$0x3FB7] =	sst s10  }
0x35: {  	s10 =	sld [smem:$0x3FB6];
	_ =	sdelay $0x3  }
0x36: {  	p1 =	seq.s32 s10, $0x1;
	s10 =	sld [smem:$0x3FB7];
	_ =	sdelay $0x3  }
0x37: {  	[smem:$0x3FB7] =	sst s10  }
0x38: {  	s10 =	sld [smem:$0x3FB8]  }
0x39: {  	_ = 	snop;
	(pc) =	sbr.ind lr, $3  }
0x3a: {  	_ = 	snop  }
0x3b: {  	_ = 	snop  }
0x3c: {  	p2 =	seq.s32 s10, $0x1;
	s10 =	sld [smem:$0x3FB7]  }
0x3d: {  	_ =	shalt  }
0x3e: {  	_ =	shalt  }
0x3f: {  	_ =	shalt  }
0x40: {  	_ =	shalt  }
0x41: {  	_ =	shalt  }
0x42: {  	_ =	shalt  }
0x43: {  	_ =	shalt  }
0x44: {  	_ =	shalt  }
0x45: {  	_ =	shalt  }
0x46: {  	_ =	shalt  }
0x47: {  	_ =	shalt  }
0x48: {  	_ =	shalt  }
0x49: {  	_ =	shalt  }
0x4a: {  	_ =	shalt  }
0x4b: {  	_ =	shalt  }
0x4c: {  	_ =	shalt  }
0x4d: {  	_ =	shalt  }
0x4e: {  	_ =	shalt  }
0x4f: {  	_ =	shalt  }
0x50: {  	_ =	shalt  }
0x51: {  	_ =	shalt  }
0x52: {  	_ =	shalt  }
0x53: {  	_ =	shalt  }
0x54: {  	_ =	shalt  }
0x55: {  	_ =	shalt  }
0x56: {  	_ =	shalt  }
0x57: {  	_ =	shalt  }
0x58: {  	_ =	shalt  }
0x59: {  	_ =	shalt  }
0x5a: {  	_ =	shalt  }
0x5b: {  	_ =	shalt  }
0x5c: {  	_ =	shalt  }
0x5d: {  	_ =	shalt  }
0x5e: {  	_ =	shalt  }
0x5f: {  	_ =	shalt  }
0x60: {  	_ =	shalt  }
0x61: {  	_ =	shalt  }
0x62: {  	_ =	shalt  }
0x63: {  	_ =	shalt  }
0x64: {  	_ =	shalt  }
0x65: {  	_ =	shalt  }
0x66: {  	_ =	shalt  }
0x67: {  	_ =	shalt  }
0x68: {  	_ =	shalt  }
0x69: {  	_ =	shalt  }
0x6a: {  	_ =	shalt  }
0x6b: {  	_ =	shalt  }
0x6c: {  	_ =	shalt  }
0x6d: {  	_ =	shalt  }
0x6e: {  	_ =	shalt  }
0x6f: {  	_ =	shalt  }
0x70: {  	_ =	shalt  }
0x71: {  	_ =	shalt  }
0x72: {  	_ =	shalt  }
0x73: {  	_ =	shalt  }
0x74: {  	_ =	shalt  }
0x75: {  	_ =	shalt  }
0x76: {  	_ =	shalt  }
0x77: {  	_ =	shalt  }
0x78: {  	_ =	shalt  }
0x79: {  	_ =	shalt  }
0x7a: {  	_ =	shalt  }
0x7b: {  	_ =	shalt  }
0x7c: {  	_ =	shalt  }
0x7d: {  	_ =	shalt  }
0x7e: {  	_ =	shalt  }
0x7f: {  	_ =	shalt  }
0x80: {  	_ =	shalt  }
0x81: {  	_ =	shalt  }
0x82: {  	_ =	shalt  }
0x83: {  	_ =	shalt  }
0x84: {  	_ =	shalt  }
0x85: {  	_ =	shalt  }
0x86: {  	_ =	shalt  }
0x87: {  	_ =	shalt  }
.Lfunc_end0:
.L_simem_size_0:
called_computation_lowered:
.L_overlay_start_0:
0x88: {  	s2 =	sld [smem:$0x3FD9]  }
0x89: {  	s3 =	sld [smem:$0x3FFE];
	_ =	sdelay $0x1  }
0x8a: {  	s1 =	srdreg.scid  }
0x8b: {  	s0 =	sand.u32 $0x1, s1  }
0x8c: {  	s17 =	sshll.u32 s0, $0xA;
	s2 =	sadd.s32 s3, s2  }
0x8d: {  	s2 =	sadd.s32 s2, s17  }
0x8e: {  	[smem:$0x3FC3] =	sst s2  }
0x8f: {  	_ = 	snop  }
0x90: {  	s2 =	sld [smem:$0x3FD0];
	(tm) =	ssettm $0x1  }
0x91: {  	s18 =	sld [smem:$0x3FFB];
	_ =	sdelay $0x3  }
0x92: {  	_ =	strace s18  }
0x93: {  	s3 =	sld [smem:$0x3FFC];
	_ =	sdelay $0x3  }
0x94: {  	_ =	strace s3  }
0x95: {  	s3 =	sld [smem:$0x3FFD];
	_ =	sdelay $0x3  }
0x96: {  	_ =	strace s3  }
0x97: {  	_ =	strace $0x8FFFFFFF  }
0x98: {  	s19 =	sld [smem:$0x3FDB];
	_ =	sdelay $0x1  }
0x99: {  	s4 =	simm.s32 $_scs_section_size  }
0x9a: {  	s5 =	simm.s32 $_size__tile_overlayer_lowered;
	s6 =	simm.s32 $_tile_overlayer_lowered  }
0x9b: {  	s22 =	simm.s32 $0x1BFF;
	s21 =	sshll.u32 s6, $0x1;
	s3 =	sadd.s32 s4, s19  }
0x9c: {  	s7 =	simm.s32 $0x0;
	s20 =	sshll.u32 s5, $0x1;
	s5 =	sadd.s32 s21, s3  }
0x9d: {  	[timem:s7], [sflag:s22] =	dma.local [hbm:s5], s20  }
0x9e: {  	_ =	swait.ge [sflag:s22], s20  }
0x9f: {  	s4 =	ssub.s32 $0x0, s20;
	[sflag:s22] =	ssyncset.done $0x0  }
0xa0: {  	[sflag:s22] =	ssyncadd.s32 s4;
	_ =	sdelay $0x1  }
0xa1: {  	s23 =	simm.s32 $0x1B8B  }
0xa2: {  	_ =	swait.ge [sflag:s23], $0x1  }
0xa3: {  	[sflag:s23] =	ssyncset.done $0x0  }
0xa4: {  	s25 =	simm.s32 $0x1B8E;
	s24 =	sld [smem:$0x3FFE];
	[sflag:s23] =	ssyncadd.s32 $0xFFFFFFFF  }
0xa5: {  	s26 =	simm.s32 $execute0_lowered;
	[smem:$0x3FD2] =	sst s25  }
0xa6: {  	s5 =	sshll.u32 s26, $0x1;
	_ =	strace $0x80000046;
	[dreg:$0x1] =	wrdreg $0xFFFFFFFF  }
0xa7: {  	s28 =	simm.s32 $_size_execute0_lowered;
	s3 =	sadd.s32 s3, s5;
	[dreg:$0x0] =	wrdreg $0x0  }
0xa8: {  	s5 =	sshll.u32 s28, $0x1;
	[dreg:$0x2] =	wrdreg s3  }
0xa9: {  	[dreg:$0x3] =	wrdreg s5  }
0xaa: {  	[dreg:$0x4] =	wrdreg $0xC0  }
0xab: {  	_ =	task [dreg:s7], $0x5FFFF  }
0xac: {  	[dreg:$0x1] =	wrdreg $0xFFFFFFFF  }
0xad: {  	[dreg:$0x0] =	wrdreg $0x60  }
0xae: {  	[dreg:$0x2] =	wrdreg s24  }
0xaf: {  	[dreg:$0x3] =	wrdreg s2  }
0xb0: {  	[dreg:$0x4] =	wrdreg $0x124000  }
0xb1: {  	[dreg:$0x5] =	wrdreg $0x9  }
0xb2: {  	_ =	task.clear_ibuf [dreg:s7], $0x6FFFF;
	_ =	strace $0x90000046  }
0xb3: {  	s29 =	simm.s32 $0x9;
	_ =	strace $0x80000048  }
0xb4: {  	_ =	swait.ge [sflag:s29], $0x1  }
0xb5: {  	[sflag:s29] =	ssyncadd.s32 $0xFFFFFFFF  }
0xb6: {  	_ =	strace $0x90000048  }
0xb7: {  	_ =	sfence  }
0xb8: {  	s30 =	sld [smem:$0x0];
	_ =	sdelay $0x2  }
0xb9: {  	s31 =	sshll.u32 s1, $0xD;
	s1 =	sshrl.u32 s1, $0x2  }
0xba: {  	s3 =	sand.u32 $0x4000, s31;
	s1 =	sadd.s32 s1, s30  }
0xbb: {  	s0 =	sor.u32 s3, s0;
	s1 =	sshll.u32 s1, $0x11  }
0xbc: {  	s0 =	sor.u32 s1, s0  }
0xbd: {  	s0 =	sadd.s32 $0x8F2B, s0  }
0xbe: {  	[sflag:s0] =	ssyncadd.remote.s32 $0x1  }
0xbf: {  	_ =	sfence.sel $0xFFFF  }
0xc0: {  	[dreg:$0x0] =	wrdreg $0xFFFFFFFF;
	(pc) =	sbr.abs _section_cstart, $3  }
0xc1: {  	[dreg:$0x1] =	wrdreg $0xFFFFFFFF  }
0xc2: {  	_ =	task.clear_ibuf [dreg:s7], $0x2FFFF;
	_ =	strace $0x9FFFFFFF  }
0xc3: {  	(tm) =	ssettm $0x7FFFFFFF  }
tec
execute0_lowered:
.L_overlay_start_1:
0x0: {  	(tag) =	ssettag $0x1  }
0x1: {  	s6 =	rddreg [dreg:$0x0]  }
0x2: {  	s2 =	rddreg [dreg:$0x1]  }
0x3: {  	s3 =	rddreg [dreg:$0x2];
	s5 =	srdreg.scid  }
0x4: {  	s1 =	stileid.u32;
	s4 =	simm.s32 $0x0;
	s15 =	simm.s32 $0x50  }
0x5: {  	s16 =	simm.s32 $0x8000;
	s17 =	simm.s32 $0xD000;
	s18 =	simm.s32 $0x1  }
0x6: {  	s19 =	simm.s32 $0x2;
	s20 =	simm.s32 $0x12000;
	s21 =	simm.s32 $0x12300  }
0x7: {  	s22 =	simm.s32 $0x80;
	s23 =	simm.s32 $0x10;
	s7 =	sand.u32 $0x1, s5  }
0x8: {  	s24 =	sshll.u32 s1, $0x1;
	[smem:$0x7FF] =	sst s4;
	s26 =	smul.u32 $0xA00, s1  }
0x9: {  	s10 =	sshrl.u32 s1, $0x3;
	s12 =	sshll.u32 s1, $0x7;
	s9 =	smul.u32 $0x2800, s7  }
0xa: {  	s8 =	sor.u32 s7, s24;
	_ =	strace $0x80000047;
	s10 =	smul.u32 $0x1400, s10  }
0xb: {  	s25 =	sand.u32 $0x380, s12;
	s7 =	ssub.s32 $0x2, s7;
	s12 =	simm.s32 $0x12080  }
0xc: {  	s24 =	simm.s32 $0x0;
	s5 =	sshll.u32 s8, $0xB;
	s8 =	sshll.u32 s8, $0x5  }
0xd: {  	s29 =	sshrl.u32 s7, $0x1;
	s30 =	sshrl.u32 s26, $0x2;
	s11 =	sadd.s32 s5, s6  }
0xe: {  	s5 =	sadd.s32 $0x34800, s6;
	s9 =	sadd.s32 s9, s10;
	s13 =	sadd.s32 s8, s6  }
0xf: {  	s14 =	ssub.s32 s7, s29;
	s28 =	sor.u32 s25, s9;
	s7 =	sadd.s32 $0x14800, s11  }
0x10: {  	s9 =	sadd.s32 $0x5BA00, s13;
	s13 =	simm.s32 $0x3;
	s8 =	sshrl.u32 s28, $0x3  }
0x11: {  	s31 =	sadd.s32 s8, s6;
	s6 =	sadd.s32 s30, s3;
	s8 =	sadd.s32 $0x24800, s11  }
0x12: {  	v0 =	vimm.f32 $1.000000000e+00;
	s11 =	smax.u32 s14, $0x1;
	s14 =	simm.s32 $0x4000;
	s10 =	sadd.s32 $0x5BE00, s31  }
.LBB2_1:
0x13: {  	[tilespmem:$0x12000] =	vst v0  }
0x14: {  	[tilespmem:$0x12010] =	vst v0  }
0x15: {  	[tilespmem:$0x12020] =	vst v0  }
0x16: {  	[tilespmem:$0x12030] =	vst v0  }
0x17: {  	[tilespmem:$0x12040] =	vst v0;
	v15 =	vimm.f32 $0.0e+00  }
0x18: {  	[tilespmem:$0x12080] =	vst v15  }
0x19: {  	[tilespmem:$0x12090] =	vst v15  }
0x1a: {  	[tilespmem:$0x120A0] =	vst v15  }
0x1b: {  	[tilespmem:$0x120B0] =	vst v15  }
0x1c: {  	[tilespmem:$0x120C0] =	vst v15  }
0x1d: {  	[tilespmem:$0x120D0] =	vst v15  }
0x1e: {  	[tilespmem:$0x120E0] =	vst v15  }
0x1f: {  	[tilespmem:$0x120F0] =	vst v15  }
0x20: {  	[tilespmem:$0x12100] =	vst v15  }
0x21: {  	[tilespmem:$0x12110] =	vst v15  }
0x22: {  	[tilespmem:$0x12120] =	vst v15  }
0x23: {  	[tilespmem:$0x12130] =	vst v15  }
0x24: {  	[tilespmem:$0x12140] =	vst v15  }
0x25: {  	[tilespmem:$0x12150] =	vst v15  }
0x26: {  	[tilespmem:$0x12160] =	vst v15  }
0x27: {  	[tilespmem:$0x12170] =	vst v15  }
0x28: {  	[tilespmem:$0x12180] =	vst v15  }
0x29: {  	[tilespmem:$0x12190] =	vst v15  }
0x2a: {  	[tilespmem:$0x121A0] =	vst v15  }
0x2b: {  	[tilespmem:$0x121B0] =	vst v15  }
0x2c: {  	[tilespmem:$0x121C0] =	vst v15  }
0x2d: {  	[tilespmem:$0x121D0] =	vst v15  }
0x2e: {  	[tilespmem:$0x121E0] =	vst v15  }
0x2f: {  	[tilespmem:$0x121F0] =	vst v15  }
0x30: {  	[tilespmem:$0x12200] =	vst v15  }
0x31: {  	[tilespmem:$0x12210] =	vst v15  }
0x32: {  	[tilespmem:$0x12220] =	vst v15  }
0x33: {  	[tilespmem:$0x12230] =	vst v15  }
0x34: {  	[tilespmem:$0x12240] =	vst v15  }
0x35: {  	[tilespmem:$0x12250] =	vst v15  }
0x36: {  	[tilespmem:$0x12260] =	vst v15  }
0x37: {  	[tilespmem:$0x12270] =	vst v15  }
0x38: {  	[tilespmem:$0x12280] =	vst v15  }
0x39: {  	[tilespmem:$0x12290] =	vst v15  }
0x3a: {  	[tilespmem:$0x122A0] =	vst v15  }
0x3b: {  	[tilespmem:$0x122B0] =	vst v15  }
0x3c: {  	[tilespmem:$0x122C0] =	vst v15  }
0x3d: {  	[tilespmem:$0x122D0] =	vst v15  }
0x3e: {  	[tilespmem:$0x122E0] =	vst v15  }
0x3f: {  	[tilespmem:$0x122F0] =	vst v15  }
0x40: {  	[spmem:s6] =	stream.linear.scatter [tilespmem:s12], [sflag:$0x3], $0x280, $0x38;
	[tilespmem:$0x12680] =	vst v63  }
0x41: {  	_ =	swait.ge [sflag:s13], $0x280  }
0x42: {  	[sflag:s13] =	ssyncset.done $0x0  }
0x43: {  	[sflag:s13] =	ssyncadd.s32 $0xFFFFFD80  }
0x44: {  	[bflag:$0x0] =	sbarrier.arrive $0xFFFF  }
0x45: {  	[tilespmem:s4], [sflag:$0x3] =	stream.linear.gather [hbm4b:s7+s4], $0x3E80, $0x38;
	[tilespmem:$0x12680] =	vst v63  }
0x46: {  	_ =	swait.ge [sflag:s13], $0x3E80  }
0x47: {  	[sflag:s13] =	ssyncset.done $0x0  }
0x48: {  	[sflag:s13] =	ssyncadd.s32 $0xFFFFC180  }
0x49: {  	[tilespmem:s14], [sflag:$0x3] =	stream.linear.gather [hbm4b:s8+s4], $0x3E80, $0x38;
	[tilespmem:$0x12680] =	vst v63  }
0x4a: {  	_ =	swait.ge [sflag:s13], $0x3E80  }
0x4b: {  	v8 =	vimm.f32 $0.0e+00;
	v9 =	vimm.f32 $0.0e+00;
	v1 =	vimm.f32 $0.0e+00;
	[sflag:s13] =	ssyncset.done $0x0  }
0x4c: {  	v3 =	vimm.f32 $0.0e+00;
	v2 =	vimm.f32 $0.0e+00;
	v7 =	vimm.f32 $0.0e+00;
	[sflag:s13] =	ssyncadd.s32 $0xFFFFC180  }
0x4d: {  	v18 =	vimm.f32 $0.0e+00;
	v20 =	vimm.f32 $0.0e+00;
	v6 =	vimm.f32 $0.0e+00;
	[tilespmem:s16], [sflag:$0x1] =	stream.indirect.gather [hbm4b:s2+s15], $0x80, s4, s15, $0xb8;
	[tilespmem:$0x12680] =	vst v63  }
0x4e: {  	v10 =	vimm.f32 $0.0e+00;
	v4 =	vimm.f32 $0.0e+00;
	v12 =	vimm.f32 $0.0e+00;
	p0 =	por $0x0, $0x0;
	s26 =	simm.s32 $0x0  }
0x4f: {  	v5 =	vimm.f32 $0.0e+00;
	v21 =	vimm.f32 $0.0e+00;
	v11 =	vimm.f32 $0.0e+00;
	[tilespmem:s17], [sflag:$0x2] =	stream.indirect.gather [hbm4b:s5+s15], $0x80, s14, s15, $0xb8;
	[tilespmem:$0x12680] =	vst v63  }
.LBB2_2:
0x50: {  	s25 =	simm.s32 $0x1;
	_ =	swait.ge [sflag:s18], $0x2800  }
0x51: {  	s0 =	sxor.u32 $0xFFFFFFFF, s26;
	s25 =	simm.s32 @!p0 $0x0;
	[sflag:s18] =	ssyncset.done $0x0  }
0x52: {  	s30 =	sand.u32 $0x1, s0;
	s25 =	smul.u32 $0xA000, s25;
	[sflag:s18] =	ssyncadd.s32 $0xFFFFD800  }
0x53: {  	s30 =	smul.u32 $0x2800, s30;
	_ =	swait.ge [sflag:s19], $0x2800  }
0x54: {  	s28 =	sshrl.u32 s25, $0x2;
	s25 =	sadd.s32 $0x1, s26;
	[sflag:s19] =	ssyncset.done $0x0  }
0x55: {  	s0 =	sor.u32 $0x8000, s30;
	s29 =	sor.u32 $0x8000, s28;
	s31 =	smin.u32 s25, $0x7C  }
0x56: {  	s28 =	sadd.s32 $0xD000, s28;
	[sflag:s19] =	ssyncadd.s32 $0xFFFFD800;
	s31 =	sshll.u32 s31, $0x7;
	v14 =	vmov s29  }
0x57: {  	v13 =	vmov s28;
	[tilespmem:s0], [sflag:$0x1] =	stream.indirect.gather [hbm4b:s2+s15], $0x80, s31, s15, $0xb8;
	[tilespmem:$0x12680] =	vst v63  }
0x58: {  	s30 =	sadd.s32 $0xD000, s30;
	s28 =	sor.u32 $0x4000, s31  }
0x59: {  	[tilespmem:s30], [sflag:$0x2] =	stream.indirect.gather [hbm4b:s5+s15], $0x80, s28, s15, $0xb8;
	[tilespmem:$0x12680] =	vst v63  }
0x5a: {  	s28 =	simm.s32 $0x0  }
0x5b: {  	v22 =	vld.idx.msk [tilespmem:v14+s28+$0x0 ss:$0x1], $0xffff  }
0x5c: {  	v17 =	vld.idx.msk [tilespmem:v13+s28+$0x90 ss:$0x1], $0xffff  }
0x5d: {  	v19 =	vld.idx.msk [tilespmem:v14+s28+$0x90 ss:$0x1], $0xffff  }
0x5e: {  	v23 =	vld.idx.msk [tilespmem:v13+s28+$0xF0 ss:$0x1], $0xffff  }
0x5f: {  	v16 =	vld.idx.msk [tilespmem:v13+s28+$0xA0 ss:$0x1], $0xffff  }
0x60: {  	v24 =	vld.idx.msk [tilespmem:v13+s28+$0x80 ss:$0x1], $0xffff  }
0x61: {  	v25 =	vld.idx.msk [tilespmem:v14+s28+$0xF0 ss:$0x1], $0xffff  }
0x62: {  	v26 =	vld.idx.msk [tilespmem:v13+s28+$0x70 ss:$0x1], $0xffff  }
0x63: {  	v27 =	vld.idx.msk [tilespmem:v14+s28+$0x70 ss:$0x1], $0xffff  }
0x64: {  	v28 =	vld.idx.msk [tilespmem:v13+s28+$0x60 ss:$0x1], $0xffff  }
0x65: {  	v29 =	vld.idx.msk [tilespmem:v14+s28+$0x60 ss:$0x1], $0xffff  }
0x66: {  	v30 =	vld.idx.msk [tilespmem:v13+s28+$0x50 ss:$0x1], $0xffff  }
0x67: {  	v31 =	vld.idx.msk [tilespmem:v14+s28+$0x50 ss:$0x1], $0xffff  }
0x68: {  	v32 =	vld.idx.msk [tilespmem:v13+s28+$0x30 ss:$0x1], $0xffff  }
0x69: {  	v34 =	vld.idx.msk [tilespmem:v13+s28+$0xD0 ss:$0x1], $0xffff  }
0x6a: {  	v36 =	vld.idx.msk [tilespmem:v14+s28+$0xD0 ss:$0x1], $0xffff  }
0x6b: {  	v39 =	vld.idx.msk [tilespmem:v14+s28+$0x30 ss:$0x1], $0xffff  }
0x6c: {  	v33 =	vld.idx.msk [tilespmem:v13+s28+$0x0 ss:$0x1], $0xffff  }
0x6d: {  	v35 =	vld.idx.msk [tilespmem:v13+s28+$0xE0 ss:$0x1], $0xffff;
	v30 =	vadd.f32 v30, v31  }
0x6e: {  	v37 =	vld.idx.msk [tilespmem:v14+s28+$0x10 ss:$0x1], $0xffff;
	v28 =	vadd.f32 v28, v29;
	v17 =	vadd.f32 v17, v19  }
0x6f: {  	v31 =	vld.idx.msk [tilespmem:v14+s28+$0xE0 ss:$0x1], $0xffff;
	v19 =	vadd.f32 v23, v25;
	v25 =	vadd.f32 v26, v27  }
0x70: {  	v29 =	vld.idx.msk [tilespmem:v13+s28+$0x10 ss:$0x1], $0xffff;
	v27 =	vadd.f32 v34, v36;
	v32 =	vadd.f32 v32, v39;
	v38 =	vmul.f32 v30, v30  }
0x71: {  	v62 =	vld.idx.msk [tilespmem:v13+s28+$0x20 ss:$0x1], $0xffff;
	v10 =	vadd.f32 v30, v10;
	v23 =	vmul.f32 v28, v28;
	v6 =	vadd.f32 v28, v6  }
0x72: {  	v30 =	vld.idx.msk [tilespmem:v14+s28+$0x80 ss:$0x1], $0xffff;
	v20 =	vadd.f32 v25, v20;
	v9 =	vadd.f32 v38, v9  }
0x73: {  	v63 =	vld.idx.msk [tilespmem:v14+s28+$0x20 ss:$0x1], $0xffff;
	v8 =	vadd.f32 v23, v8;
	v23 =	vmul.f32 v25, v25;
	v10 =	vadd.f32 v27, v10  }
0x74: {  	v26 =	vld.idx.msk [tilespmem:v14+s28+$0xB0 ss:$0x1], $0xffff;
	v25 =	vadd.f32 v35, v31;
	v31 =	vadd.f32 v33, v22  }
0x75: {  	v29 =	vadd.f32 v29, v37;
	v22 =	vld.idx.msk [tilespmem:v13+s28+$0x40 ss:$0x1], $0xffff;
	v15 =	vadd.f32 v23, v15  }
0x76: {  	v23 =	vmul.f32 v27, v27;
	v27 =	vld.idx.msk [tilespmem:v13+s28+$0xB0 ss:$0x1], $0xffff;
	v6 =	vadd.f32 v25, v6;
	v25 =	vmul.f32 v25, v25  }
0x77: {  	v33 =	vmul.f32 v31, v31;
	v28 =	vadd.f32 v24, v30;
	v30 =	vld.idx.msk [tilespmem:v14+s28+$0xA0 ss:$0x1], $0xffff;
	v21 =	vadd.f32 v29, v21  }
0x78: {  	v24 =	vadd.f32 v62, v63;
	v9 =	vadd.f32 v23, v9;
	v23 =	vmul.f32 v29, v29;
	v29 =	vld.idx.msk [tilespmem:v14+s28+$0x40 ss:$0x1], $0xffff  }
0x79: {  	s29 =	simm.s32 $0x400;
	v8 =	vadd.f32 v25, v8;
	v25 =	vld.idx.msk [tilespmem:v14+s28+$0xC0 ss:$0x1], $0xffff;
	v18 =	vadd.f32 v33, v18;
	v33 =	vmul.f32 v28, v28  }
.LBB2_3:
0x7a: {  	p1 =	sne.s32 s29, $0x9C00;
	v11 =	vadd.f32 v31, v11;
	v31 =	vmul.f32 v32, v32;
	v34 =	vld.idx.msk [tilespmem:v13+s28+$0xC0 ss:$0x1], $0xffff;
	s28 =	sshra.s32 s29, $0x2;
	s29 =	sadd.s32 $0x400, s29;
	v35 =	vmul.f32 v19, v19  }
0x7b: {  	v12 =	vadd.f32 v32, v12;
	v36 =	vld.idx.msk [tilespmem:v14+s28+$0x0 ss:$0x1], $0xffff;
	v37 =	vmul.f32 v24, v24;
	v18 =	vadd.f32 v33, v18  }
0x7c: {  	v26 =	vadd.f32 v27, v26;
	v32 =	vld.idx.msk [tilespmem:v13+s28+$0x90 ss:$0x1], $0xffff;
	v15 =	vadd.f32 v35, v15  }
0x7d: {  	v3 =	vadd.f32 v31, v3;
	v30 =	vadd.f32 v16, v30;
	v27 =	vld.idx.msk [tilespmem:v14+s28+$0x90 ss:$0x1], $0xffff  }
0x7e: {  	v20 =	vadd.f32 v19, v20;
	v11 =	vadd.f32 v28, v11;
	v28 =	vmul.f32 v26, v26;
	v31 =	vld.idx.msk [tilespmem:v13+s28+$0xF0 ss:$0x1], $0xffff  }
0x7f: {  	v21 =	vadd.f32 v17, v21;
	v2 =	vadd.f32 v37, v2;
	v19 =	vmul.f32 v30, v30;
	v16 =	vld.idx.msk [tilespmem:v13+s28+$0xA0 ss:$0x1], $0xffff  }
0x80: {  	v22 =	vadd.f32 v22, v29;
	v3 =	vadd.f32 v28, v3;
	v33 =	vld.idx.msk [tilespmem:v13+s28+$0x80 ss:$0x1], $0xffff  }
0x81: {  	v2 =	vadd.f32 v19, v2;
	v19 =	vadd.f32 v34, v25;
	v28 =	vld.idx.msk [tilespmem:v14+s28+$0xF0 ss:$0x1], $0xffff  }
0x82: {  	v7 =	vadd.f32 v23, v7;
	v5 =	vadd.f32 v24, v5;
	v23 =	vmul.f32 v22, v22;
	v25 =	vld.idx.msk [tilespmem:v13+s28+$0x70 ss:$0x1], $0xffff  }
0x83: {  	v17 =	vmul.f32 v17, v17;
	v12 =	vadd.f32 v26, v12;
	v4 =	vadd.f32 v22, v4;
	v24 =	vld.idx.msk [tilespmem:v14+s28+$0x70 ss:$0x1], $0xffff  }
0x84: {  	v5 =	vadd.f32 v30, v5;
	v1 =	vadd.f32 v23, v1;
	v23 =	vmul.f32 v19, v19;
	v22 =	vld.idx.msk [tilespmem:v13+s28+$0x60 ss:$0x1], $0xffff  }
0x85: {  	v7 =	vadd.f32 v17, v7;
	v4 =	vadd.f32 v19, v4;
	v26 =	vld.idx.msk [tilespmem:v14+s28+$0x60 ss:$0x1], $0xffff  }
0x86: {  	v17 =	vadd.f32 v32, v27;
	v1 =	vadd.f32 v23, v1;
	v19 =	vld.idx.msk [tilespmem:v13+s28+$0x50 ss:$0x1], $0xffff  }
0x87: {  	v23 =	vld.idx.msk [tilespmem:v14+s28+$0x50 ss:$0x1], $0xffff  }
0x88: {  	v29 =	vld.idx.msk [tilespmem:v13+s28+$0x30 ss:$0x1], $0xffff  }
0x89: {  	v27 =	vld.idx.msk [tilespmem:v13+s28+$0x0 ss:$0x1], $0xffff  }
0x8a: {  	v30 =	vld.idx.msk [tilespmem:v13+s28+$0xD0 ss:$0x1], $0xffff  }
0x8b: {  	v32 =	vld.idx.msk [tilespmem:v13+s28+$0xE0 ss:$0x1], $0xffff  }
0x8c: {  	v34 =	vld.idx.msk [tilespmem:v14+s28+$0xD0 ss:$0x1], $0xffff  }
0x8d: {  	v23 =	vadd.f32 v19, v23;
	v35 =	vld.idx.msk [tilespmem:v14+s28+$0xE0 ss:$0x1], $0xffff  }
0x8e: {  	v22 =	vadd.f32 v22, v26;
	v37 =	vld.idx.msk [tilespmem:v14+s28+$0x10 ss:$0x1], $0xffff  }
0x8f: {  	v19 =	vadd.f32 v31, v28;
	v26 =	vmul.f32 v23, v23;
	v38 =	vld.idx.msk [tilespmem:v13+s28+$0x10 ss:$0x1], $0xffff  }
0x90: {  	v24 =	vadd.f32 v25, v24;
	v10 =	vadd.f32 v23, v10;
	v23 =	vmul.f32 v22, v22;
	v25 =	vld.idx.msk [tilespmem:v14+s28+$0x80 ss:$0x1], $0xffff  }
0x91: {  	v6 =	vadd.f32 v22, v6;
	v9 =	vadd.f32 v26, v9;
	v39 =	vld.idx.msk [tilespmem:v14+s28+$0x30 ss:$0x1], $0xffff  }
0x92: {  	v22 =	vmul.f32 v24, v24;
	v8 =	vadd.f32 v23, v8;
	v23 =	vadd.f32 v30, v34;
	v40 =	vld.idx.msk [tilespmem:v13+s28+$0x20 ss:$0x1], $0xffff  }
0x93: {  	v20 =	vadd.f32 v24, v20;
	v24 =	vadd.f32 v32, v35;
	v34 =	vld.idx.msk [tilespmem:v14+s28+$0x20 ss:$0x1], $0xffff  }
0x94: {  	v15 =	vadd.f32 v22, v15;
	v10 =	vadd.f32 v23, v10;
	v23 =	vmul.f32 v23, v23;
	v26 =	vld.idx.msk [tilespmem:v14+s28+$0xB0 ss:$0x1], $0xffff  }
.Ltmp0:
0x95: {  	v31 =	vadd.f32 v27, v36;
	v6 =	vadd.f32 v24, v6;
	v24 =	vmul.f32 v24, v24;
	v27 =	vld.idx.msk [tilespmem:v13+s28+$0xB0 ss:$0x1], $0xffff;
	(pc) =	sbr.rel @p1 .LBB2_3-.Ltmp0, $4  }
0x96: {  	v32 =	vadd.f32 v38, v37;
	v9 =	vadd.f32 v23, v9;
	v22 =	vld.idx.msk [tilespmem:v13+s28+$0x40 ss:$0x1], $0xffff  }
0x97: {  	v35 =	vmul.f32 v31, v31;
	v28 =	vadd.f32 v33, v25;
	v8 =	vadd.f32 v24, v8;
	v30 =	vld.idx.msk [tilespmem:v14+s28+$0xA0 ss:$0x1], $0xffff  }
0x98: {  	v21 =	vadd.f32 v32, v21;
	v23 =	vmul.f32 v32, v32;
	v32 =	vadd.f32 v29, v39;
	v25 =	vld.idx.msk [tilespmem:v14+s28+$0xC0 ss:$0x1], $0xffff  }
0x99: {  	v18 =	vadd.f32 v35, v18;
	v33 =	vmul.f32 v28, v28;
	v24 =	vadd.f32 v40, v34;
	v29 =	vld.idx.msk [tilespmem:v14+s28+$0x40 ss:$0x1], $0xffff  }
0x9a: {  	_ =	sdelay $0x1  }
0x9b: {  	v11 =	vadd.f32 v31, v11;
	v12 =	vadd.f32 v32, v12  }
0x9c: {  	v26 =	vadd.f32 v27, v26;
	v20 =	vadd.f32 v19, v20  }
0x9d: {  	v14 =	vmul.f32 v19, v19;
	v13 =	vld.idx.msk [tilespmem:v13+s28+$0xC0 ss:$0x1], $0xffff;
	v21 =	vadd.f32 v17, v21;
	v7 =	vadd.f32 v23, v7  }
0x9e: {  	v62 =	vmul.f32 v32, v32;
	v18 =	vadd.f32 v33, v18;
	v5 =	vadd.f32 v24, v5  }
0x9f: {  	v17 =	vmul.f32 v17, v17;
	v15 =	vadd.f32 v14, v15;
	v14 =	vadd.f32 v16, v30  }
0xa0: {  	v3 =	vadd.f32 v62, v3;
	v16 =	vmul.f32 v26, v26;
	v22 =	vadd.f32 v22, v29  }
0xa1: {  	s0 =	sshll.u32 s26, $0x7;
	p1 =	sne.s32 s25, $0x7D;
	v63 =	vmul.f32 v24, v24;
	v11 =	vadd.f32 v28, v11;
	v12 =	vadd.f32 v26, v12  }
.Ltmp1:
0xa2: {  	s0 =	sand.u32 $0x3FFFFF80, s0;
	v3 =	vadd.f32 v16, v3;
	v13 =	vadd.f32 v13, v25;
	v16 =	vmul.f32 v22, v22;
	(pc) =	sbr.rel @p1 .LBB2_2-.Ltmp1, $4  }
0xa3: {  	[spmem:s3] =	stream.indirect.scatter.add.f32 [tilespmem:s20], [sflag:$0x3], $0x1, s0, s15, $0xb8;
	v7 =	vadd.f32 v17, v7;
	v2 =	vadd.f32 v63, v2;
	v19 =	vmul.f32 v14, v14;
	[tilespmem:$0x12680] =	vst v63  }
0xa4: {  	_ =	swait.ge [sflag:s13], $0x50;
	v4 =	vadd.f32 v22, v4;
	v1 =	vadd.f32 v16, v1;
	v16 =	vmul.f32 v13, v13  }
0xa5: {  	v5 =	vadd.f32 v14, v5;
	[sflag:s13] =	ssyncset.done $0x0;
	v2 =	vadd.f32 v19, v2  }
0xa6: {  	p0 =	por !p0, !p0;
	s26 =	smov.u32 s25;
	[sflag:s13] =	ssyncadd.s32 $0xFFFFFFB0;
	v4 =	vadd.f32 v13, v4;
	v1 =	vadd.f32 v16, v1  }
0xa7: {  	_ =	swait.ge [sflag:s18], $0x2800  }
0xa8: {  	[sflag:s18] =	ssyncset.done $0x0  }
0xa9: {  	[sflag:s18] =	ssyncadd.s32 $0xFFFFD800  }
0xaa: {  	_ =	swait.ge [sflag:s19], $0x2800  }
0xab: {  	[sflag:s19] =	ssyncset.done $0x0  }
0xac: {  	[sflag:s19] =	ssyncadd.s32 $0xFFFFD800  }
0xad: {  	[tilespmem:$0x12300] =	vst v11  }
0xae: {  	[tilespmem:$0x12380] =	vst v18  }
0xaf: {  	[tilespmem:$0x12310] =	vst v21  }
0xb0: {  	[tilespmem:$0x12390] =	vst v7  }
0xb1: {  	[tilespmem:$0x12320] =	vst v5  }
0xb2: {  	[tilespmem:$0x123A0] =	vst v2  }
0xb3: {  	[tilespmem:$0x12330] =	vst v12  }
0xb4: {  	[tilespmem:$0x123B0] =	vst v3  }
0xb5: {  	[tilespmem:$0x12340] =	vst v4  }
0xb6: {  	[tilespmem:$0x123C0] =	vst v1  }
0xb7: {  	[tilespmem:$0x12350] =	vst v10  }
0xb8: {  	[tilespmem:$0x123D0] =	vst v9  }
0xb9: {  	[tilespmem:$0x12360] =	vst v6  }
0xba: {  	[tilespmem:$0x123E0] =	vst v8  }
0xbb: {  	[tilespmem:$0x12370] =	vst v20  }
0xbc: {  	[tilespmem:$0x123F0] =	vst v15  }
0xbd: {  	[hbm4b:s9+s4] =	stream.linear.scatter [tilespmem:s21], [sflag:$0x3], $0x100, $0x38;
	[tilespmem:$0x12680] =	vst v63  }
0xbe: {  	_ =	swait.ge [sflag:s13], $0x100  }
0xbf: {  	s0 =	sshll.u32 s1, $0x6;
	s24 =	sadd.s32 $0x1, s24;
	[sflag:s13] =	ssyncset.done $0x0  }
0xc0: {  	s25 =	sshrl.u32 s6, $0x3;
	p0 =	sne.s32 s24, s11;
	[sflag:s13] =	ssyncadd.s32 $0xFFFFFF00  }
.Ltmp2:
0xc1: {  	s0 =	sor.u32 $0x1C03, s0;
	[bflag:$0x0] =	sbarrier.arrive $0xFFFF;
	(pc) =	sbr.rel @p0 .LBB2_1-.Ltmp2, $4  }
0xc2: {  	[hbm:s10@s22], [sflag:s0] =	dma.strided [spmem:s25@s23], $0x50, s18, $0x10   }
0xc3: {  	_ =	swait.ge [sflag:s13], $0x50  }
0xc4: {  	[sflag:s13] =	ssyncset.done $0x0  }
0xc5: {  	[sflag:s13] =	ssyncadd.s32 $0xFFFFFFB0  }
0xc6: {  	_ =	sfence.sel $0x180000  }
0xc7: {  	[bflag:$0x0] =	sbarrier.arrive $0xFFFF  }
0xc8: {  	_ =	strace $0x90000047  }
0xc9: {  	[bflag:$0x2] =	sbarrier.arrive $0xFFFF  }
0xca: {  	p0 =	sne.s32 s1, $0x0;
	s0 =	rddreg [dreg:$0x3]  }
0xcb: {  	s0 =	sadd.s32 @!p0 $0x100000, s0  }
0xcc: {  	[sflag:s0] =	ssyncadd.tile.s32 @!p0 $0x1;
	_ =	shalt  }
.Lfunc_end2:
_tile_overlayer_lowered:
.L_overlay_start_2:
0xcd: {  	(tag) =	ssettag $0x2  }
0xce: {  	s0 =	rddreg [dreg:$0x0];
	s2 =	stileid.u32  }
0xcf: {  	s1 =	rddreg [dreg:$0x1];
	p0 =	sne.s32 s2, $0x0  }
0xd0: {  	s3 =	rddreg [dreg:$0x2];
	[bflag:$0x3] =	sbarrier.arrive $0xFFFF;
	s2 =	simm.s32 @!p0 $0x1C03  }
0xd1: {  	[timem:s3], [sflag:s2] =	dma.local @!p0 [hbm:s0], s1  }
0xd2: {  	s0 =	simm.s32 @!p0 $0x3  }
0xd3: {  	_ =	swait.ge @!p0 [sflag:s0], s1  }
0xd4: {  	s1 =	ssub.s32 @!p0 $0x0, s1;
	[sflag:s0] =	ssyncset.done @!p0 $0x0  }
0xd5: {  	[sflag:s0] =	ssyncadd.s32 @!p0 s1  }
0xd6: {  	[bflag:$0x3] =	sbarrier.arrive $0xFFFF  }
0xd7: {  	_ =	shalt  }

// kernel: kernel.9.cloned.1.call-start
scs
__scs_entry_jumppad:
0x0: {  	(pc) =	sbr.rel $0x88, $3  }
0x1: {  	(tag) =	ssettag $0x0;
	lr =	simm.s32 $0x1  }
0x2: {  	[smem:$0x3F9C] =	sst lr;
	_ =	strace $0xD0000000  }
0x3: {  	_ = 	snop  }
0x4: {  	_ = 	snop  }
0x5: {  	_ = 	snop  }
0x6: {  	_ = 	snop  }
0x7: {  	_ = 	snop  }
__scs_overlays_trampoline_lowered:
0x8: {  	[smem:$0x3FAB] =	sst s0  }
0x9: {  	[smem:$0x3FAC] =	sst s1  }
0xa: {  	[smem:$0x3FAD] =	sst s2  }
0xb: {  	[smem:$0x3FAE] =	sst s3  }
0xc: {  	[smem:$0x3FAF] =	sst s4  }
0xd: {  	[smem:$0x3FB0] =	sst s5  }
0xe: {  	[smem:$0x3FB1] =	sst s6  }
0xf: {  	[smem:$0x3FB2] =	sst s7  }
0x10: {  	[smem:$0x3FB3] =	sst s8  }
0x11: {  	[smem:$0x3FB4] =	sst s9;
	s0 =	simm.s32 @!p0 $0x0  }
0x12: {  	s1 =	sld [smem:$0x3F9A];
	s0 =	simm.s32 @p0 $0x1  }
0x13: {  	[smem:$0x3FB5] =	sst s0;
	s0 =	simm.s32 @!p1 $0x0  }
0x14: {  	s2 =	sld [smem:$0x3F99];
	s0 =	simm.s32 @p1 $0x1  }
0x15: {  	[smem:$0x3FB6] =	sst s0;
	s0 =	simm.s32 @!p2 $0x0  }
0x16: {  	s3 =	sld [smem:$0x3FDB];
	s0 =	simm.s32 @p2 $0x1  }
0x17: {  	s4 =	simm.s32 $0x1BF5;
	[smem:$0x3FB8] =	sst s0  }
0x18: {  	s0 =	sld [smem:$0x3F9B];
	_ =	swait.ge [sflag:s4], $0x0  }
0x19: {  	s7 =	sld [smem:$0x3F9C]  }
0x1a: {  	s8 =	sadd.s32 $0xFFFFE003, lr  }
0x1b: {  	s9 =	sadd.s32 $0xFFFFFEF7, lr;
	s5 =	simm.s32 $0xFFFFFFFF;
	p2 =	slt.u32 s8, $0xFFFFF086  }
0x1c: {  	p1 =	slt.u32 s9, $0xF7A;
	s5 =	simm.s32 @!p2 $0x0  }
0x1d: {  	s5 =	simm.s32 @p1 $0x1;
	p0 =	seq.s32 s7, s2  }
0x1e: {  	s7 =	smul.u32 @!p0 $0xF7A, s2;
	p2 =	seq.s32 @!p0 s5, $0x0  }
0x1f: {  	s9 =	smul.u32 $0xF7A, s1;
	s8 =	simm.s32 @!p0 $0x1BF5;
	p2 =	por !p2, p0  }
0x20: {  	[sflag:s8] =	ssyncset.s32 @!p0 $0xFFFFF086;
	s6 =	sadd.s32 @!p0 s3, s7;
	s7 =	simm.s32 @!p0 $0x108  }
0x21: {  	s3 =	sadd.s32 s3, s9;
	s6 =	sadd.s32 @!p0 $0x88, s6;
	s7 =	simm.s32 @p2 $0x1082  }
0x22: {  	[simem:s7], [sflag:s8] =	dma.local @!p0 [hbm:s6], $0xF7A  }
0x23: {  	s9 =	sor.u32 $0xD0000000, s2;
	s6 =	simm.s32 $0x108;
	_ =	swait.ge @!p0 [sflag:s8], $0x0  }
0x24: {  	s3 =	sadd.s32 $0x88, s3;
	s6 =	simm.s32 @!p1 $0x1082;
	[sflag:s4] =	ssyncset.s32 $0xFFFFF086  }
0x25: {  	[simem:s6], [sflag:s4] =	dma.local [hbm:s3], $0xF7A  }
0x26: {  	[smem:$0x3F9C] =	sst s1;
	(tag) =	ssettag s2;
	_ =	strace s9  }
0x27: {  	s1 =	sld [smem:$0x3FAC]  }
0x28: {  	s2 =	sld [smem:$0x3FAD]  }
0x29: {  	s4 =	sld [smem:$0x3FAF]  }
0x2a: {  	p0 =	seq.s32 s5, $0x0;
	s5 =	sld [smem:$0x3FB0]  }
0x2b: {  	s6 =	sld [smem:$0x3FB1]  }
0x2c: {  	s7 =	sld [smem:$0x3FB2]  }
0x2d: {  	s3 =	simm.s32 $0x108;
	s8 =	sld [smem:$0x3FB3]  }
0x2e: {  	s3 =	simm.s32 @!p0 $0x1082;
	s9 =	sld [smem:$0x3FB4]  }
0x2f: {  	lr =	sadd.s32 s0, s3;
	s0 =	sld [smem:$0x3FAB]  }
0x30: {  	s3 =	sld [smem:$0x3FAE]  }
0x31: {  	[smem:$0x3FB7] =	sst s10  }
0x32: {  	s10 =	sld [smem:$0x3FB5];
	_ =	sdelay $0x3  }
0x33: {  	p0 =	seq.s32 s10, $0x1;
	s10 =	sld [smem:$0x3FB7];
	_ =	sdelay $0x3  }
0x34: {  	[smem:$0x3FB7] =	sst s10  }
0x35: {  	s10 =	sld [smem:$0x3FB6];
	_ =	sdelay $0x3  }
0x36: {  	p1 =	seq.s32 s10, $0x1;
	s10 =	sld [smem:$0x3FB7];
	_ =	sdelay $0x3  }
0x37: {  	[smem:$0x3FB7] =	sst s10  }
0x38: {  	s10 =	sld [smem:$0x3FB8]  }
0x39: {  	_ = 	snop;
	(pc) =	sbr.ind lr, $3  }
0x3a: {  	_ = 	snop  }
0x3b: {  	_ = 	snop  }
0x3c: {  	p2 =	seq.s32 s10, $0x1;
	s10 =	sld [smem:$0x3FB7]  }
0x3d: {  	_ =	shalt  }
0x3e: {  	_ =	shalt  }
0x3f: {  	_ =	shalt  }
0x40: {  	_ =	shalt  }
0x41: {  	_ =	shalt  }
0x42: {  	_ =	shalt  }
0x43: {  	_ =	shalt  }
0x44: {  	_ =	shalt  }
0x45: {  	_ =	shalt  }
0x46: {  	_ =	shalt  }
0x47: {  	_ =	shalt  }
0x48: {  	_ =	shalt  }
0x49: {  	_ =	shalt  }
0x4a: {  	_ =	shalt  }
0x4b: {  	_ =	shalt  }
0x4c: {  	_ =	shalt  }
0x4d: {  	_ =	shalt  }
0x4e: {  	_ =	shalt  }
0x4f: {  	_ =	shalt  }
0x50: {  	_ =	shalt  }
0x51: {  	_ =	shalt  }
0x52: {  	_ =	shalt  }
0x53: {  	_ =	shalt  }
0x54: {  	_ =	shalt  }
0x55: {  	_ =	shalt  }
0x56: {  	_ =	shalt  }
0x57: {  	_ =	shalt  }
0x58: {  	_ =	shalt  }
0x59: {  	_ =	shalt  }
0x5a: {  	_ =	shalt  }
0x5b: {  	_ =	shalt  }
0x5c: {  	_ =	shalt  }
0x5d: {  	_ =	shalt  }
0x5e: {  	_ =	shalt  }
0x5f: {  	_ =	shalt  }
0x60: {  	_ =	shalt  }
0x61: {  	_ =	shalt  }
0x62: {  	_ =	shalt  }
0x63: {  	_ =	shalt  }
0x64: {  	_ =	shalt  }
0x65: {  	_ =	shalt  }
0x66: {  	_ =	shalt  }
0x67: {  	_ =	shalt  }
0x68: {  	_ =	shalt  }
0x69: {  	_ =	shalt  }
0x6a: {  	_ =	shalt  }
0x6b: {  	_ =	shalt  }
0x6c: {  	_ =	shalt  }
0x6d: {  	_ =	shalt  }
0x6e: {  	_ =	shalt  }
0x6f: {  	_ =	shalt  }
0x70: {  	_ =	shalt  }
0x71: {  	_ =	shalt  }
0x72: {  	_ =	shalt  }
0x73: {  	_ =	shalt  }
0x74: {  	_ =	shalt  }
0x75: {  	_ =	shalt  }
0x76: {  	_ =	shalt  }
0x77: {  	_ =	shalt  }
0x78: {  	_ =	shalt  }
0x79: {  	_ =	shalt  }
0x7a: {  	_ =	shalt  }
0x7b: {  	_ =	shalt  }
0x7c: {  	_ =	shalt  }
0x7d: {  	_ =	shalt  }
0x7e: {  	_ =	shalt  }
0x7f: {  	_ =	shalt  }
0x80: {  	_ =	shalt  }
0x81: {  	_ =	shalt  }
0x82: {  	_ =	shalt  }
0x83: {  	_ =	shalt  }
0x84: {  	_ =	shalt  }
0x85: {  	_ =	shalt  }
0x86: {  	_ =	shalt  }
0x87: {  	_ =	shalt  }
.Lfunc_end0:
.L_simem_size_0:
called_computation.1_lowered:
.L_overlay_start_0:
0x88: {  	s2 =	sld [smem:$0x3FD9]  }
0x89: {  	s3 =	sld [smem:$0x3FFE];
	_ =	sdelay $0x1  }
0x8a: {  	s1 =	srdreg.scid  }
0x8b: {  	s0 =	sand.u32 $0x1, s1  }
0x8c: {  	s17 =	sshll.u32 s0, $0xA;
	s2 =	sadd.s32 s3, s2  }
0x8d: {  	s2 =	sadd.s32 s2, s17  }
0x8e: {  	[smem:$0x3FC3] =	sst s2  }
0x8f: {  	_ = 	snop  }
0x90: {  	s2 =	sld [smem:$0x3FD0];
	(tm) =	ssettm $0x1  }
0x91: {  	s18 =	sld [smem:$0x3FFB];
	_ =	sdelay $0x3  }
0x92: {  	_ =	strace s18  }
0x93: {  	s3 =	sld [smem:$0x3FFC];
	_ =	sdelay $0x3  }
0x94: {  	_ =	strace s3  }
0x95: {  	s3 =	sld [smem:$0x3FFD];
	_ =	sdelay $0x3  }
0x96: {  	_ =	strace s3  }
0x97: {  	_ =	strace $0x8FFFFFFF  }
0x98: {  	s19 =	sld [smem:$0x3FDB];
	_ =	sdelay $0x1  }
0x99: {  	s4 =	simm.s32 $_scs_section_size  }
0x9a: {  	s5 =	simm.s32 $_size__tile_overlayer_lowered;
	s6 =	simm.s32 $_tile_overlayer_lowered  }
0x9b: {  	s22 =	simm.s32 $0x1BFF;
	s21 =	sshll.u32 s6, $0x1;
	s3 =	sadd.s32 s4, s19  }
0x9c: {  	s7 =	simm.s32 $0x0;
	s20 =	sshll.u32 s5, $0x1;
	s5 =	sadd.s32 s21, s3  }
0x9d: {  	[timem:s7], [sflag:s22] =	dma.local [hbm:s5], s20  }
0x9e: {  	_ =	swait.ge [sflag:s22], s20  }
0x9f: {  	s4 =	ssub.s32 $0x0, s20;
	[sflag:s22] =	ssyncset.done $0x0  }
0xa0: {  	[sflag:s22] =	ssyncadd.s32 s4;
	_ =	sdelay $0x1  }
0xa1: {  	s23 =	simm.s32 $0x1B8B  }
0xa2: {  	_ =	swait.ge [sflag:s23], $0x1  }
0xa3: {  	[sflag:s23] =	ssyncset.done $0x0  }
0xa4: {  	s25 =	simm.s32 $0x1B8E;
	s24 =	sld [smem:$0x3FFE];
	[sflag:s23] =	ssyncadd.s32 $0xFFFFFFFF  }
0xa5: {  	s26 =	simm.s32 $execute0_lowered;
	[smem:$0x3FD2] =	sst s25  }
0xa6: {  	s5 =	sshll.u32 s26, $0x1;
	_ =	strace $0x80000049;
	[dreg:$0x1] =	wrdreg $0xFFFFFFFF  }
0xa7: {  	s28 =	simm.s32 $_size_execute0_lowered;
	s3 =	sadd.s32 s3, s5;
	[dreg:$0x0] =	wrdreg $0x0  }
0xa8: {  	s5 =	sshll.u32 s28, $0x1;
	[dreg:$0x2] =	wrdreg s3  }
0xa9: {  	[dreg:$0x3] =	wrdreg s5  }
0xaa: {  	[dreg:$0x4] =	wrdreg $0xC0  }
0xab: {  	_ =	task [dreg:s7], $0x5FFFF  }
0xac: {  	[dreg:$0x1] =	wrdreg $0xFFFFFFFF  }
0xad: {  	[dreg:$0x0] =	wrdreg $0x60  }
0xae: {  	[dreg:$0x2] =	wrdreg s24  }
0xaf: {  	[dreg:$0x3] =	wrdreg s2  }
0xb0: {  	[dreg:$0x4] =	wrdreg $0x93000  }
0xb1: {  	[dreg:$0x5] =	wrdreg $0x9  }
0xb2: {  	_ =	task.clear_ibuf [dreg:s7], $0x6FFFF;
	_ =	strace $0x90000049  }
0xb3: {  	s29 =	simm.s32 $0x9;
	_ =	strace $0x8000004B  }
0xb4: {  	_ =	swait.ge [sflag:s29], $0x1  }
0xb5: {  	[sflag:s29] =	ssyncadd.s32 $0xFFFFFFFF  }
0xb6: {  	_ =	strace $0x9000004B  }
0xb7: {  	_ =	sfence  }
0xb8: {  	s30 =	sld [smem:$0x0];
	_ =	sdelay $0x2  }
0xb9: {  	s31 =	sshll.u32 s1, $0xD;
	s1 =	sshrl.u32 s1, $0x2  }
0xba: {  	s3 =	sand.u32 $0x4000, s31;
	s1 =	sadd.s32 s1, s30  }
0xbb: {  	s0 =	sor.u32 s3, s0;
	s1 =	sshll.u32 s1, $0x11  }
0xbc: {  	s0 =	sor.u32 s1, s0  }
0xbd: {  	s0 =	sadd.s32 $0x8F2B, s0  }
0xbe: {  	[sflag:s0] =	ssyncadd.remote.s32 $0x1  }
0xbf: {  	_ =	sfence.sel $0xFFFF  }
0xc0: {  	[dreg:$0x0] =	wrdreg $0xFFFFFFFF;
	(pc) =	sbr.abs _section_cstart, $3  }
0xc1: {  	[dreg:$0x1] =	wrdreg $0xFFFFFFFF  }
0xc2: {  	_ =	task.clear_ibuf [dreg:s7], $0x2FFFF;
	_ =	strace $0x9FFFFFFF  }
0xc3: {  	(tm) =	ssettm $0x7FFFFFFF  }
tec
execute0_lowered:
.L_overlay_start_1:
0x0: {  	(tag) =	ssettag $0x1  }
0x1: {  	s0 =	rddreg [dreg:$0x0]  }
0x2: {  	s1 =	rddreg [dreg:$0x1]  }
0x3: {  	s2 =	rddreg [dreg:$0x2]  }
0x4: {  	s3 =	simm.s32 $0x0;
	s4 =	srdreg.scid;
	s11 =	stileid.u32  }
0x5: {  	s28 =	simm.s32 $0x50;
	s29 =	simm.s32 $0x2A00;
	s30 =	simm.s32 $0x200  }
0x6: {  	s31 =	simm.s32 $0x1;
	[smem:$0x7FF] =	sst s3;
	s5 =	sadd.s32 $0xC00, s0  }
0x7: {  	s6 =	sadd.s32 $0xAA00, s0;
	s4 =	sand.u32 $0x1, s4;
	s9 =	smul.u32 $0x50000, s11  }
0x8: {  	s7 =	sadd.s32 $0x34800, s0;
	s10 =	sadd.s32 $0x5BA00, s0;
	s15 =	smul.u32 $0x14000, s11  }
0x9: {  	s0 =	sadd.s32 $0x5C800, s0;
	s22 =	sshll.u32 s11, $0x1;
	_ =	strace $0x8000004A  }
0xa: {  	s8 =	ssub.s32 $0x2, s4;
	[dreg:$0x4] =	wrdreg s10;
	s10 =	sor.u32 s4, s22  }
0xb: {  	s4 =	smul.u32 $0x140000, s4;
	s21 =	sshrl.u32 s8, $0x1;
	s23 =	sshrl.u32 s9, $0x2  }
0xc: {  	s16 =	sadd.s32 $0x4000, s15;
	s9 =	smul.u32 $0x2710, s10;
	s17 =	sadd.s32 $0x8000, s15  }
0xd: {  	s18 =	sadd.s32 $0xC000, s15;
	s19 =	sadd.s32 $0x10000, s15;
	s8 =	ssub.s32 s8, s21  }
0xe: {  	s10 =	sadd.s32 s23, s2;
	s11 =	sadd.s32 s16, s2;
	s12 =	sadd.s32 s17, s2  }
0xf: {  	s13 =	sadd.s32 s18, s2;
	s14 =	sadd.s32 s19, s2;
	s15 =	sadd.s32 s15, s4  }
0x10: {  	s16 =	sadd.s32 s4, s16;
	s25 =	sadd.s32 s4, s17;
	s26 =	sadd.s32 s4, s18  }
0x11: {  	s4 =	sadd.s32 s4, s19;
	s23 =	simm.s32 $0x0;
	s20 =	sshrl.u32 s9, $0x3  }
0x12: {  	s15 =	sshrl.u32 s15, $0x3;
	s24 =	sshrl.u32 s16, $0x3;
	s21 =	sadd.s32 s5, s20  }
0x13: {  	s16 =	sshrl.u32 s26, $0x3;
	s20 =	sadd.s32 s6, s20;
	[dreg:$0x5] =	wrdreg s21  }
0x14: {  	s4 =	sshrl.u32 s4, $0x3;
	s15 =	sadd.s32 s0, s15;
	[dreg:$0x6] =	wrdreg s20  }
0x15: {  	s22 =	smax.u32 s8, $0x1;
	s26 =	simm.s32 $0x100;
	[dreg:$0x7] =	wrdreg s15  }
0x16: {  	s15 =	sadd.s32 s0, s24;
	s20 =	sadd.s32 s0, s16;
	s21 =	sadd.s32 s0, s4  }
0x17: {  	s24 =	simm.s32 $0x3;
	[dreg:$0x8] =	wrdreg s15;
	s15 =	sshrl.u32 s25, $0x3  }
0x18: {  	v0 =	vimm.f32 $0.0e+00;
	s25 =	simm.s32 $0x5300;
	s19 =	sadd.s32 s0, s15;
	s0 =	simm.s32 $0x2  }
.LBB2_1:
0x19: {  	s4 =	rddreg [dreg:$0x4];
	s8 =	simm.s32 $0x5200  }
0x1a: {  	[tilespmem:s8], [sflag:$0x3] =	stream.linear.gather [hbm4b:s4+s3], $0x100, $0x38;
	[tilespmem:$0x1D300] =	vst v63  }
0x1b: {  	_ =	swait.ge [sflag:s24], $0x100  }
0x1c: {  	[sflag:s24] =	ssyncset.done $0x0  }
0x1d: {  	[sflag:s24] =	ssyncadd.s32 $0xFFFFFF00  }
0x1e: {  	v1 =	vld [tilespmem:$0x5200]  }
0x1f: {  	v2 =	vld [tilespmem:$0x5210]  }
0x20: {  	v3 =	vld [tilespmem:$0x5220]  }
0x21: {  	v4 =	vld [tilespmem:$0x5230]  }
0x22: {  	v5 =	vld [tilespmem:$0x5240]  }
0x23: {  	v6 =	vld [tilespmem:$0x5250]  }
0x24: {  	v7 =	vld [tilespmem:$0x5260]  }
0x25: {  	v8 =	vld [tilespmem:$0x5270]  }
0x26: {  	v9 =	vld [tilespmem:$0x5280]  }
0x27: {  	v10 =	vld [tilespmem:$0x5290]  }
0x28: {  	v11 =	vld [tilespmem:$0x52A0]  }
0x29: {  	v12 =	vld [tilespmem:$0x52B0]  }
0x2a: {  	v13 =	vld [tilespmem:$0x52C0]  }
0x2b: {  	s17 =	sand.u32 $0xFE00, s3;
	v14 =	vld [tilespmem:$0x52D0]  }
0x2c: {  	s18 =	sand.u32 $0x70, s3;
	s15 =	sshrl.u32 s17, $0x2;
	v15 =	vld [tilespmem:$0x52E0]  }
0x2d: {  	s4 =	simm.s32 $0x40;
	s8 =	simm.s32 $0x0;
	s15 =	sor.u32 s18, s15;
	v16 =	vld [tilespmem:$0x52F0]  }
.LBB2_2:
0x2e: {  	p0 =	sne.s32 s4, $0xFFC0  }
0x2f: {  	[tilespmem:s15+$0x5300] =	vst v0;
	s8 =	sadd.s32 $0x10, s8;
	s15 =	smov.u32 s4;
	s4 =	sadd.s32 $0x40, s4  }
.Ltmp0:
0x30: {  	(pc) =	sbr.rel @p0 .LBB2_2-.Ltmp0, $4  }
0x31: {  	_ = 	snop  }
0x32: {  	s15 =	sand.u32 $0xFE00, s15  }
0x33: {  	s16 =	sand.u32 $0x70, s8;
	s15 =	sshrl.u32 s15, $0x2  }
0x34: {  	s15 =	sor.u32 s16, s15  }
0x35: {  	[tilespmem:s15+$0x5300] =	vst v0  }
0x36: {  	[spmem:s10] =	stream.linear.scatter [tilespmem:s25], [sflag:$0x3], $0x4000, $0x38;
	[tilespmem:$0x1D300] =	vst v63  }
0x37: {  	_ =	swait.ge [sflag:s24], $0x4000  }
0x38: {  	[sflag:s24] =	ssyncset.done $0x0  }
0x39: {  	[sflag:s24] =	ssyncadd.s32 $0xFFFFC000  }
0x3a: {  	[spmem:s11] =	stream.linear.scatter [tilespmem:s25], [sflag:$0x3], $0x4000, $0x38;
	[tilespmem:$0x1D300] =	vst v63  }
0x3b: {  	_ =	swait.ge [sflag:s24], $0x4000  }
0x3c: {  	[sflag:s24] =	ssyncset.done $0x0  }
0x3d: {  	[sflag:s24] =	ssyncadd.s32 $0xFFFFC000  }
0x3e: {  	[spmem:s12] =	stream.linear.scatter [tilespmem:s25], [sflag:$0x3], $0x4000, $0x38;
	[tilespmem:$0x1D300] =	vst v63  }
0x3f: {  	_ =	swait.ge [sflag:s24], $0x4000  }
0x40: {  	[sflag:s24] =	ssyncset.done $0x0  }
0x41: {  	[sflag:s24] =	ssyncadd.s32 $0xFFFFC000  }
0x42: {  	[spmem:s13] =	stream.linear.scatter [tilespmem:s25], [sflag:$0x3], $0x4000, $0x38;
	[tilespmem:$0x1D300] =	vst v63  }
0x43: {  	_ =	swait.ge [sflag:s24], $0x4000  }
0x44: {  	[sflag:s24] =	ssyncset.done $0x0  }
0x45: {  	[sflag:s24] =	ssyncadd.s32 $0xFFFFC000  }
0x46: {  	[spmem:s14] =	stream.linear.scatter [tilespmem:s25], [sflag:$0x3], $0x4000, $0x38;
	[tilespmem:$0x1D300] =	vst v63  }
0x47: {  	_ =	swait.ge [sflag:s24], $0x4000  }
0x48: {  	[sflag:s24] =	ssyncset.done $0x0  }
0x49: {  	[sflag:s24] =	ssyncadd.s32 $0xFFFFC000  }
0x4a: {  	[bflag:$0x0] =	sbarrier.arrive $0xFFFF  }
0x4b: {  	s4 =	simm.s32 $0x0;
	s8 =	rddreg [dreg:$0x5]  }
0x4c: {  	[tilespmem:s4], [sflag:$0x3] =	stream.linear.gather [hbm4b:s8+s4], $0x50, $0x38;
	[tilespmem:$0x1D300] =	vst v63  }
0x4d: {  	_ =	swait.ge [sflag:s24], $0x50  }
0x4e: {  	[sflag:s24] =	ssyncset.done $0x0  }
0x4f: {  	s18 =	rddreg [dreg:$0x6];
	[sflag:s24] =	ssyncadd.s32 $0xFFFFFFB0  }
0x50: {  	[tilespmem:s26], [sflag:$0x3] =	stream.linear.gather [hbm4b:s18+s4], $0x50, $0x38;
	[tilespmem:$0x1D300] =	vst v63  }
0x51: {  	_ =	swait.ge [sflag:s24], $0x50  }
0x52: {  	[sflag:s24] =	ssyncset.done $0x0  }
0x53: {  	[sflag:s24] =	ssyncadd.s32 $0xFFFFFFB0  }
0x54: {  	[tilespmem:s29], [sflag:$0x2] =	stream.indirect.gather [hbm4b:s7+s28], $0x80, s26, s28, $0xb8;
	[tilespmem:$0x1D300] =	vst v63  }
.LBB2_4:
0x55: {  	s8 =	sshll.u32 s4, $0x7;
	s4 =	sadd.s32 $0x1, s4  }
0x56: {  	s15 =	smin.u32 s4, $0x7C  }
0x57: {  	s8 =	sand.u32 $0x80, s8;
	s15 =	smul.u32 $0x50, s15  }
0x58: {  	[tilespmem:s30], [sflag:$0x1] =	stream.indirect.gather [hbm4b:s1+s28], $0x80, s8, s28, $0xb8;
	[tilespmem:$0x1D300] =	vst v63  }
0x59: {  	s15 =	sadd.s32 s9, s15  }
0x5a: {  	s16 =	sshrl.u32 s15, $0x3  }
0x5b: {  	s18 =	sxor.u32 $0x80, s8;
	s17 =	sadd.s32 s5, s16  }
0x5c: {  	[tilespmem:s18], [sflag:$0x3] =	stream.linear.gather [hbm4b:s17+s3], $0x50, $0x38;
	[tilespmem:$0x1D300] =	vst v63  }
0x5d: {  	_ =	swait.ge [sflag:s24], $0x50  }
0x5e: {  	[sflag:s24] =	ssyncset.done $0x0  }
0x5f: {  	s15 =	sxor.u32 $0x180, s8;
	s16 =	sadd.s32 s6, s16;
	[sflag:s24] =	ssyncadd.s32 $0xFFFFFFB0  }
0x60: {  	[tilespmem:s15], [sflag:$0x3] =	stream.linear.gather [hbm4b:s16+s3], $0x50, $0x38;
	[tilespmem:$0x1D300] =	vst v63  }
0x61: {  	_ =	swait.ge [sflag:s24], $0x50  }
0x62: {  	[sflag:s24] =	ssyncset.done $0x0  }
0x63: {  	[sflag:s24] =	ssyncadd.s32 $0xFFFFFFB0  }
0x64: {  	_ =	swait.ge [sflag:s31], $0x2800  }
0x65: {  	[sflag:s31] =	ssyncset.done $0x0  }
0x66: {  	[sflag:s31] =	ssyncadd.s32 $0xFFFFD800  }
0x67: {  	_ =	swait.ge [sflag:s0], $0x2800  }
0x68: {  	[sflag:s0] =	ssyncset.done $0x0  }
0x69: {  	s16 =	simm.s32 $0xF0;
	[sflag:s0] =	ssyncadd.s32 $0xFFFFD800  }
0x6a: {  	v17 =	vld [tilespmem:s16+$0x2910]  }
0x6b: {  	v19 =	vld [tilespmem:s16+$0x2920]  }
0x6c: {  	v20 =	vld [tilespmem:s16+$0x2930]  }
0x6d: {  	v21 =	vld [tilespmem:s16+$0x2940]  }
0x6e: {  	v22 =	vld [tilespmem:s16+$0x2950]  }
0x6f: {  	v23 =	vld [tilespmem:s16+$0x2960]  }
0x70: {  	v27 =	vld [tilespmem:s16+$0x2980]  }
0x71: {  	v18 =	vld [tilespmem:s16+$0x110]  }
0x72: {  	v24 =	vld [tilespmem:s16+$0x120]  }
0x73: {  	v25 =	vld [tilespmem:s16+$0x130]  }
0x74: {  	v28 =	vld [tilespmem:s16+$0x140]  }
0x75: {  	v29 =	vld [tilespmem:s16+$0x2990]  }
0x76: {  	v30 =	vld [tilespmem:s16+$0x29A0]  }
0x77: {  	v32 =	vld [tilespmem:s16+$0x180]  }
0x78: {  	v34 =	vld [tilespmem:s16+$0x190]  }
0x79: {  	v37 =	vld [tilespmem:s16+$0x1A0]  }
0x7a: {  	v26 =	vld [tilespmem:s16+$0x2970];
	v31 =	vadd.f32 v17, v18  }
0x7b: {  	v19 =	vadd.f32 v19, v24;
	v21 =	vadd.f32 v21, v28;
	v28 =	vld [tilespmem:s16+$0x160]  }
0x7c: {  	v20 =	vadd.f32 v20, v25;
	v25 =	vld [tilespmem:s16+$0x150];
	v27 =	vadd.f32 v27, v32  }
0x7d: {  	v29 =	vadd.f32 v29, v34;
	v24 =	vmul.f32 v31, v1;
	v19 =	vmul.f32 v19, v2;
	v31 =	vld [tilespmem:s16+$0x170]  }
0x7e: {  	v30 =	vadd.f32 v30, v37;
	v20 =	vmul.f32 v20, v3;
	v21 =	vmul.f32 v21, v4  }
0x7f: {  	v18 =	vld [tilespmem:s16+$0x29B0];
	v61 =	vmul.f32 v27, v8;
	v24 =	vadd.f32 v24, v9;
	v19 =	vadd.f32 v19, v10  }
0x80: {  	v17 =	vld [tilespmem:s16+$0x29C0];
	v63 =	vmul.f32 v29, v1;
	v20 =	vadd.f32 v20, v11;
	v28 =	vadd.f32 v23, v28  }
0x81: {  	v32 =	vld [tilespmem:s16+$0x1B0];
	v36 =	vadd.f32 v21, v12;
	v59 =	vadd.f32 v22, v25;
	v33 =	vmul.f32 $3.000000120e-01, v24  }
0x82: {  	v27 =	vld [tilespmem:s16+$0x1D0];
	v35 =	vmul.f32 $3.000000120e-01, v19;
	v26 =	vadd.f32 v26, v31;
	v28 =	vmul.f32 v28, v6  }
0x83: {  	v21 =	vld [tilespmem:s16+$0x29E0];
	v39 =	vmax.f32 v24, v33;
	v24 =	vmul.f32 $3.000000120e-01, v20;
	v33 =	vmul.f32 v59, v5  }
0x84: {  	v22 =	vld [tilespmem:s16+$0x29D0];
	v25 =	vmax.f32 v19, v35;
	v19 =	vmul.f32 $3.000000120e-01, v36;
	v26 =	vmul.f32 v26, v7  }
0x85: {  	v41 =	vmul.f32 v30, v2;
	v60 =	vadd.f32 v28, v14;
	v28 =	vld [tilespmem:s16+$0x1C0];
	v31 =	vadd.f32 v33, v13  }
0x86: {  	v24 =	vmax.f32 v20, v24;
	v20 =	vld [tilespmem:s16+$0x29F0];
	v23 =	vmax.f32 v36, v19;
	v36 =	vadd.f32 v26, v15  }
0x87: {  	v19 =	vld [tilespmem:s16+$0x2A00];
	v33 =	vadd.f32 v61, v16;
	v40 =	vmul.f32 $3.000000120e-01, v60;
	v62 =	vmul.f32 $3.000000120e-01, v31  }
0x88: {  	v34 =	vadd.f32 v63, v9;
	v35 =	vadd.f32 v41, v10;
	v26 =	vld [tilespmem:s16+$0x1E0];
	v38 =	vmul.f32 $3.000000120e-01, v36  }
0x89: {  	s17 =	simm.s32 $0x7C0;
	[tilespmem:s16+$0x110] =	vst v39;
	v37 =	vmul.f32 $3.000000120e-01, v33;
	v30 =	vmax.f32 v60, v40;
	v29 =	vmax.f32 v31, v62;
	v31 =	vld [tilespmem:s16+$0x1F0]  }
.LBB2_5:
0x8a: {  	s18 =	sshra.s32 s17, $0x2;
	p0 =	sne.s32 s17, $0x9FC0;
	[tilespmem:s16+$0x120] =	vst v25;
	v25 =	vmax.f32 v36, v38;
	v36 =	vmul.f32 $3.000000120e-01, v34;
	v18 =	vadd.f32 v18, v32;
	v32 =	vld [tilespmem:s16+$0x200]  }
0x8b: {  	v38 =	vld [tilespmem:s18+$0x2910];
	[tilespmem:s16+$0x130] =	vst v24;
	v24 =	vmax.f32 v33, v37;
	v33 =	vmul.f32 $3.000000120e-01, v35;
	v17 =	vadd.f32 v17, v28  }
0x8c: {  	v28 =	vld [tilespmem:s18+$0x2920];
	[tilespmem:s16+$0x140] =	vst v23;
	v23 =	vmax.f32 v34, v36;
	v18 =	vmul.f32 v18, v3;
	v22 =	vadd.f32 v22, v27  }
0x8d: {  	v27 =	vld [tilespmem:s18+$0x2930];
	[tilespmem:s16+$0x150] =	vst v29;
	v29 =	vmax.f32 v35, v33;
	v17 =	vmul.f32 v17, v4;
	v21 =	vadd.f32 v21, v26  }
0x8e: {  	v26 =	vld [tilespmem:s18+$0x2940];
	[tilespmem:s16+$0x160] =	vst v30;
	v18 =	vadd.f32 v18, v11;
	v22 =	vmul.f32 v22, v5;
	v20 =	vadd.f32 v20, v31  }
0x8f: {  	v30 =	vld [tilespmem:s18+$0x2950];
	[tilespmem:s16+$0x170] =	vst v25;
	v17 =	vadd.f32 v17, v12;
	v21 =	vmul.f32 v21, v6;
	v19 =	vadd.f32 v19, v32  }
0x90: {  	v31 =	vld [tilespmem:s18+$0x2960];
	[tilespmem:s16+$0x180] =	vst v24;
	v24 =	vmul.f32 $3.000000120e-01, v18;
	v22 =	vadd.f32 v22, v13;
	v20 =	vmul.f32 v20, v7  }
0x91: {  	v32 =	vld [tilespmem:s18+$0x2970];
	[tilespmem:s16+$0x190] =	vst v23;
	v23 =	vmul.f32 $3.000000120e-01, v17;
	v21 =	vadd.f32 v21, v14;
	v19 =	vmul.f32 v19, v8  }
0x92: {  	v33 =	vld [tilespmem:s18+$0x2980];
	[tilespmem:s16+$0x1A0] =	vst v29;
	v18 =	vmax.f32 v18, v24;
	v24 =	vmul.f32 $3.000000120e-01, v22;
	v20 =	vadd.f32 v20, v15  }
0x93: {  	v25 =	vld [tilespmem:s18+$0x110];
	[tilespmem:s16+$0x1B0] =	vst v18;
	v17 =	vmax.f32 v17, v23;
	v18 =	vmul.f32 $3.000000120e-01, v21;
	v19 =	vadd.f32 v19, v16  }
0x94: {  	v23 =	vld [tilespmem:s18+$0x120];
	[tilespmem:s16+$0x1C0] =	vst v17;
	v17 =	vmax.f32 v22, v24;
	v22 =	vmul.f32 $3.000000120e-01, v20  }
0x95: {  	v24 =	vld [tilespmem:s18+$0x130];
	[tilespmem:s16+$0x1D0] =	vst v17;
	v17 =	vmax.f32 v21, v18;
	v18 =	vmul.f32 $3.000000120e-01, v19  }
0x96: {  	v21 =	vld [tilespmem:s18+$0x140];
	[tilespmem:s16+$0x1E0] =	vst v17;
	v17 =	vmax.f32 v20, v22  }
0x97: {  	v29 =	vld [tilespmem:s18+$0x2990];
	[tilespmem:s16+$0x1F0] =	vst v17;
	v17 =	vmax.f32 v19, v18  }
0x98: {  	v19 =	vadd.f32 v38, v25;
	v34 =	vld [tilespmem:s18+$0x29A0];
	[tilespmem:s16+$0x200] =	vst v17;
	s16 =	smov.u32 s18  }
0x99: {  	v20 =	vadd.f32 v28, v23;
	v18 =	vld [tilespmem:s16+$0x29B0]  }
0x9a: {  	v19 =	vmul.f32 v19, v1;
	v22 =	vadd.f32 v27, v24;
	v17 =	vld [tilespmem:s16+$0x29C0]  }
0x9b: {  	v20 =	vmul.f32 v20, v2;
	v21 =	vadd.f32 v26, v21;
	v23 =	vld [tilespmem:s16+$0x150]  }
0x9c: {  	v19 =	vadd.f32 v19, v9;
	v22 =	vmul.f32 v22, v3;
	v24 =	vld [tilespmem:s16+$0x160]  }
0x9d: {  	v20 =	vadd.f32 v20, v10;
	v21 =	vmul.f32 v21, v4;
	v26 =	vld [tilespmem:s16+$0x170]  }
0x9e: {  	v25 =	vmul.f32 $3.000000120e-01, v19;
	v27 =	vadd.f32 v22, v11;
	v28 =	vld [tilespmem:s16+$0x180]  }
0x9f: {  	v22 =	vmul.f32 $3.000000120e-01, v20;
	v35 =	vadd.f32 v21, v12;
	v36 =	vld [tilespmem:s16+$0x190]  }
0xa0: {  	v37 =	vmax.f32 v19, v25;
	v19 =	vmul.f32 $3.000000120e-01, v27;
	v21 =	vadd.f32 v30, v23;
	v30 =	vld [tilespmem:s16+$0x1A0]  }
0xa1: {  	v25 =	vmax.f32 v20, v22;
	v20 =	vmul.f32 $3.000000120e-01, v35;
	v31 =	vadd.f32 v31, v24;
	v22 =	vld [tilespmem:s16+$0x29D0]  }
0xa2: {  	v24 =	vmax.f32 v27, v19;
	v19 =	vmul.f32 v21, v5;
	v26 =	vadd.f32 v32, v26;
	v21 =	vld [tilespmem:s16+$0x29E0]  }
0xa3: {  	v23 =	vmax.f32 v35, v20;
	v27 =	vmul.f32 v31, v6;
	v28 =	vadd.f32 v33, v28;
	v20 =	vld [tilespmem:s16+$0x29F0]  }
0xa4: {  	v31 =	vadd.f32 v19, v13;
	v26 =	vmul.f32 v26, v7;
	v29 =	vadd.f32 v29, v36;
	v19 =	vld [tilespmem:s16+$0x2A00]  }
.Ltmp1:
0xa5: {  	v35 =	vadd.f32 v27, v14;
	v27 =	vmul.f32 v28, v8;
	v30 =	vadd.f32 v34, v30;
	v32 =	vld [tilespmem:s16+$0x1B0];
	(pc) =	sbr.rel @p0 .LBB2_5-.Ltmp1, $4  }
0xa6: {  	v34 =	vmul.f32 $3.000000120e-01, v31;
	v36 =	vadd.f32 v26, v15;
	v26 =	vmul.f32 v29, v1;
	v28 =	vld [tilespmem:s16+$0x1C0]  }
0xa7: {  	v39 =	vmul.f32 $3.000000120e-01, v35;
	v33 =	vadd.f32 v27, v16;
	v40 =	vmul.f32 v30, v2;
	v27 =	vld [tilespmem:s16+$0x1D0]  }
0xa8: {  	v29 =	vmax.f32 v31, v34;
	v38 =	vmul.f32 $3.000000120e-01, v36;
	v34 =	vadd.f32 v26, v9;
	v26 =	vld [tilespmem:s16+$0x1E0]  }
0xa9: {  	s17 =	sadd.s32 $0x400, s17;
	[tilespmem:s16+$0x110] =	vst v37;
	v30 =	vmax.f32 v35, v39;
	v37 =	vmul.f32 $3.000000120e-01, v33;
	v35 =	vadd.f32 v40, v10;
	v31 =	vld [tilespmem:s16+$0x1F0]  }
0xaa: {  	[tilespmem:s16+$0x120] =	vst v25;
	v53 =	vmax.f32 v36, v38;
	v54 =	vmul.f32 $3.000000120e-01, v34;
	v18 =	vadd.f32 v18, v32;
	v55 =	vld [tilespmem:s16+$0x200]  }
0xab: {  	[tilespmem:s16+$0x130] =	vst v24;
	v56 =	vmax.f32 v33, v37;
	v57 =	vmul.f32 $3.000000120e-01, v35;
	v17 =	vadd.f32 v17, v28  }
0xac: {  	[tilespmem:s16+$0x140] =	vst v23;
	v58 =	vmax.f32 v34, v54;
	v18 =	vmul.f32 v18, v3;
	v22 =	vadd.f32 v22, v27  }
0xad: {  	[tilespmem:s16+$0x150] =	vst v29;
	v59 =	vmax.f32 v35, v57;
	v17 =	vmul.f32 v17, v4;
	v21 =	vadd.f32 v21, v26  }
0xae: {  	[tilespmem:s16+$0x160] =	vst v30;
	v18 =	vadd.f32 v18, v11;
	v22 =	vmul.f32 v22, v5;
	v20 =	vadd.f32 v20, v31  }
0xaf: {  	[tilespmem:s16+$0x170] =	vst v53;
	v17 =	vadd.f32 v17, v12;
	v21 =	vmul.f32 v21, v6;
	v19 =	vadd.f32 v19, v55  }
0xb0: {  	[tilespmem:s16+$0x180] =	vst v56;
	v60 =	vmul.f32 $3.000000120e-01, v18;
	v22 =	vadd.f32 v22, v13;
	v20 =	vmul.f32 v20, v7  }
0xb1: {  	[tilespmem:s16+$0x190] =	vst v58;
	v61 =	vmul.f32 $3.000000120e-01, v17;
	v21 =	vadd.f32 v21, v14;
	v19 =	vmul.f32 v19, v8  }
0xb2: {  	[tilespmem:s16+$0x1A0] =	vst v59;
	v18 =	vmax.f32 v18, v60;
	v62 =	vmul.f32 $3.000000120e-01, v22;
	v20 =	vadd.f32 v20, v15  }
0xb3: {  	[tilespmem:s16+$0x1B0] =	vst v18;
	v17 =	vmax.f32 v17, v61;
	v18 =	vmul.f32 $3.000000120e-01, v21;
	v19 =	vadd.f32 v19, v16  }
0xb4: {  	[tilespmem:s16+$0x1C0] =	vst v17;
	v17 =	vmax.f32 v22, v62;
	v63 =	vmul.f32 $3.000000120e-01, v20  }
0xb5: {  	[tilespmem:s16+$0x1D0] =	vst v17;
	v17 =	vmax.f32 v21, v18;
	v18 =	vmul.f32 $3.000000120e-01, v19  }
0xb6: {  	[tilespmem:s16+$0x1E0] =	vst v17;
	v17 =	vmax.f32 v20, v63  }
0xb7: {  	[tilespmem:s16+$0x1F0] =	vst v17;
	v17 =	vmax.f32 v19, v18  }
0xb8: {  	p0 =	sne.s32 s4, $0x7D;
	[tilespmem:s16+$0x200] =	vst v17  }
0xb9: {  	[tilespmem:s29], [sflag:$0x2] =	stream.indirect.gather [hbm4b:s7+s28], $0x80, s15, s28, $0xb8;
	[tilespmem:$0x1D300] =	vst v63  }
.Ltmp2:
0xba: {  	_ = 	snop;
	(pc) =	sbr.rel @p0 .LBB2_4-.Ltmp2, $4  }
0xbb: {  	[spmem:s2] =	stream.indirect.scatter.add.f32 [tilespmem:s30], [sflag:$0x3], $0x80, s8, s28, $0xb8;
	[tilespmem:$0x1D300] =	vst v63  }
0xbc: {  	_ =	swait.ge [sflag:s24], $0x2800  }
0xbd: {  	[sflag:s24] =	ssyncset.done $0x0  }
0xbe: {  	[sflag:s24] =	ssyncadd.s32 $0xFFFFD800  }
0xbf: {  	_ =	swait.ge [sflag:s0], $0x2800  }
0xc0: {  	[sflag:s0] =	ssyncset.done $0x0  }
0xc1: {  	s4 =	stileid.u32;
	[sflag:s0] =	ssyncadd.s32 $0xFFFFD800  }
0xc2: {  	s4 =	sshll.u32 s4, $0x6;
	[bflag:$0x0] =	sbarrier.arrive $0xFFFF  }
0xc3: {  	s8 =	sshrl.u32 s10, $0x3;
	s4 =	sor.u32 $0x1C03, s4;
	s15 =	rddreg [dreg:$0x7]  }
0xc4: {  	[hbm:s15], [sflag:s4] =	dma.local [spmem:s8], $0x800  }
0xc5: {  	_ =	swait.ge [sflag:s24], $0x800  }
0xc6: {  	[sflag:s24] =	ssyncset.done $0x0  }
0xc7: {  	s17 =	sshrl.u32 s11, $0x3;
	s18 =	rddreg [dreg:$0x8];
	[sflag:s24] =	ssyncadd.s32 $0xFFFFF800  }
0xc8: {  	[hbm:s18], [sflag:s4] =	dma.local [spmem:s17], $0x800  }
0xc9: {  	_ =	swait.ge [sflag:s24], $0x800  }
0xca: {  	[sflag:s24] =	ssyncset.done $0x0  }
0xcb: {  	s16 =	sshrl.u32 s12, $0x3;
	[sflag:s24] =	ssyncadd.s32 $0xFFFFF800  }
0xcc: {  	[hbm:s19], [sflag:s4] =	dma.local [spmem:s16], $0x800  }
0xcd: {  	_ =	swait.ge [sflag:s24], $0x800  }
0xce: {  	[sflag:s24] =	ssyncset.done $0x0  }
0xcf: {  	s17 =	sshrl.u32 s13, $0x3;
	[sflag:s24] =	ssyncadd.s32 $0xFFFFF800  }
0xd0: {  	[hbm:s20], [sflag:s4] =	dma.local [spmem:s17], $0x800  }
0xd1: {  	s23 =	sadd.s32 $0x1, s23;
	_ =	swait.ge [sflag:s24], $0x800  }
0xd2: {  	p0 =	sne.s32 s23, s22;
	[sflag:s24] =	ssyncset.done $0x0  }
.Ltmp3:
0xd3: {  	s18 =	sshrl.u32 s14, $0x3;
	[sflag:s24] =	ssyncadd.s32 $0xFFFFF800;
	(pc) =	sbr.rel @p0 .LBB2_1-.Ltmp3, $4  }
0xd4: {  	[hbm:s21], [sflag:s4] =	dma.local [spmem:s18], $0x800  }
0xd5: {  	_ =	swait.ge [sflag:s24], $0x800  }
0xd6: {  	[sflag:s24] =	ssyncset.done $0x0  }
0xd7: {  	[sflag:s24] =	ssyncadd.s32 $0xFFFFF800  }
0xd8: {  	_ =	sfence.sel $0x180000  }
0xd9: {  	[bflag:$0x0] =	sbarrier.arrive $0xFFFF  }
0xda: {  	_ =	strace $0x9000004A  }
0xdb: {  	s0 =	stileid.u32;
	[bflag:$0x2] =	sbarrier.arrive $0xFFFF  }
0xdc: {  	p0 =	sne.s32 s0, $0x0;
	s0 =	rddreg [dreg:$0x3]  }
0xdd: {  	s0 =	sadd.s32 @!p0 $0x100000, s0  }
0xde: {  	[sflag:s0] =	ssyncadd.tile.s32 @!p0 $0x1;
	_ =	shalt  }
.Lfunc_end2:
_tile_overlayer_lowered:
.L_overlay_start_2:
0xdf: {  	(tag) =	ssettag $0x2  }
0xe0: {  	s0 =	rddreg [dreg:$0x0];
	s2 =	stileid.u32  }
0xe1: {  	s1 =	rddreg [dreg:$0x1];
	p0 =	sne.s32 s2, $0x0  }
0xe2: {  	s3 =	rddreg [dreg:$0x2];
	[bflag:$0x3] =	sbarrier.arrive $0xFFFF;
	s2 =	simm.s32 @!p0 $0x1C03  }
0xe3: {  	[timem:s3], [sflag:s2] =	dma.local @!p0 [hbm:s0], s1  }
0xe4: {  	s0 =	simm.s32 @!p0 $0x3  }
0xe5: {  	_ =	swait.ge @!p0 [sflag:s0], s1  }
0xe6: {  	s1 =	ssub.s32 @!p0 $0x0, s1;
	[sflag:s0] =	ssyncset.done @!p0 $0x0  }
0xe7: {  	[sflag:s0] =	ssyncadd.s32 @!p0 s1  }
0xe8: {  	[bflag:$0x3] =	sbarrier.arrive $0xFFFF  }
0xe9: {  	_ =	shalt  }

</sc_bundles>
